<compile_context>
chip_gen: v7x
topology: tpu7x:2x2x1
jax: 0.10.2.dev20260603
libtpu: 0.0.44.dev20260713+nightly
codegen_flags: <defaults>
</compile_context>

<pallas_src>
import functools

import jax
import jax.numpy as jnp
from jax import lax
from jax.experimental import pallas as pl
from jax.experimental.pallas import tpu as pltpu
from jax.experimental.pallas import tpu_sc as plsc

_N_ROWS = 1000000
_BATCH = 16384
_DIM = 64
_PAD = 128
_NUM_CORES = 2
_NUM_SUBCORES = 16
_NUM_WORKERS = _NUM_CORES * _NUM_SUBCORES
_N_BKT = 7813
_BKT_PER_W = 245
_BKT_PAD = 248
_DEPTH = 8
_SROWS = 48
_OUT_ROWS = _BATCH + 64


def _make_gather():
  mesh = plsc.VectorSubcoreMesh(core_axis_name="c", subcore_axis_name="s")

  @functools.partial(
      pl.kernel,
      mesh=mesh,
      out_type=jax.ShapeDtypeStruct((_OUT_ROWS, _PAD), jnp.float32),
      scratch_types=[
          pltpu.VMEM((_BATCH,), jnp.int32),
          pltpu.VMEM((_BATCH + 16,), jnp.int32),
          pltpu.VMEM((_BATCH + 16,), jnp.int32),
          pltpu.VMEM((_DEPTH, _DIM, _PAD), jnp.float32),
          pltpu.VMEM((2, _SROWS, _PAD), jnp.float32),
          pltpu.VMEM((2, 64), jnp.int32),
      ] + [pltpu.SemaphoreType.DMA] * (_DEPTH + 2),
      compiler_params=pltpu.CompilerParams(
          use_tc_tiling_on_sc=True, needs_layout_passes=False),
  )
  def gather_kernel(tablet_hbm, idx_hbm, outp_hbm,
                    idx_v, rpk, jpk, grp, sbuf, jscat, *sems_all):
    sg = sems_all[:_DEPTH]
    sf = sems_all[_DEPTH:]
    wid = lax.axis_index("s") * _NUM_CORES + lax.axis_index("c")
    iota = lax.iota(jnp.int32, 16)

    pltpu.sync_copy(idx_hbm, idx_v)

    blo = _BKT_PER_W * wid
    row_lo = blo * _PAD
    row_hi = row_lo + _BKT_PER_W * _PAD

    def bin_body(g, cnt):
      rv = idx_v[pl.ds(g * 16, 16)]
      jv = iota + g * 16
      m = jnp.logical_and(rv >= row_lo, rv < row_hi)
      plsc.store_compressed(rpk.at[pl.ds(cnt, 16)], rv, mask=m)
      plsc.store_compressed(jpk.at[pl.ds(cnt, 16)], jv, mask=m)
      return cnt + plsc.all_reduce_population_count(m)[0]

    cnt = lax.fori_loop(0, _BATCH // 16, bin_body, jnp.int32(0))
    nvec = (cnt + 15) // 16

    for p in range(2):
      for q in range(4):
        jscat[p, pl.ds(q * 16, 16)] = jnp.full((16,), _BATCH, jnp.int32)

    def live(kb):
      return jnp.logical_and(kb < _BKT_PER_W, blo + kb < _N_BKT)

    def fetch(kb, b):
      off = pl.multiple_of((blo + kb) * _PAD, _PAD)
      pltpu.async_copy(tablet_hbm.at[:, pl.ds(off, _PAD)], grp.at[b], sg[b])

    def drain(b):
      pltpu.make_async_copy(
          tablet_hbm.at[:, pl.ds(0, _PAD)], grp.at[b], sg[b]).wait()

    def flush(p, fl):
      pltpu.async_copy(
          sbuf.at[p], outp_hbm.at[jscat.at[p, pl.ds(0, _SROWS)]], sf[p])

      @pl.when(fl >= 1)
      def _():
        pltpu.make_async_copy(
            sbuf.at[1 - p], outp_hbm.at[jscat.at[1 - p, pl.ds(0, _SROWS)]],
            sf[1 - p]).wait()

      for q in range(4):
        jscat[1 - p, pl.ds(q * 16, 16)] = jnp.full((16,), _BATCH, jnp.int32)

    for b in range(_DEPTH):
      @pl.when(live(jnp.int32(b)))
      def _(b=b):
        fetch(jnp.int32(b), b)

    def round_body(t, carry):
      for half in range(2):
        base_kb = t * _DEPTH + half * 4
        for i in range(4):
          @pl.when(live(base_kb + i))
          def _(half=half, i=i):
            drain(half * 4 + i)

        group_lo = (blo + base_kb) * _PAD

        def scan_body(g, carry2, group_lo=group_lo):
          srow, par, fl = carry2
          off16 = g * 16
          rv = rpk[pl.ds(off16, 16)]
          m = jnp.logical_and(
              (iota + off16) < cnt,
              jnp.logical_and(rv >= group_lo, rv < group_lo + 4 * _PAD))

          def w_cond(c):
            return plsc.all_reduce_population_count(c[0])[0] > 0

          def w_body(c):
            m, srow, par, fl = c
            l = plsc.all_reduce_ffs(m)[0]
            r = rpk[pl.ds(off16 + l, 16)][0]
            j = jpk[pl.ds(off16 + l, 16)][0]
            slot = jnp.bitwise_and(
                lax.shift_right_logical(r, 7) - blo, _DEPTH - 1)
            lv = jnp.full((16,), jnp.bitwise_and(r, _PAD - 1), jnp.int32)
            for q in range(_DIM // 16):
              cv = iota + q * 16
              vals = plsc.load_gather(grp.at[slot], [cv, lv])
              sbuf[par, srow, pl.ds(q * 16, 16)] = vals
            plsc.store_scatter(
                jscat.at[par], [jnp.full((16,), srow, jnp.int32)],
                jnp.full((16,), j, jnp.int32), mask=(iota == 0))
            srow = srow + 1
            full = srow >= _SROWS
            for p in range(2):
              @pl.when(jnp.logical_and(full, par == p))
              def _(p=p):
                flush(p, fl)
            flushed = jnp.where(full, 1, 0)
            new_par = jnp.where(full, 1 - par, par)
            new_srow = jnp.where(full, 0, srow)
            m = jnp.logical_and(m, iota != l)
            return (m, new_srow, new_par, fl + flushed)

          m, srow, par, fl = lax.while_loop(
              w_cond, w_body, (m, srow, par, fl))
          return (srow, par, fl)

        carry = lax.fori_loop(0, nvec, scan_body, carry)

        for i in range(4):
          @pl.when(live(base_kb + _DEPTH + i))
          def _(half=half, i=i, base_kb=base_kb):
            fetch(base_kb + _DEPTH + i, half * 4 + i)

      return carry

    carry = lax.fori_loop(
        0, _BKT_PAD // _DEPTH, round_body,
        (jnp.int32(0), jnp.int32(0), jnp.int32(0)))
    srow, par, fl = carry

    for p in range(2):
      @pl.when(par == p)
      def _(p=p):
        pltpu.async_copy(
            sbuf.at[p], outp_hbm.at[jscat.at[p, pl.ds(0, _SROWS)]], sf[p])
        pltpu.make_async_copy(
            sbuf.at[p], outp_hbm.at[jscat.at[p, pl.ds(0, _SROWS)]],
            sf[p]).wait()

        @pl.when(fl >= 1)
        def _():
          pltpu.make_async_copy(
              sbuf.at[1 - p], outp_hbm.at[jscat.at[1 - p, pl.ds(0, _SROWS)]],
              sf[1 - p]).wait()

  return gather_kernel


_gather = _make_gather()


@jax.jit
def kernel(y_true, proxies_weight):
  padded = _gather(proxies_weight.T, y_true.astype(jnp.int32))
  return padded[:_BATCH, :_DIM]

# --- scband reference (transcript-rebuilt; emitter-appended) ---
"""Pipeline reference for scband-proxy-net-3882650436794 (READ-ONLY COPY).

The authoritative reference and input builder live on the scoring server;
editing this copy changes nothing except your own understanding.
"""

import jax, jax.numpy as jnp
import numpy as np

N_CLASSES = 1000000
DIM = 64
BATCH = 16384

def setup_inputs(seed: int = 0) -> dict:
    key = jax.random.key(seed)
    k1, k2 = jax.random.split(key)
    y_true = jax.random.randint(k1, (BATCH,), 0, N_CLASSES, dtype=jnp.int64 if jax.config.jax_enable_x64 else jnp.int32)
    proxies_weight = jax.random.normal(k2, (N_CLASSES, DIM), dtype=jnp.float32)
    return {"y_true": y_true, "proxies_weight": proxies_weight}

def reference(y_true, proxies_weight):
    # nn.Embedding lookup: proxies(y_true)
    proxies_y_true = jnp.take(proxies_weight, y_true, axis=0)
    return proxies_y_true

if __name__ == "__main__":
    import jax
    _d = setup_inputs()
    print(jax.jit(kernel)(*tuple(_d.values())))

</pallas_src>

<mosaic_0001>
#map = affine_map<(d0, d1) -> (0, 0)>
#map1 = affine_map<(d0, d1) -> (0)>
module attributes {stable_mosaic.version = 14 : i64} {
  func.func @gather_kernel(%arg0: i32, %arg1: i32, %arg2: memref<64x1000000xf32, #tpu.memory_space<hbm>>, %arg3: memref<16384xi32, #tpu.memory_space<hbm>>, %arg4: memref<16448x128xf32, #tpu.memory_space<hbm>>, %arg5: memref<16384xi32, #tpu.memory_space<vmem>>, %arg6: memref<16400xi32, #tpu.memory_space<vmem>>, %arg7: memref<16400xi32, #tpu.memory_space<vmem>>, %arg8: memref<8x64x128xf32, #tpu.memory_space<vmem>>, %arg9: memref<2x48x128xf32, #tpu.memory_space<vmem>>, %arg10: memref<2x64xi32, #tpu.memory_space<vmem>>, %arg11: memref<!tpu.dma_semaphore, #tpu.memory_space<semaphore_mem>>, %arg12: memref<!tpu.dma_semaphore, #tpu.memory_space<semaphore_mem>>, %arg13: memref<!tpu.dma_semaphore, #tpu.memory_space<semaphore_mem>>, %arg14: memref<!tpu.dma_semaphore, #tpu.memory_space<semaphore_mem>>, %arg15: memref<!tpu.dma_semaphore, #tpu.memory_space<semaphore_mem>>, %arg16: memref<!tpu.dma_semaphore, #tpu.memory_space<semaphore_mem>>, %arg17: memref<!tpu.dma_semaphore, #tpu.memory_space<semaphore_mem>>, %arg18: memref<!tpu.dma_semaphore, #tpu.memory_space<semaphore_mem>>, %arg19: memref<!tpu.dma_semaphore, #tpu.memory_space<semaphore_mem>>, %arg20: memref<!tpu.dma_semaphore, #tpu.memory_space<semaphore_mem>>) attributes {dimension_semantics = [#tpu.dimension_semantics<core_parallel>, #tpu.dimension_semantics<subcore_parallel>], iteration_bounds = array<i64: 2, 16>, scalar_prefetch = 0 : i64, scratch_operands = 16 : i64, tpu.core_type = #tpu.core_type<sc_vector_subcore>, window_params = [{transform_indices = #map}, {transform_indices = #map1}, {transform_indices = #map}]} {
    %mul3A = arith.constant 2 : i32
    %mul3A_0 = arith.muli %arg1, %mul3A : i32
    %add3A = arith.addi %mul3A_0, %arg0 : i32
    %iota3A = tpu.iota {dimensions = array<i32: 0>} : vector<16xi32>
    "tpu.region"() ({
      %run_scoped3A = tpu.sem_alloc : memref<!tpu.dma_semaphore, #tpu.memory_space<semaphore_mem>>
      tpu.enqueue_dma source(%arg3 : memref<16384xi32, #tpu.memory_space<hbm>>) target(%arg5 : memref<16384xi32, #tpu.memory_space<vmem>>) target_semaphore(%run_scoped3A : memref<!tpu.dma_semaphore, #tpu.memory_space<semaphore_mem>>)
      tpu.wait_dma2 semaphore(%run_scoped3A : memref<!tpu.dma_semaphore, #tpu.memory_space<semaphore_mem>>) src(%arg3 : memref<16384xi32, #tpu.memory_space<hbm>>) dst(%arg5 : memref<16384xi32, #tpu.memory_space<vmem>>)
      tpu.yield
    }) : () -> ()
    %mul3A_1 = arith.constant 245 : i32
    %mul3A_2 = arith.muli %mul3A_1, %add3A : i32
    %mul3A_3 = arith.constant 128 : i32
    %mul3A_4 = arith.muli %mul3A_2, %mul3A_3 : i32
    %add3A_5 = arith.constant 31360 : i32
    %add3A_6 = arith.addi %mul3A_4, %add3A_5 : i32
    %scan3A = arith.constant 0 : i32
    %scan3A_7 = arith.constant 0 : i32
    %scan3A_8 = arith.constant 1024 : i32
    %scan3A_9 = arith.addi %scan3A_7, %scan3A_8 : i32
    %scan3A_10 = arith.constant 1 : i32
    %scan3A_11 = scf.for %scan3A_180 = %scan3A_7 to %scan3A_9 step %scan3A_10 iter_args(%scan3A_181 = %scan3A) -> (i32)  : i32 {
      %mul3A_182 = arith.constant 16 : i32
      %mul3A_183 = arith.muli %scan3A_180, %mul3A_182 : i32
      %get3A = arith.index_cast %mul3A_183 : i32 to index
      %get3A_184 = tpu.vector_load %arg5[%get3A] {strides = array<i32>} : memref<16384xi32, #tpu.memory_space<vmem>>, vector<16xi32>,
      %mul3A_185 = arith.constant 16 : i32
      %mul3A_186 = arith.muli %scan3A_180, %mul3A_185 : i32
      %add3A_187 = vector.broadcast %mul3A_186 : i32 to vector<16xi32>
      %add3A_188 = arith.addi %iota3A, %add3A_187 : vector<16xi32>
      %ge3A = vector.broadcast %mul3A_4 : i32 to vector<16xi32>
      %ge3A_189 = arith.cmpi sge, %get3A_184, %ge3A : vector<16xi32>
      %lt3A_190 = vector.broadcast %add3A_6 : i32 to vector<16xi32>
      %lt3A_191 = arith.cmpi slt, %get3A_184, %lt3A_190 : vector<16xi32>
      %and3A_192 = arith.andi %ge3A_189, %lt3A_191 : vector<16xi1>
      %swap3A_193 = arith.index_cast %scan3A_181 : i32 to index
      %swap3A_194 = tpu.vector_load %arg6[%swap3A_193] masked %and3A_192 {strides = array<i32>} : memref<16400xi32, #tpu.memory_space<vmem>>, vector<16xi32>, vector<16xi1>
      tpu.vector_store %arg6[%swap3A_193], %get3A_184 masked %and3A_192 {strides = array<i32>} : memref<16400xi32, #tpu.memory_space<vmem>>, vector<16xi32>, vector<16xi1>
      %swap3A_195 = arith.index_cast %scan3A_181 : i32 to index
      %swap3A_196 = tpu.vector_load %arg7[%swap3A_195] masked %and3A_192 {strides = array<i32>} : memref<16400xi32, #tpu.memory_space<vmem>>, vector<16xi32>, vector<16xi1>
      tpu.vector_store %arg7[%swap3A_195], %add3A_188 masked %and3A_192 {strides = array<i32>} : memref<16400xi32, #tpu.memory_space<vmem>>, vector<16xi32>, vector<16xi1>
      %all_reduce_population_count3A = tpu.all_reduce %and3A_192 {dim = 0 : i64, kind = #tpu.reduction_kind<sum>} : vector<16xi1> -> vector<16xi32>
      %slice3A = vector.extract_strided_slice %all_reduce_population_count3A {offsets = [0], sizes = [1], strides = [1]} : vector<16xi32> to vector<1xi32>
      %squeeze3A = vector.extract %slice3A[0] : i32 from vector<1xi32>
      %add3A_197 = arith.addi %scan3A_181, %squeeze3A : i32
      scf.yield %add3A_197 : i32
    }
    %scan3A_12 = arith.constant 1024 : i32
    %add3A_13 = arith.constant 15 : i32
    %add3A_14 = arith.addi %scan3A_11, %add3A_13 : i32
    %jit3A = arith.constant 16 : i32
    %div3A = arith.divsi %add3A_14, %jit3A : i32
    %sign3A = arith.constant 0 : i32
    %sign3A_15 = arith.cmpi sgt, %add3A_14, %sign3A : i32
    %sign3A_16 = arith.extui %sign3A_15 : i1 to i32
    %sign3A_17 = arith.constant 0 : i32
    %sign3A_18 = arith.cmpi slt, %add3A_14, %sign3A_17 : i32
    %sign3A_19 = arith.extui %sign3A_18 : i1 to i32
    %sign3A_20 = arith.subi %sign3A_16, %sign3A_19 : i32
    %sign3A_21 = arith.constant 0 : i32
    %sign3A_22 = arith.cmpi sgt, %jit3A, %sign3A_21 : i32
    %sign3A_23 = arith.extui %sign3A_22 : i1 to i32
    %sign3A_24 = arith.constant 0 : i32
    %sign3A_25 = arith.cmpi slt, %jit3A, %sign3A_24 : i32
    %sign3A_26 = arith.extui %sign3A_25 : i1 to i32
    %sign3A_27 = arith.subi %sign3A_23, %sign3A_26 : i32
    %ne3A = arith.cmpi ne, %sign3A_20, %sign3A_27 : i32
    %rem3A = arith.remsi %add3A_14, %jit3A : i32
    %ne3A_28 = arith.constant 0 : i32
    %ne3A_29 = arith.cmpi ne, %rem3A, %ne3A_28 : i32
    %and3A = arith.andi %ne3A, %ne3A_29 : i1
    %sub3A = arith.constant 1 : i32
    %sub3A_30 = arith.subi %div3A, %sub3A : i32
    %select_n3A = arith.select %and3A, %sub3A_30, %div3A : i32
    %broadcast_in_dim3A = arith.constant 16384 : i32
    %broadcast_in_dim3A_31 = vector.broadcast %broadcast_in_dim3A : i32 to vector<16xi32>
    %swap3A = arith.constant 0 : i32
    %swap3A_32 = arith.index_cast %swap3A : i32 to index
    %swap3A_33 = arith.constant 0 : index
    %swap3A_34 = tpu.vector_load %arg10[%swap3A_32, %swap3A_33] {strides = array<i32>} : memref<2x64xi32, #tpu.memory_space<vmem>>, vector<16xi32>,
    tpu.vector_store %arg10[%swap3A_32, %swap3A_33], %broadcast_in_dim3A_31 {strides = array<i32>} : memref<2x64xi32, #tpu.memory_space<vmem>>, vector<16xi32>,
    %broadcast_in_dim3A_35 = arith.constant 16384 : i32
    %broadcast_in_dim3A_36 = vector.broadcast %broadcast_in_dim3A_35 : i32 to vector<16xi32>
    %swap3A_37 = arith.constant 0 : i32
    %swap3A_38 = arith.index_cast %swap3A_37 : i32 to index
    %swap3A_39 = arith.constant 16 : index
    %swap3A_40 = tpu.vector_load %arg10[%swap3A_38, %swap3A_39] {strides = array<i32>} : memref<2x64xi32, #tpu.memory_space<vmem>>, vector<16xi32>,
    tpu.vector_store %arg10[%swap3A_38, %swap3A_39], %broadcast_in_dim3A_36 {strides = array<i32>} : memref<2x64xi32, #tpu.memory_space<vmem>>, vector<16xi32>,
    %broadcast_in_dim3A_41 = arith.constant 16384 : i32
    %broadcast_in_dim3A_42 = vector.broadcast %broadcast_in_dim3A_41 : i32 to vector<16xi32>
    %swap3A_43 = arith.constant 0 : i32
    %swap3A_44 = arith.index_cast %swap3A_43 : i32 to index
    %swap3A_45 = arith.constant 32 : index
    %swap3A_46 = tpu.vector_load %arg10[%swap3A_44, %swap3A_45] {strides = array<i32>} : memref<2x64xi32, #tpu.memory_space<vmem>>, vector<16xi32>,
    tpu.vector_store %arg10[%swap3A_44, %swap3A_45], %broadcast_in_dim3A_42 {strides = array<i32>} : memref<2x64xi32, #tpu.memory_space<vmem>>, vector<16xi32>,
    %broadcast_in_dim3A_47 = arith.constant 16384 : i32
    %broadcast_in_dim3A_48 = vector.broadcast %broadcast_in_dim3A_47 : i32 to vector<16xi32>
    %swap3A_49 = arith.constant 0 : i32
    %swap3A_50 = arith.index_cast %swap3A_49 : i32 to index
    %swap3A_51 = arith.constant 48 : index
    %swap3A_52 = tpu.vector_load %arg10[%swap3A_50, %swap3A_51] {strides = array<i32>} : memref<2x64xi32, #tpu.memory_space<vmem>>, vector<16xi32>,
    tpu.vector_store %arg10[%swap3A_50, %swap3A_51], %broadcast_in_dim3A_48 {strides = array<i32>} : memref<2x64xi32, #tpu.memory_space<vmem>>, vector<16xi32>,
    %broadcast_in_dim3A_53 = arith.constant 16384 : i32
    %broadcast_in_dim3A_54 = vector.broadcast %broadcast_in_dim3A_53 : i32 to vector<16xi32>
    %swap3A_55 = arith.constant 1 : i32
    %swap3A_56 = arith.index_cast %swap3A_55 : i32 to index
    %swap3A_57 = arith.constant 0 : index
    %swap3A_58 = tpu.vector_load %arg10[%swap3A_56, %swap3A_57] {strides = array<i32>} : memref<2x64xi32, #tpu.memory_space<vmem>>, vector<16xi32>,
    tpu.vector_store %arg10[%swap3A_56, %swap3A_57], %broadcast_in_dim3A_54 {strides = array<i32>} : memref<2x64xi32, #tpu.memory_space<vmem>>, vector<16xi32>,
    %broadcast_in_dim3A_59 = arith.constant 16384 : i32
    %broadcast_in_dim3A_60 = vector.broadcast %broadcast_in_dim3A_59 : i32 to vector<16xi32>
    %swap3A_61 = arith.constant 1 : i32
    %swap3A_62 = arith.index_cast %swap3A_61 : i32 to index
    %swap3A_63 = arith.constant 16 : index
    %swap3A_64 = tpu.vector_load %arg10[%swap3A_62, %swap3A_63] {strides = array<i32>} : memref<2x64xi32, #tpu.memory_space<vmem>>, vector<16xi32>,
    tpu.vector_store %arg10[%swap3A_62, %swap3A_63], %broadcast_in_dim3A_60 {strides = array<i32>} : memref<2x64xi32, #tpu.memory_space<vmem>>, vector<16xi32>,
    %broadcast_in_dim3A_65 = arith.constant 16384 : i32
    %broadcast_in_dim3A_66 = vector.broadcast %broadcast_in_dim3A_65 : i32 to vector<16xi32>
    %swap3A_67 = arith.constant 1 : i32
    %swap3A_68 = arith.index_cast %swap3A_67 : i32 to index
    %swap3A_69 = arith.constant 32 : index
    %swap3A_70 = tpu.vector_load %arg10[%swap3A_68, %swap3A_69] {strides = array<i32>} : memref<2x64xi32, #tpu.memory_space<vmem>>, vector<16xi32>,
    tpu.vector_store %arg10[%swap3A_68, %swap3A_69], %broadcast_in_dim3A_66 {strides = array<i32>} : memref<2x64xi32, #tpu.memory_space<vmem>>, vector<16xi32>,
    %broadcast_in_dim3A_71 = arith.constant 16384 : i32
    %broadcast_in_dim3A_72 = vector.broadcast %broadcast_in_dim3A_71 : i32 to vector<16xi32>
    %swap3A_73 = arith.constant 1 : i32
    %swap3A_74 = arith.index_cast %swap3A_73 : i32 to index
    %swap3A_75 = arith.constant 48 : index
    %swap3A_76 = tpu.vector_load %arg10[%swap3A_74, %swap3A_75] {strides = array<i32>} : memref<2x64xi32, #tpu.memory_space<vmem>>, vector<16xi32>,
    tpu.vector_store %arg10[%swap3A_74, %swap3A_75], %broadcast_in_dim3A_72 {strides = array<i32>} : memref<2x64xi32, #tpu.memory_space<vmem>>, vector<16xi32>,
    %lt3A = arith.constant 0 : i32
    %lt3A_77 = arith.constant 245 : i32
    %lt3A_78 = arith.cmpi slt, %lt3A, %lt3A_77 : i32
    %add3A_79 = arith.constant 0 : i32
    %add3A_80 = arith.addi %mul3A_2, %add3A_79 : i32
    %lt3A_81 = arith.constant 7813 : i32
    %lt3A_82 = arith.cmpi slt, %add3A_80, %lt3A_81 : i32
    %and3A_83 = arith.andi %lt3A_78, %lt3A_82 : i1
    %convert_element_type3A = arith.extui %and3A_83 : i1 to i32
    %cond3A = arith.constant 0 : i32
    %cond3A_84 = arith.cmpi ne, %convert_element_type3A, %cond3A : i32
    scf.if %cond3A_84 {
      %add3A_180 = arith.constant 0 : i32
      %add3A_181 = arith.addi %mul3A_2, %add3A_180 : i32
      %mul3A_182 = arith.constant 128 : i32
      %mul3A_183 = arith.muli %add3A_181, %mul3A_182 : i32
      %multiple_of3A = tpu.assume_multiple %mul3A_183, 128 : i32
      %dma_start3A = arith.constant 0 : i32
      %dma_start3A_184 = arith.constant 0 : i32
      %dma_start3A_185 = arith.constant 0 : i32
      %dma_start3A_186 = tpu.memref_slice %arg8[%dma_start3A, %dma_start3A_184, %dma_start3A_185] : memref<8x64x128xf32, #tpu.memory_space<vmem>> -> memref<1x64x128xf32, #tpu.memory_space<vmem>>
      %dma_start3A_187 = tpu.memref_squeeze %dma_start3A_186 : memref<1x64x128xf32, #tpu.memory_space<vmem>> -> memref<64x128xf32, #tpu.memory_space<vmem>>
      %dma_start3A_188 = arith.constant 0 : i32
      %dma_start3A_189 = tpu.memref_slice %arg2[%dma_start3A_188, %multiple_of3A] : memref<64x1000000xf32, #tpu.memory_space<hbm>> -> memref<64x128xf32, #tpu.memory_space<hbm>>
      %dma_start3A_190 = arith.constant 0 : i32
      %dma_start3A_191 = arith.constant 0 : i32
      %dma_start3A_192 = tpu.memref_slice %arg8[%dma_start3A, %dma_start3A_190, %dma_start3A_191] : memref<8x64x128xf32, #tpu.memory_space<vmem>> -> memref<1x64x128xf32, #tpu.memory_space<vmem>>
      %dma_start3A_193 = tpu.memref_squeeze %dma_start3A_192 : memref<1x64x128xf32, #tpu.memory_space<vmem>> -> memref<64x128xf32, #tpu.memory_space<vmem>>
      %dma_start3A_194 = arith.constant 0 : i32
      %dma_start3A_195 = tpu.memref_slice %arg2[%dma_start3A_194, %multiple_of3A] : memref<64x1000000xf32, #tpu.memory_space<hbm>> -> memref<64x128xf32, #tpu.memory_space<hbm>>
      tpu.enqueue_dma source(%dma_start3A_195 : memref<64x128xf32, #tpu.memory_space<hbm>>) target(%dma_start3A_193 : memref<64x128xf32, #tpu.memory_space<vmem>>) target_semaphore(%arg11 : memref<!tpu.dma_semaphore, #tpu.memory_space<semaphore_mem>>)
    } else {
    }
    %lt3A_85 = arith.constant 1 : i32
    %lt3A_86 = arith.constant 245 : i32
    %lt3A_87 = arith.cmpi slt, %lt3A_85, %lt3A_86 : i32
    %add3A_88 = arith.constant 1 : i32
    %add3A_89 = arith.addi %mul3A_2, %add3A_88 : i32
    %lt3A_90 = arith.constant 7813 : i32
    %lt3A_91 = arith.cmpi slt, %add3A_89, %lt3A_90 : i32
    %and3A_92 = arith.andi %lt3A_87, %lt3A_91 : i1
    %convert_element_type3A_93 = arith.extui %and3A_92 : i1 to i32
    %cond3A_94 = arith.constant 0 : i32
    %cond3A_95 = arith.cmpi ne, %convert_element_type3A_93, %cond3A_94 : i32
    scf.if %cond3A_95 {
      %add3A_180 = arith.constant 1 : i32
      %add3A_181 = arith.addi %mul3A_2, %add3A_180 : i32
      %mul3A_182 = arith.constant 128 : i32
      %mul3A_183 = arith.muli %add3A_181, %mul3A_182 : i32
      %multiple_of3A = tpu.assume_multiple %mul3A_183, 128 : i32
      %dma_start3A = arith.constant 1 : i32
      %dma_start3A_184 = arith.constant 0 : i32
      %dma_start3A_185 = arith.constant 0 : i32
      %dma_start3A_186 = tpu.memref_slice %arg8[%dma_start3A, %dma_start3A_184, %dma_start3A_185] : memref<8x64x128xf32, #tpu.memory_space<vmem>> -> memref<1x64x128xf32, #tpu.memory_space<vmem>>
      %dma_start3A_187 = tpu.memref_squeeze %dma_start3A_186 : memref<1x64x128xf32, #tpu.memory_space<vmem>> -> memref<64x128xf32, #tpu.memory_space<vmem>>
      %dma_start3A_188 = arith.constant 0 : i32
      %dma_start3A_189 = tpu.memref_slice %arg2[%dma_start3A_188, %multiple_of3A] : memref<64x1000000xf32, #tpu.memory_space<hbm>> -> memref<64x128xf32, #tpu.memory_space<hbm>>
      %dma_start3A_190 = arith.constant 0 : i32
      %dma_start3A_191 = arith.constant 0 : i32
      %dma_start3A_192 = tpu.memref_slice %arg8[%dma_start3A, %dma_start3A_190, %dma_start3A_191] : memref<8x64x128xf32, #tpu.memory_space<vmem>> -> memref<1x64x128xf32, #tpu.memory_space<vmem>>
      %dma_start3A_193 = tpu.memref_squeeze %dma_start3A_192 : memref<1x64x128xf32, #tpu.memory_space<vmem>> -> memref<64x128xf32, #tpu.memory_space<vmem>>
      %dma_start3A_194 = arith.constant 0 : i32
      %dma_start3A_195 = tpu.memref_slice %arg2[%dma_start3A_194, %multiple_of3A] : memref<64x1000000xf32, #tpu.memory_space<hbm>> -> memref<64x128xf32, #tpu.memory_space<hbm>>
      tpu.enqueue_dma source(%dma_start3A_195 : memref<64x128xf32, #tpu.memory_space<hbm>>) target(%dma_start3A_193 : memref<64x128xf32, #tpu.memory_space<vmem>>) target_semaphore(%arg12 : memref<!tpu.dma_semaphore, #tpu.memory_space<semaphore_mem>>)
    } else {
    }
    %lt3A_96 = arith.constant 2 : i32
    %lt3A_97 = arith.constant 245 : i32
    %lt3A_98 = arith.cmpi slt, %lt3A_96, %lt3A_97 : i32
    %add3A_99 = arith.constant 2 : i32
    %add3A_100 = arith.addi %mul3A_2, %add3A_99 : i32
    %lt3A_101 = arith.constant 7813 : i32
    %lt3A_102 = arith.cmpi slt, %add3A_100, %lt3A_101 : i32
    %and3A_103 = arith.andi %lt3A_98, %lt3A_102 : i1
    %convert_element_type3A_104 = arith.extui %and3A_103 : i1 to i32
    %cond3A_105 = arith.constant 0 : i32
    %cond3A_106 = arith.cmpi ne, %convert_element_type3A_104, %cond3A_105 : i32
    scf.if %cond3A_106 {
      %add3A_180 = arith.constant 2 : i32
      %add3A_181 = arith.addi %mul3A_2, %add3A_180 : i32
      %mul3A_182 = arith.constant 128 : i32
      %mul3A_183 = arith.muli %add3A_181, %mul3A_182 : i32
      %multiple_of3A = tpu.assume_multiple %mul3A_183, 128 : i32
      %dma_start3A = arith.constant 2 : i32
      %dma_start3A_184 = arith.constant 0 : i32
      %dma_start3A_185 = arith.constant 0 : i32
      %dma_start3A_186 = tpu.memref_slice %arg8[%dma_start3A, %dma_start3A_184, %dma_start3A_185] : memref<8x64x128xf32, #tpu.memory_space<vmem>> -> memref<1x64x128xf32, #tpu.memory_space<vmem>>
      %dma_start3A_187 = tpu.memref_squeeze %dma_start3A_186 : memref<1x64x128xf32, #tpu.memory_space<vmem>> -> memref<64x128xf32, #tpu.memory_space<vmem>>
      %dma_start3A_188 = arith.constant 0 : i32
      %dma_start3A_189 = tpu.memref_slice %arg2[%dma_start3A_188, %multiple_of3A] : memref<64x1000000xf32, #tpu.memory_space<hbm>> -> memref<64x128xf32, #tpu.memory_space<hbm>>
      %dma_start3A_190 = arith.constant 0 : i32
      %dma_start3A_191 = arith.constant 0 : i32
      %dma_start3A_192 = tpu.memref_slice %arg8[%dma_start3A, %dma_start3A_190, %dma_start3A_191] : memref<8x64x128xf32, #tpu.memory_space<vmem>> -> memref<1x64x128xf32, #tpu.memory_space<vmem>>
      %dma_start3A_193 = tpu.memref_squeeze %dma_start3A_192 : memref<1x64x128xf32, #tpu.memory_space<vmem>> -> memref<64x128xf32, #tpu.memory_space<vmem>>
      %dma_start3A_194 = arith.constant 0 : i32
      %dma_start3A_195 = tpu.memref_slice %arg2[%dma_start3A_194, %multiple_of3A] : memref<64x1000000xf32, #tpu.memory_space<hbm>> -> memref<64x128xf32, #tpu.memory_space<hbm>>
      tpu.enqueue_dma source(%dma_start3A_195 : memref<64x128xf32, #tpu.memory_space<hbm>>) target(%dma_start3A_193 : memref<64x128xf32, #tpu.memory_space<vmem>>) target_semaphore(%arg13 : memref<!tpu.dma_semaphore, #tpu.memory_space<semaphore_mem>>)
    } else {
    }
    %lt3A_107 = arith.constant 3 : i32
    %lt3A_108 = arith.constant 245 : i32
    %lt3A_109 = arith.cmpi slt, %lt3A_107, %lt3A_108 : i32
    %add3A_110 = arith.constant 3 : i32
    %add3A_111 = arith.addi %mul3A_2, %add3A_110 : i32
    %lt3A_112 = arith.constant 7813 : i32
    %lt3A_113 = arith.cmpi slt, %add3A_111, %lt3A_112 : i32
    %and3A_114 = arith.andi %lt3A_109, %lt3A_113 : i1
    %convert_element_type3A_115 = arith.extui %and3A_114 : i1 to i32
    %cond3A_116 = arith.constant 0 : i32
    %cond3A_117 = arith.cmpi ne, %convert_element_type3A_115, %cond3A_116 : i32
    scf.if %cond3A_117 {
      %add3A_180 = arith.constant 3 : i32
      %add3A_181 = arith.addi %mul3A_2, %add3A_180 : i32
      %mul3A_182 = arith.constant 128 : i32
      %mul3A_183 = arith.muli %add3A_181, %mul3A_182 : i32
      %multiple_of3A = tpu.assume_multiple %mul3A_183, 128 : i32
      %dma_start3A = arith.constant 3 : i32
      %dma_start3A_184 = arith.constant 0 : i32
      %dma_start3A_185 = arith.constant 0 : i32
      %dma_start3A_186 = tpu.memref_slice %arg8[%dma_start3A, %dma_start3A_184, %dma_start3A_185] : memref<8x64x128xf32, #tpu.memory_space<vmem>> -> memref<1x64x128xf32, #tpu.memory_space<vmem>>
      %dma_start3A_187 = tpu.memref_squeeze %dma_start3A_186 : memref<1x64x128xf32, #tpu.memory_space<vmem>> -> memref<64x128xf32, #tpu.memory_space<vmem>>
      %dma_start3A_188 = arith.constant 0 : i32
      %dma_start3A_189 = tpu.memref_slice %arg2[%dma_start3A_188, %multiple_of3A] : memref<64x1000000xf32, #tpu.memory_space<hbm>> -> memref<64x128xf32, #tpu.memory_space<hbm>>
      %dma_start3A_190 = arith.constant 0 : i32
      %dma_start3A_191 = arith.constant 0 : i32
      %dma_start3A_192 = tpu.memref_slice %arg8[%dma_start3A, %dma_start3A_190, %dma_start3A_191] : memref<8x64x128xf32, #tpu.memory_space<vmem>> -> memref<1x64x128xf32, #tpu.memory_space<vmem>>
      %dma_start3A_193 = tpu.memref_squeeze %dma_start3A_192 : memref<1x64x128xf32, #tpu.memory_space<vmem>> -> memref<64x128xf32, #tpu.memory_space<vmem>>
      %dma_start3A_194 = arith.constant 0 : i32
      %dma_start3A_195 = tpu.memref_slice %arg2[%dma_start3A_194, %multiple_of3A] : memref<64x1000000xf32, #tpu.memory_space<hbm>> -> memref<64x128xf32, #tpu.memory_space<hbm>>
      tpu.enqueue_dma source(%dma_start3A_195 : memref<64x128xf32, #tpu.memory_space<hbm>>) target(%dma_start3A_193 : memref<64x128xf32, #tpu.memory_space<vmem>>) target_semaphore(%arg14 : memref<!tpu.dma_semaphore, #tpu.memory_space<semaphore_mem>>)
    } else {
    }
    %lt3A_118 = arith.constant 4 : i32
    %lt3A_119 = arith.constant 245 : i32
    %lt3A_120 = arith.cmpi slt, %lt3A_118, %lt3A_119 : i32
    %add3A_121 = arith.constant 4 : i32
    %add3A_122 = arith.addi %mul3A_2, %add3A_121 : i32
    %lt3A_123 = arith.constant 7813 : i32
    %lt3A_124 = arith.cmpi slt, %add3A_122, %lt3A_123 : i32
    %and3A_125 = arith.andi %lt3A_120, %lt3A_124 : i1
    %convert_element_type3A_126 = arith.extui %and3A_125 : i1 to i32
    %cond3A_127 = arith.constant 0 : i32
    %cond3A_128 = arith.cmpi ne, %convert_element_type3A_126, %cond3A_127 : i32
    scf.if %cond3A_128 {
      %add3A_180 = arith.constant 4 : i32
      %add3A_181 = arith.addi %mul3A_2, %add3A_180 : i32
      %mul3A_182 = arith.constant 128 : i32
      %mul3A_183 = arith.muli %add3A_181, %mul3A_182 : i32
      %multiple_of3A = tpu.assume_multiple %mul3A_183, 128 : i32
      %dma_start3A = arith.constant 4 : i32
      %dma_start3A_184 = arith.constant 0 : i32
      %dma_start3A_185 = arith.constant 0 : i32
      %dma_start3A_186 = tpu.memref_slice %arg8[%dma_start3A, %dma_start3A_184, %dma_start3A_185] : memref<8x64x128xf32, #tpu.memory_space<vmem>> -> memref<1x64x128xf32, #tpu.memory_space<vmem>>
      %dma_start3A_187 = tpu.memref_squeeze %dma_start3A_186 : memref<1x64x128xf32, #tpu.memory_space<vmem>> -> memref<64x128xf32, #tpu.memory_space<vmem>>
      %dma_start3A_188 = arith.constant 0 : i32
      %dma_start3A_189 = tpu.memref_slice %arg2[%dma_start3A_188, %multiple_of3A] : memref<64x1000000xf32, #tpu.memory_space<hbm>> -> memref<64x128xf32, #tpu.memory_space<hbm>>
      %dma_start3A_190 = arith.constant 0 : i32
      %dma_start3A_191 = arith.constant 0 : i32
      %dma_start3A_192 = tpu.memref_slice %arg8[%dma_start3A, %dma_start3A_190, %dma_start3A_191] : memref<8x64x128xf32, #tpu.memory_space<vmem>> -> memref<1x64x128xf32, #tpu.memory_space<vmem>>
      %dma_start3A_193 = tpu.memref_squeeze %dma_start3A_192 : memref<1x64x128xf32, #tpu.memory_space<vmem>> -> memref<64x128xf32, #tpu.memory_space<vmem>>
      %dma_start3A_194 = arith.constant 0 : i32
      %dma_start3A_195 = tpu.memref_slice %arg2[%dma_start3A_194, %multiple_of3A] : memref<64x1000000xf32, #tpu.memory_space<hbm>> -> memref<64x128xf32, #tpu.memory_space<hbm>>
      tpu.enqueue_dma source(%dma_start3A_195 : memref<64x128xf32, #tpu.memory_space<hbm>>) target(%dma_start3A_193 : memref<64x128xf32, #tpu.memory_space<vmem>>) target_semaphore(%arg15 : memref<!tpu.dma_semaphore, #tpu.memory_space<semaphore_mem>>)
    } else {
    }
    %lt3A_129 = arith.constant 5 : i32
    %lt3A_130 = arith.constant 245 : i32
    %lt3A_131 = arith.cmpi slt, %lt3A_129, %lt3A_130 : i32
    %add3A_132 = arith.constant 5 : i32
    %add3A_133 = arith.addi %mul3A_2, %add3A_132 : i32
    %lt3A_134 = arith.constant 7813 : i32
    %lt3A_135 = arith.cmpi slt, %add3A_133, %lt3A_134 : i32
    %and3A_136 = arith.andi %lt3A_131, %lt3A_135 : i1
    %convert_element_type3A_137 = arith.extui %and3A_136 : i1 to i32
    %cond3A_138 = arith.constant 0 : i32
    %cond3A_139 = arith.cmpi ne, %convert_element_type3A_137, %cond3A_138 : i32
    scf.if %cond3A_139 {
      %add3A_180 = arith.constant 5 : i32
      %add3A_181 = arith.addi %mul3A_2, %add3A_180 : i32
      %mul3A_182 = arith.constant 128 : i32
      %mul3A_183 = arith.muli %add3A_181, %mul3A_182 : i32
      %multiple_of3A = tpu.assume_multiple %mul3A_183, 128 : i32
      %dma_start3A = arith.constant 5 : i32
      %dma_start3A_184 = arith.constant 0 : i32
      %dma_start3A_185 = arith.constant 0 : i32
      %dma_start3A_186 = tpu.memref_slice %arg8[%dma_start3A, %dma_start3A_184, %dma_start3A_185] : memref<8x64x128xf32, #tpu.memory_space<vmem>> -> memref<1x64x128xf32, #tpu.memory_space<vmem>>
      %dma_start3A_187 = tpu.memref_squeeze %dma_start3A_186 : memref<1x64x128xf32, #tpu.memory_space<vmem>> -> memref<64x128xf32, #tpu.memory_space<vmem>>
      %dma_start3A_188 = arith.constant 0 : i32
      %dma_start3A_189 = tpu.memref_slice %arg2[%dma_start3A_188, %multiple_of3A] : memref<64x1000000xf32, #tpu.memory_space<hbm>> -> memref<64x128xf32, #tpu.memory_space<hbm>>
      %dma_start3A_190 = arith.constant 0 : i32
      %dma_start3A_191 = arith.constant 0 : i32
      %dma_start3A_192 = tpu.memref_slice %arg8[%dma_start3A, %dma_start3A_190, %dma_start3A_191] : memref<8x64x128xf32, #tpu.memory_space<vmem>> -> memref<1x64x128xf32, #tpu.memory_space<vmem>>
      %dma_start3A_193 = tpu.memref_squeeze %dma_start3A_192 : memref<1x64x128xf32, #tpu.memory_space<vmem>> -> memref<64x128xf32, #tpu.memory_space<vmem>>
      %dma_start3A_194 = arith.constant 0 : i32
      %dma_start3A_195 = tpu.memref_slice %arg2[%dma_start3A_194, %multiple_of3A] : memref<64x1000000xf32, #tpu.memory_space<hbm>> -> memref<64x128xf32, #tpu.memory_space<hbm>>
      tpu.enqueue_dma source(%dma_start3A_195 : memref<64x128xf32, #tpu.memory_space<hbm>>) target(%dma_start3A_193 : memref<64x128xf32, #tpu.memory_space<vmem>>) target_semaphore(%arg16 : memref<!tpu.dma_semaphore, #tpu.memory_space<semaphore_mem>>)
    } else {
    }
    %lt3A_140 = arith.constant 6 : i32
    %lt3A_141 = arith.constant 245 : i32
    %lt3A_142 = arith.cmpi slt, %lt3A_140, %lt3A_141 : i32
    %add3A_143 = arith.constant 6 : i32
    %add3A_144 = arith.addi %mul3A_2, %add3A_143 : i32
    %lt3A_145 = arith.constant 7813 : i32
    %lt3A_146 = arith.cmpi slt, %add3A_144, %lt3A_145 : i32
    %and3A_147 = arith.andi %lt3A_142, %lt3A_146 : i1
    %convert_element_type3A_148 = arith.extui %and3A_147 : i1 to i32
    %cond3A_149 = arith.constant 0 : i32
    %cond3A_150 = arith.cmpi ne, %convert_element_type3A_148, %cond3A_149 : i32
    scf.if %cond3A_150 {
      %add3A_180 = arith.constant 6 : i32
      %add3A_181 = arith.addi %mul3A_2, %add3A_180 : i32
      %mul3A_182 = arith.constant 128 : i32
      %mul3A_183 = arith.muli %add3A_181, %mul3A_182 : i32
      %multiple_of3A = tpu.assume_multiple %mul3A_183, 128 : i32
      %dma_start3A = arith.constant 6 : i32
      %dma_start3A_184 = arith.constant 0 : i32
      %dma_start3A_185 = arith.constant 0 : i32
      %dma_start3A_186 = tpu.memref_slice %arg8[%dma_start3A, %dma_start3A_184, %dma_start3A_185] : memref<8x64x128xf32, #tpu.memory_space<vmem>> -> memref<1x64x128xf32, #tpu.memory_space<vmem>>
      %dma_start3A_187 = tpu.memref_squeeze %dma_start3A_186 : memref<1x64x128xf32, #tpu.memory_space<vmem>> -> memref<64x128xf32, #tpu.memory_space<vmem>>
      %dma_start3A_188 = arith.constant 0 : i32
      %dma_start3A_189 = tpu.memref_slice %arg2[%dma_start3A_188, %multiple_of3A] : memref<64x1000000xf32, #tpu.memory_space<hbm>> -> memref<64x128xf32, #tpu.memory_space<hbm>>
      %dma_start3A_190 = arith.constant 0 : i32
      %dma_start3A_191 = arith.constant 0 : i32
      %dma_start3A_192 = tpu.memref_slice %arg8[%dma_start3A, %dma_start3A_190, %dma_start3A_191] : memref<8x64x128xf32, #tpu.memory_space<vmem>> -> memref<1x64x128xf32, #tpu.memory_space<vmem>>
      %dma_start3A_193 = tpu.memref_squeeze %dma_start3A_192 : memref<1x64x128xf32, #tpu.memory_space<vmem>> -> memref<64x128xf32, #tpu.memory_space<vmem>>
      %dma_start3A_194 = arith.constant 0 : i32
      %dma_start3A_195 = tpu.memref_slice %arg2[%dma_start3A_194, %multiple_of3A] : memref<64x1000000xf32, #tpu.memory_space<hbm>> -> memref<64x128xf32, #tpu.memory_space<hbm>>
      tpu.enqueue_dma source(%dma_start3A_195 : memref<64x128xf32, #tpu.memory_space<hbm>>) target(%dma_start3A_193 : memref<64x128xf32, #tpu.memory_space<vmem>>) target_semaphore(%arg17 : memref<!tpu.dma_semaphore, #tpu.memory_space<semaphore_mem>>)
    } else {
    }
    %lt3A_151 = arith.constant 7 : i32
    %lt3A_152 = arith.constant 245 : i32
    %lt3A_153 = arith.cmpi slt, %lt3A_151, %lt3A_152 : i32
    %add3A_154 = arith.constant 7 : i32
    %add3A_155 = arith.addi %mul3A_2, %add3A_154 : i32
    %lt3A_156 = arith.constant 7813 : i32
    %lt3A_157 = arith.cmpi slt, %add3A_155, %lt3A_156 : i32
    %and3A_158 = arith.andi %lt3A_153, %lt3A_157 : i1
    %convert_element_type3A_159 = arith.extui %and3A_158 : i1 to i32
    %cond3A_160 = arith.constant 0 : i32
    %cond3A_161 = arith.cmpi ne, %convert_element_type3A_159, %cond3A_160 : i32
    scf.if %cond3A_161 {
      %add3A_180 = arith.constant 7 : i32
      %add3A_181 = arith.addi %mul3A_2, %add3A_180 : i32
      %mul3A_182 = arith.constant 128 : i32
      %mul3A_183 = arith.muli %add3A_181, %mul3A_182 : i32
      %multiple_of3A = tpu.assume_multiple %mul3A_183, 128 : i32
      %dma_start3A = arith.constant 7 : i32
      %dma_start3A_184 = arith.constant 0 : i32
      %dma_start3A_185 = arith.constant 0 : i32
      %dma_start3A_186 = tpu.memref_slice %arg8[%dma_start3A, %dma_start3A_184, %dma_start3A_185] : memref<8x64x128xf32, #tpu.memory_space<vmem>> -> memref<1x64x128xf32, #tpu.memory_space<vmem>>
      %dma_start3A_187 = tpu.memref_squeeze %dma_start3A_186 : memref<1x64x128xf32, #tpu.memory_space<vmem>> -> memref<64x128xf32, #tpu.memory_space<vmem>>
      %dma_start3A_188 = arith.constant 0 : i32
      %dma_start3A_189 = tpu.memref_slice %arg2[%dma_start3A_188, %multiple_of3A] : memref<64x1000000xf32, #tpu.memory_space<hbm>> -> memref<64x128xf32, #tpu.memory_space<hbm>>
      %dma_start3A_190 = arith.constant 0 : i32
      %dma_start3A_191 = arith.constant 0 : i32
      %dma_start3A_192 = tpu.memref_slice %arg8[%dma_start3A, %dma_start3A_190, %dma_start3A_191] : memref<8x64x128xf32, #tpu.memory_space<vmem>> -> memref<1x64x128xf32, #tpu.memory_space<vmem>>
      %dma_start3A_193 = tpu.memref_squeeze %dma_start3A_192 : memref<1x64x128xf32, #tpu.memory_space<vmem>> -> memref<64x128xf32, #tpu.memory_space<vmem>>
      %dma_start3A_194 = arith.constant 0 : i32
      %dma_start3A_195 = tpu.memref_slice %arg2[%dma_start3A_194, %multiple_of3A] : memref<64x1000000xf32, #tpu.memory_space<hbm>> -> memref<64x128xf32, #tpu.memory_space<hbm>>
      tpu.enqueue_dma source(%dma_start3A_195 : memref<64x128xf32, #tpu.memory_space<hbm>>) target(%dma_start3A_193 : memref<64x128xf32, #tpu.memory_space<vmem>>) target_semaphore(%arg18 : memref<!tpu.dma_semaphore, #tpu.memory_space<semaphore_mem>>)
    } else {
    }
    %scan3A_162 = arith.constant 0 : i32
    %scan3A_163 = arith.constant 0 : i32
    %scan3A_164 = arith.constant 0 : i32
    %scan3A_165 = arith.constant 0 : i32
    %scan3A_166 = arith.constant 31 : i32
    %scan3A_167 = arith.addi %scan3A_165, %scan3A_166 : i32
    %scan3A_168 = arith.constant 1 : i32
    %scan3A_169:3 = scf.for %scan3A_180 = %scan3A_165 to %scan3A_167 step %scan3A_168 iter_args(%scan3A_181 = %scan3A_162, %scan3A_182 = %scan3A_163, %scan3A_183 = %scan3A_164) -> (i32, i32, i32)  : i32 {
      %mul3A_184 = arith.constant 8 : i32
      %mul3A_185 = arith.muli %scan3A_180, %mul3A_184 : i32
      %add3A_186 = arith.constant 0 : i32
      %add3A_187 = arith.addi %mul3A_185, %add3A_186 : i32
      %add3A_188 = arith.constant 0 : i32
      %add3A_189 = arith.addi %add3A_187, %add3A_188 : i32
      %lt3A_190 = arith.constant 245 : i32
      %lt3A_191 = arith.cmpi slt, %add3A_189, %lt3A_190 : i32
      %add3A_192 = arith.addi %mul3A_2, %add3A_189 : i32
      %lt3A_193 = arith.constant 7813 : i32
      %lt3A_194 = arith.cmpi slt, %add3A_192, %lt3A_193 : i32
      %and3A_195 = arith.andi %lt3A_191, %lt3A_194 : i1
      %convert_element_type3A_196 = arith.extui %and3A_195 : i1 to i32
      %cond3A_197 = arith.constant 0 : i32
      %cond3A_198 = arith.cmpi ne, %convert_element_type3A_196, %cond3A_197 : i32
      scf.if %cond3A_198 {
        %dma_wait3A = arith.constant 0 : i32
        %dma_wait3A_411 = arith.constant 0 : i32
        %dma_wait3A_412 = arith.constant 0 : i32
        %dma_wait3A_413 = tpu.memref_slice %arg8[%dma_wait3A, %dma_wait3A_411, %dma_wait3A_412] : memref<8x64x128xf32, #tpu.memory_space<vmem>> -> memref<1x64x128xf32, #tpu.memory_space<vmem>>
        %dma_wait3A_414 = tpu.memref_squeeze %dma_wait3A_413 : memref<1x64x128xf32, #tpu.memory_space<vmem>> -> memref<64x128xf32, #tpu.memory_space<vmem>>
        %dma_wait3A_415 = arith.constant 0 : i32
        %dma_wait3A_416 = arith.constant 0 : i32
        %dma_wait3A_417 = tpu.memref_slice %arg2[%dma_wait3A_415, %dma_wait3A_416] : memref<64x1000000xf32, #tpu.memory_space<hbm>> -> memref<64x128xf32, #tpu.memory_space<hbm>>
        %dma_wait3A_418 = arith.constant 0 : i32
        %dma_wait3A_419 = arith.constant 0 : i32
        %dma_wait3A_420 = tpu.memref_slice %arg8[%dma_wait3A, %dma_wait3A_418, %dma_wait3A_419] : memref<8x64x128xf32, #tpu.memory_space<vmem>> -> memref<1x64x128xf32, #tpu.memory_space<vmem>>
        %dma_wait3A_421 = tpu.memref_squeeze %dma_wait3A_420 : memref<1x64x128xf32, #tpu.memory_space<vmem>> -> memref<64x128xf32, #tpu.memory_space<vmem>>
        %dma_wait3A_422 = arith.constant 0 : i32
        %dma_wait3A_423 = arith.constant 0 : i32
        %dma_wait3A_424 = tpu.memref_slice %arg2[%dma_wait3A_422, %dma_wait3A_423] : memref<64x1000000xf32, #tpu.memory_space<hbm>> -> memref<64x128xf32, #tpu.memory_space<hbm>>
        tpu.wait_dma2 semaphore(%arg11 : memref<!tpu.dma_semaphore, #tpu.memory_space<semaphore_mem>>) src(%dma_wait3A_424 : memref<64x128xf32, #tpu.memory_space<hbm>>) dst(%dma_wait3A_421 : memref<64x128xf32, #tpu.memory_space<vmem>>)
      } else {
      }
      %add3A_199 = arith.constant 1 : i32
      %add3A_200 = arith.addi %add3A_187, %add3A_199 : i32
      %lt3A_201 = arith.constant 245 : i32
      %lt3A_202 = arith.cmpi slt, %add3A_200, %lt3A_201 : i32
      %add3A_203 = arith.addi %mul3A_2, %add3A_200 : i32
      %lt3A_204 = arith.constant 7813 : i32
      %lt3A_205 = arith.cmpi slt, %add3A_203, %lt3A_204 : i32
      %and3A_206 = arith.andi %lt3A_202, %lt3A_205 : i1
      %convert_element_type3A_207 = arith.extui %and3A_206 : i1 to i32
      %cond3A_208 = arith.constant 0 : i32
      %cond3A_209 = arith.cmpi ne, %convert_element_type3A_207, %cond3A_208 : i32
      scf.if %cond3A_209 {
        %dma_wait3A = arith.constant 1 : i32
        %dma_wait3A_411 = arith.constant 0 : i32
        %dma_wait3A_412 = arith.constant 0 : i32
        %dma_wait3A_413 = tpu.memref_slice %arg8[%dma_wait3A, %dma_wait3A_411, %dma_wait3A_412] : memref<8x64x128xf32, #tpu.memory_space<vmem>> -> memref<1x64x128xf32, #tpu.memory_space<vmem>>
        %dma_wait3A_414 = tpu.memref_squeeze %dma_wait3A_413 : memref<1x64x128xf32, #tpu.memory_space<vmem>> -> memref<64x128xf32, #tpu.memory_space<vmem>>
        %dma_wait3A_415 = arith.constant 0 : i32
        %dma_wait3A_416 = arith.constant 0 : i32
        %dma_wait3A_417 = tpu.memref_slice %arg2[%dma_wait3A_415, %dma_wait3A_416] : memref<64x1000000xf32, #tpu.memory_space<hbm>> -> memref<64x128xf32, #tpu.memory_space<hbm>>
        %dma_wait3A_418 = arith.constant 0 : i32
        %dma_wait3A_419 = arith.constant 0 : i32
        %dma_wait3A_420 = tpu.memref_slice %arg8[%dma_wait3A, %dma_wait3A_418, %dma_wait3A_419] : memref<8x64x128xf32, #tpu.memory_space<vmem>> -> memref<1x64x128xf32, #tpu.memory_space<vmem>>
        %dma_wait3A_421 = tpu.memref_squeeze %dma_wait3A_420 : memref<1x64x128xf32, #tpu.memory_space<vmem>> -> memref<64x128xf32, #tpu.memory_space<vmem>>
        %dma_wait3A_422 = arith.constant 0 : i32
        %dma_wait3A_423 = arith.constant 0 : i32
        %dma_wait3A_424 = tpu.memref_slice %arg2[%dma_wait3A_422, %dma_wait3A_423] : memref<64x1000000xf32, #tpu.memory_space<hbm>> -> memref<64x128xf32, #tpu.memory_space<hbm>>
        tpu.wait_dma2 semaphore(%arg12 : memref<!tpu.dma_semaphore, #tpu.memory_space<semaphore_mem>>) src(%dma_wait3A_424 : memref<64x128xf32, #tpu.memory_space<hbm>>) dst(%dma_wait3A_421 : memref<64x128xf32, #tpu.memory_space<vmem>>)
      } else {
      }
      %add3A_210 = arith.constant 2 : i32
      %add3A_211 = arith.addi %add3A_187, %add3A_210 : i32
      %lt3A_212 = arith.constant 245 : i32
      %lt3A_213 = arith.cmpi slt, %add3A_211, %lt3A_212 : i32
      %add3A_214 = arith.addi %mul3A_2, %add3A_211 : i32
      %lt3A_215 = arith.constant 7813 : i32
      %lt3A_216 = arith.cmpi slt, %add3A_214, %lt3A_215 : i32
      %and3A_217 = arith.andi %lt3A_213, %lt3A_216 : i1
      %convert_element_type3A_218 = arith.extui %and3A_217 : i1 to i32
      %cond3A_219 = arith.constant 0 : i32
      %cond3A_220 = arith.cmpi ne, %convert_element_type3A_218, %cond3A_219 : i32
      scf.if %cond3A_220 {
        %dma_wait3A = arith.constant 2 : i32
        %dma_wait3A_411 = arith.constant 0 : i32
        %dma_wait3A_412 = arith.constant 0 : i32
        %dma_wait3A_413 = tpu.memref_slice %arg8[%dma_wait3A, %dma_wait3A_411, %dma_wait3A_412] : memref<8x64x128xf32, #tpu.memory_space<vmem>> -> memref<1x64x128xf32, #tpu.memory_space<vmem>>
        %dma_wait3A_414 = tpu.memref_squeeze %dma_wait3A_413 : memref<1x64x128xf32, #tpu.memory_space<vmem>> -> memref<64x128xf32, #tpu.memory_space<vmem>>
        %dma_wait3A_415 = arith.constant 0 : i32
        %dma_wait3A_416 = arith.constant 0 : i32
        %dma_wait3A_417 = tpu.memref_slice %arg2[%dma_wait3A_415, %dma_wait3A_416] : memref<64x1000000xf32, #tpu.memory_space<hbm>> -> memref<64x128xf32, #tpu.memory_space<hbm>>
        %dma_wait3A_418 = arith.constant 0 : i32
        %dma_wait3A_419 = arith.constant 0 : i32
        %dma_wait3A_420 = tpu.memref_slice %arg8[%dma_wait3A, %dma_wait3A_418, %dma_wait3A_419] : memref<8x64x128xf32, #tpu.memory_space<vmem>> -> memref<1x64x128xf32, #tpu.memory_space<vmem>>
        %dma_wait3A_421 = tpu.memref_squeeze %dma_wait3A_420 : memref<1x64x128xf32, #tpu.memory_space<vmem>> -> memref<64x128xf32, #tpu.memory_space<vmem>>
        %dma_wait3A_422 = arith.constant 0 : i32
        %dma_wait3A_423 = arith.constant 0 : i32
        %dma_wait3A_424 = tpu.memref_slice %arg2[%dma_wait3A_422, %dma_wait3A_423] : memref<64x1000000xf32, #tpu.memory_space<hbm>> -> memref<64x128xf32, #tpu.memory_space<hbm>>
        tpu.wait_dma2 semaphore(%arg13 : memref<!tpu.dma_semaphore, #tpu.memory_space<semaphore_mem>>) src(%dma_wait3A_424 : memref<64x128xf32, #tpu.memory_space<hbm>>) dst(%dma_wait3A_421 : memref<64x128xf32, #tpu.memory_space<vmem>>)
      } else {
      }
      %add3A_221 = arith.constant 3 : i32
      %add3A_222 = arith.addi %add3A_187, %add3A_221 : i32
      %lt3A_223 = arith.constant 245 : i32
      %lt3A_224 = arith.cmpi slt, %add3A_222, %lt3A_223 : i32
      %add3A_225 = arith.addi %mul3A_2, %add3A_222 : i32
      %lt3A_226 = arith.constant 7813 : i32
      %lt3A_227 = arith.cmpi slt, %add3A_225, %lt3A_226 : i32
      %and3A_228 = arith.andi %lt3A_224, %lt3A_227 : i1
      %convert_element_type3A_229 = arith.extui %and3A_228 : i1 to i32
      %cond3A_230 = arith.constant 0 : i32
      %cond3A_231 = arith.cmpi ne, %convert_element_type3A_229, %cond3A_230 : i32
      scf.if %cond3A_231 {
        %dma_wait3A = arith.constant 3 : i32
        %dma_wait3A_411 = arith.constant 0 : i32
        %dma_wait3A_412 = arith.constant 0 : i32
        %dma_wait3A_413 = tpu.memref_slice %arg8[%dma_wait3A, %dma_wait3A_411, %dma_wait3A_412] : memref<8x64x128xf32, #tpu.memory_space<vmem>> -> memref<1x64x128xf32, #tpu.memory_space<vmem>>
        %dma_wait3A_414 = tpu.memref_squeeze %dma_wait3A_413 : memref<1x64x128xf32, #tpu.memory_space<vmem>> -> memref<64x128xf32, #tpu.memory_space<vmem>>
        %dma_wait3A_415 = arith.constant 0 : i32
        %dma_wait3A_416 = arith.constant 0 : i32
        %dma_wait3A_417 = tpu.memref_slice %arg2[%dma_wait3A_415, %dma_wait3A_416] : memref<64x1000000xf32, #tpu.memory_space<hbm>> -> memref<64x128xf32, #tpu.memory_space<hbm>>
        %dma_wait3A_418 = arith.constant 0 : i32
        %dma_wait3A_419 = arith.constant 0 : i32
        %dma_wait3A_420 = tpu.memref_slice %arg8[%dma_wait3A, %dma_wait3A_418, %dma_wait3A_419] : memref<8x64x128xf32, #tpu.memory_space<vmem>> -> memref<1x64x128xf32, #tpu.memory_space<vmem>>
        %dma_wait3A_421 = tpu.memref_squeeze %dma_wait3A_420 : memref<1x64x128xf32, #tpu.memory_space<vmem>> -> memref<64x128xf32, #tpu.memory_space<vmem>>
        %dma_wait3A_422 = arith.constant 0 : i32
        %dma_wait3A_423 = arith.constant 0 : i32
        %dma_wait3A_424 = tpu.memref_slice %arg2[%dma_wait3A_422, %dma_wait3A_423] : memref<64x1000000xf32, #tpu.memory_space<hbm>> -> memref<64x128xf32, #tpu.memory_space<hbm>>
        tpu.wait_dma2 semaphore(%arg14 : memref<!tpu.dma_semaphore, #tpu.memory_space<semaphore_mem>>) src(%dma_wait3A_424 : memref<64x128xf32, #tpu.memory_space<hbm>>) dst(%dma_wait3A_421 : memref<64x128xf32, #tpu.memory_space<vmem>>)
      } else {
      }
      %add3A_232 = arith.addi %mul3A_2, %add3A_187 : i32
      %mul3A_233 = arith.constant 128 : i32
      %mul3A_234 = arith.muli %add3A_232, %mul3A_233 : i32
      %while3A = arith.constant 0 : i32
      %while3A_235 = arith.subi %select_n3A, %while3A : i32
      %while3A_236 = arith.addi %while3A, %while3A_235 : i32
      %while3A_237 = arith.constant 1 : i32
      %while3A_238 = arith.divsi %while3A_235, %while3A_237 : i32
      %while3A_239 = arith.muli %while3A_238, %while3A_237 : i32
      %while3A_240 = arith.addi %while3A, %while3A_239 : i32
      %while3A_241 = arith.constant 1 : i32
      %while3A_242:3 = scf.for %while3A_411 = %while3A to %while3A_240 step %while3A_241 iter_args(%while3A_412 = %scan3A_181, %while3A_413 = %scan3A_182, %while3A_414 = %scan3A_183) -> (i32, i32, i32)  : i32 {
        %mul3A_415 = arith.constant 16 : i32
        %mul3A_416 = arith.muli %while3A_411, %mul3A_415 : i32
        %get3A = arith.index_cast %mul3A_416 : i32 to index
        %get3A_417 = tpu.vector_load %arg6[%get3A] {strides = array<i32>} : memref<16400xi32, #tpu.memory_space<vmem>>, vector<16xi32>,
        %add3A_418 = vector.broadcast %mul3A_416 : i32 to vector<16xi32>
        %add3A_419 = arith.addi %iota3A, %add3A_418 : vector<16xi32>
        %lt3A_420 = vector.broadcast %scan3A_11 : i32 to vector<16xi32>
        %lt3A_421 = arith.cmpi slt, %add3A_419, %lt3A_420 : vector<16xi32>
        %ge3A = vector.broadcast %mul3A_234 : i32 to vector<16xi32>
        %ge3A_422 = arith.cmpi sge, %get3A_417, %ge3A : vector<16xi32>
        %add3A_423 = arith.constant 512 : i32
        %add3A_424 = arith.addi %mul3A_234, %add3A_423 : i32
        %lt3A_425 = vector.broadcast %add3A_424 : i32 to vector<16xi32>
        %lt3A_426 = arith.cmpi slt, %get3A_417, %lt3A_425 : vector<16xi32>
        %and3A_427 = arith.andi %ge3A_422, %lt3A_426 : vector<16xi1>
        %and3A_428 = arith.andi %lt3A_421, %and3A_427 : vector<16xi1>
        %while3A_429:4 = scf.while (%while3A_430 = %and3A_428, %while3A_431 = %while3A_412, %while3A_432 = %while3A_413, %while3A_433 = %while3A_414) : (vector<16xi1>, i32, i32, i32) -> (vector<16xi1>, i32, i32, i32) {
          %all_reduce_population_count3A = tpu.all_reduce %while3A_430 {dim = 0 : i64, kind = #tpu.reduction_kind<sum>} : vector<16xi1> -> vector<16xi32>
          %slice3A = vector.extract_strided_slice %all_reduce_population_count3A {offsets = [0], sizes = [1], strides = [1]} : vector<16xi32> to vector<1xi32>
          %squeeze3A = vector.extract %slice3A[0] : i32 from vector<1xi32>
          %gt3A = arith.constant 0 : i32
          %gt3A_434 = arith.cmpi sgt, %squeeze3A, %gt3A : i32
          scf.condition(%gt3A_434) %while3A_430, %while3A_431, %while3A_432, %while3A_433 : vector<16xi1>, i32, i32, i32
        } do {
        ^bb0(%while3A_430: vector<16xi1>, %while3A_431: i32, %while3A_432: i32, %while3A_433: i32):
          %all_reduce_ffs3A = tpu.all_reduce %while3A_430 {dim = 0 : i64, kind = #tpu.reduction_kind<find_first_set>} : vector<16xi1> -> vector<16xi32>
          %slice3A = vector.extract_strided_slice %all_reduce_ffs3A {offsets = [0], sizes = [1], strides = [1]} : vector<16xi32> to vector<1xi32>
          %squeeze3A = vector.extract %slice3A[0] : i32 from vector<1xi32>
          %add3A_434 = arith.addi %mul3A_416, %squeeze3A : i32
          %get3A_435 = arith.index_cast %add3A_434 : i32 to index
          %get3A_436 = tpu.vector_load %arg6[%get3A_435] {strides = array<i32>} : memref<16400xi32, #tpu.memory_space<vmem>>, vector<16xi32>,
          %slice3A_437 = vector.extract_strided_slice %get3A_436 {offsets = [0], sizes = [1], strides = [1]} : vector<16xi32> to vector<1xi32>
          %squeeze3A_438 = vector.extract %slice3A_437[0] : i32 from vector<1xi32>
          %add3A_439 = arith.addi %mul3A_416, %squeeze3A : i32
          %get3A_440 = arith.index_cast %add3A_439 : i32 to index
          %get3A_441 = tpu.vector_load %arg7[%get3A_440] {strides = array<i32>} : memref<16400xi32, #tpu.memory_space<vmem>>, vector<16xi32>,
          %slice3A_442 = vector.extract_strided_slice %get3A_441 {offsets = [0], sizes = [1], strides = [1]} : vector<16xi32> to vector<1xi32>
          %squeeze3A_443 = vector.extract %slice3A_442[0] : i32 from vector<1xi32>
          %shift_right_logical3A = arith.constant 7 : i32
          %shift_right_logical3A_444 = arith.shrui %squeeze3A_438, %shift_right_logical3A : i32
          %sub3A_445 = arith.subi %shift_right_logical3A_444, %mul3A_2 : i32
          %and3A_446 = arith.constant 7 : i32
          %and3A_447 = arith.andi %sub3A_445, %and3A_446 : i32
          %and3A_448 = arith.constant 127 : i32
          %and3A_449 = arith.andi %squeeze3A_438, %and3A_448 : i32
          %broadcast_in_dim3A_450 = vector.broadcast %and3A_449 : i32 to vector<16xi32>
          %add3A_451 = arith.constant 0 : i32
          %add3A_452 = vector.broadcast %add3A_451 : i32 to vector<16xi32>
          %add3A_453 = arith.addi %iota3A, %add3A_452 : vector<16xi32>
          %gather3A = arith.constant 0 : i32
          %gather3A_454 = arith.constant 0 : i32
          %gather3A_455 = tpu.memref_slice %arg8[%and3A_447, %gather3A, %gather3A_454] : memref<8x64x128xf32, #tpu.memory_space<vmem>> -> memref<1x64x128xf32, #tpu.memory_space<vmem>>
          %gather3A_456 = tpu.memref_squeeze %gather3A_455 : memref<1x64x128xf32, #tpu.memory_space<vmem>> -> memref<64x128xf32, #tpu.memory_space<vmem>>
          %gather3A_457 = tpu.vector_load_idx %gather3A_456[%add3A_453, %broadcast_in_dim3A_450] : memref<64x128xf32, #tpu.memory_space<vmem>>[vector<16xi32>, vector<16xi32>], vector<16xf32>,
          %swap3A_458 = arith.index_cast %while3A_432 : i32 to index
          %swap3A_459 = arith.index_cast %while3A_431 : i32 to index
          %swap3A_460 = arith.constant 0 : index
          %swap3A_461 = tpu.vector_load %arg9[%swap3A_458, %swap3A_459, %swap3A_460] {strides = array<i32>} : memref<2x48x128xf32, #tpu.memory_space<vmem>>, vector<16xf32>,
          tpu.vector_store %arg9[%swap3A_458, %swap3A_459, %swap3A_460], %gather3A_457 {strides = array<i32>} : memref<2x48x128xf32, #tpu.memory_space<vmem>>, vector<16xf32>,
          %add3A_462 = arith.constant 16 : i32
          %add3A_463 = vector.broadcast %add3A_462 : i32 to vector<16xi32>
          %add3A_464 = arith.addi %iota3A, %add3A_463 : vector<16xi32>
          %gather3A_465 = arith.constant 0 : i32
          %gather3A_466 = arith.constant 0 : i32
          %gather3A_467 = tpu.memref_slice %arg8[%and3A_447, %gather3A_465, %gather3A_466] : memref<8x64x128xf32, #tpu.memory_space<vmem>> -> memref<1x64x128xf32, #tpu.memory_space<vmem>>
          %gather3A_468 = tpu.memref_squeeze %gather3A_467 : memref<1x64x128xf32, #tpu.memory_space<vmem>> -> memref<64x128xf32, #tpu.memory_space<vmem>>
          %gather3A_469 = tpu.vector_load_idx %gather3A_468[%add3A_464, %broadcast_in_dim3A_450] : memref<64x128xf32, #tpu.memory_space<vmem>>[vector<16xi32>, vector<16xi32>], vector<16xf32>,
          %swap3A_470 = arith.index_cast %while3A_432 : i32 to index
          %swap3A_471 = arith.index_cast %while3A_431 : i32 to index
          %swap3A_472 = arith.constant 16 : index
          %swap3A_473 = tpu.vector_load %arg9[%swap3A_470, %swap3A_471, %swap3A_472] {strides = array<i32>} : memref<2x48x128xf32, #tpu.memory_space<vmem>>, vector<16xf32>,
          tpu.vector_store %arg9[%swap3A_470, %swap3A_471, %swap3A_472], %gather3A_469 {strides = array<i32>} : memref<2x48x128xf32, #tpu.memory_space<vmem>>, vector<16xf32>,
          %add3A_474 = arith.constant 32 : i32
          %add3A_475 = vector.broadcast %add3A_474 : i32 to vector<16xi32>
          %add3A_476 = arith.addi %iota3A, %add3A_475 : vector<16xi32>
          %gather3A_477 = arith.constant 0 : i32
          %gather3A_478 = arith.constant 0 : i32
          %gather3A_479 = tpu.memref_slice %arg8[%and3A_447, %gather3A_477, %gather3A_478] : memref<8x64x128xf32, #tpu.memory_space<vmem>> -> memref<1x64x128xf32, #tpu.memory_space<vmem>>
          %gather3A_480 = tpu.memref_squeeze %gather3A_479 : memref<1x64x128xf32, #tpu.memory_space<vmem>> -> memref<64x128xf32, #tpu.memory_space<vmem>>
          %gather3A_481 = tpu.vector_load_idx %gather3A_480[%add3A_476, %broadcast_in_dim3A_450] : memref<64x128xf32, #tpu.memory_space<vmem>>[vector<16xi32>, vector<16xi32>], vector<16xf32>,
          %swap3A_482 = arith.index_cast %while3A_432 : i32 to index
          %swap3A_483 = arith.index_cast %while3A_431 : i32 to index
          %swap3A_484 = arith.constant 32 : index
          %swap3A_485 = tpu.vector_load %arg9[%swap3A_482, %swap3A_483, %swap3A_484] {strides = array<i32>} : memref<2x48x128xf32, #tpu.memory_space<vmem>>, vector<16xf32>,
          tpu.vector_store %arg9[%swap3A_482, %swap3A_483, %swap3A_484], %gather3A_481 {strides = array<i32>} : memref<2x48x128xf32, #tpu.memory_space<vmem>>, vector<16xf32>,
          %add3A_486 = arith.constant 48 : i32
          %add3A_487 = vector.broadcast %add3A_486 : i32 to vector<16xi32>
          %add3A_488 = arith.addi %iota3A, %add3A_487 : vector<16xi32>
          %gather3A_489 = arith.constant 0 : i32
          %gather3A_490 = arith.constant 0 : i32
          %gather3A_491 = tpu.memref_slice %arg8[%and3A_447, %gather3A_489, %gather3A_490] : memref<8x64x128xf32, #tpu.memory_space<vmem>> -> memref<1x64x128xf32, #tpu.memory_space<vmem>>
          %gather3A_492 = tpu.memref_squeeze %gather3A_491 : memref<1x64x128xf32, #tpu.memory_space<vmem>> -> memref<64x128xf32, #tpu.memory_space<vmem>>
          %gather3A_493 = tpu.vector_load_idx %gather3A_492[%add3A_488, %broadcast_in_dim3A_450] : memref<64x128xf32, #tpu.memory_space<vmem>>[vector<16xi32>, vector<16xi32>], vector<16xf32>,
          %swap3A_494 = arith.index_cast %while3A_432 : i32 to index
          %swap3A_495 = arith.index_cast %while3A_431 : i32 to index
          %swap3A_496 = arith.constant 48 : index
          %swap3A_497 = tpu.vector_load %arg9[%swap3A_494, %swap3A_495, %swap3A_496] {strides = array<i32>} : memref<2x48x128xf32, #tpu.memory_space<vmem>>, vector<16xf32>,
          tpu.vector_store %arg9[%swap3A_494, %swap3A_495, %swap3A_496], %gather3A_493 {strides = array<i32>} : memref<2x48x128xf32, #tpu.memory_space<vmem>>, vector<16xf32>,
          %broadcast_in_dim3A_498 = vector.broadcast %while3A_431 : i32 to vector<16xi32>
          %broadcast_in_dim3A_499 = vector.broadcast %squeeze3A_443 : i32 to vector<16xi32>
          %eq3A_500 = arith.constant 0 : i32
          %eq3A_501 = vector.broadcast %eq3A_500 : i32 to vector<16xi32>
          %eq3A_502 = arith.cmpi eq, %iota3A, %eq3A_501 : vector<16xi32>
          %scatter3A = arith.constant 0 : i32
          %scatter3A_503 = tpu.memref_slice %arg10[%while3A_432, %scatter3A] : memref<2x64xi32, #tpu.memory_space<vmem>> -> memref<1x64xi32, #tpu.memory_space<vmem>>
          %scatter3A_504 = tpu.memref_squeeze %scatter3A_503 : memref<1x64xi32, #tpu.memory_space<vmem>> -> memref<64xi32, #tpu.memory_space<vmem>>
          tpu.vector_store_idx %scatter3A_504[%broadcast_in_dim3A_498], %broadcast_in_dim3A_499 masked %eq3A_502 : memref<64xi32, #tpu.memory_space<vmem>>[vector<16xi32>], vector<16xi32>, vector<16xi1>
          %add3A_505 = arith.constant 1 : i32
          %add3A_506 = arith.addi %while3A_431, %add3A_505 : i32
          %ge3A_507 = arith.constant 48 : i32
          %ge3A_508 = arith.cmpi sge, %add3A_506, %ge3A_507 : i32
          %eq3A_509 = arith.constant 0 : i32
          %eq3A_510 = arith.cmpi eq, %while3A_432, %eq3A_509 : i32
          %and3A_511 = arith.andi %ge3A_508, %eq3A_510 : i1
          %convert_element_type3A_512 = arith.extui %and3A_511 : i1 to i32
          %cond3A_513 = arith.constant 0 : i32
          %cond3A_514 = arith.cmpi ne, %convert_element_type3A_512, %cond3A_513 : i32
          scf.if %cond3A_514 {
            %dma_start3A = arith.constant 0 : i32
            %dma_start3A_533 = arith.constant 0 : i32
            %dma_start3A_534 = arith.constant 0 : i32
            %dma_start3A_535 = arith.constant 0 : i32
            %dma_start3A_536 = tpu.memref_slice %arg9[%dma_start3A, %dma_start3A_534, %dma_start3A_535] : memref<2x48x128xf32, #tpu.memory_space<vmem>> -> memref<1x48x128xf32, #tpu.memory_space<vmem>>
            %dma_start3A_537 = tpu.memref_squeeze %dma_start3A_536 : memref<1x48x128xf32, #tpu.memory_space<vmem>> -> memref<48x128xf32, #tpu.memory_space<vmem>>
            %dma_start3A_538 = arith.constant 0 : i32
            %dma_start3A_539 = tpu.memref_slice %arg10[%dma_start3A_533, %dma_start3A_538] : memref<2x64xi32, #tpu.memory_space<vmem>> -> memref<1x48xi32, #tpu.memory_space<vmem>>
            %dma_start3A_540 = tpu.memref_squeeze %dma_start3A_539 : memref<1x48xi32, #tpu.memory_space<vmem>> -> memref<48xi32, #tpu.memory_space<vmem>>
            %dma_start3A_541 = arith.constant 0 : i32
            %dma_start3A_542 = arith.constant 0 : i32
            %dma_start3A_543 = tpu.memref_slice %arg4[%dma_start3A_541, %dma_start3A_542] : memref<16448x128xf32, #tpu.memory_space<hbm>> -> memref<16448x128xf32, #tpu.memory_space<hbm>>
            tpu.enqueue_indirect_dma source(%dma_start3A_537 : memref<48x128xf32, #tpu.memory_space<vmem>>) target(%dma_start3A_543 : memref<16448x128xf32, #tpu.memory_space<hbm>>) offsets(%dma_start3A_540 : memref<48xi32, #tpu.memory_space<vmem>>) semaphore(%arg19 : memref<!tpu.dma_semaphore, #tpu.memory_space<semaphore_mem>>)
            %ge3A_544 = arith.constant 1 : i32
            %ge3A_545 = arith.cmpi sge, %while3A_433, %ge3A_544 : i32
            %convert_element_type3A_546 = arith.extui %ge3A_545 : i1 to i32
            %cond3A_547 = arith.constant 0 : i32
            %cond3A_548 = arith.cmpi ne, %convert_element_type3A_546, %cond3A_547 : i32
            scf.if %cond3A_548 {
              %dma_wait3A = arith.constant 1 : i32
              %dma_wait3A_573 = arith.constant 1 : i32
              %dma_wait3A_574 = arith.constant 0 : i32
              %dma_wait3A_575 = arith.constant 0 : i32
              %dma_wait3A_576 = tpu.memref_slice %arg9[%dma_wait3A, %dma_wait3A_574, %dma_wait3A_575] : memref<2x48x128xf32, #tpu.memory_space<vmem>> -> memref<1x48x128xf32, #tpu.memory_space<vmem>>
              %dma_wait3A_577 = tpu.memref_squeeze %dma_wait3A_576 : memref<1x48x128xf32, #tpu.memory_space<vmem>> -> memref<48x128xf32, #tpu.memory_space<vmem>>
              %dma_wait3A_578 = arith.constant 0 : i32
              %dma_wait3A_579 = tpu.memref_slice %arg10[%dma_wait3A_573, %dma_wait3A_578] : memref<2x64xi32, #tpu.memory_space<vmem>> -> memref<1x48xi32, #tpu.memory_space<vmem>>
              %dma_wait3A_580 = tpu.memref_squeeze %dma_wait3A_579 : memref<1x48xi32, #tpu.memory_space<vmem>> -> memref<48xi32, #tpu.memory_space<vmem>>
              %dma_wait3A_581 = arith.constant 0 : i32
              %dma_wait3A_582 = arith.constant 0 : i32
              %dma_wait3A_583 = tpu.memref_slice %arg4[%dma_wait3A_581, %dma_wait3A_582] : memref<16448x128xf32, #tpu.memory_space<hbm>> -> memref<16448x128xf32, #tpu.memory_space<hbm>>
              tpu.wait_indirect_dma semaphore(%arg20 : memref<!tpu.dma_semaphore, #tpu.memory_space<semaphore_mem>>) src(%dma_wait3A_577 : memref<48x128xf32, #tpu.memory_space<vmem>>) dst(%dma_wait3A_583 : memref<16448x128xf32, #tpu.memory_space<hbm>>)
            } else {
            }
            %broadcast_in_dim3A_549 = arith.constant 16384 : i32
            %broadcast_in_dim3A_550 = vector.broadcast %broadcast_in_dim3A_549 : i32 to vector<16xi32>
            %swap3A_551 = arith.constant 1 : i32
            %swap3A_552 = arith.index_cast %swap3A_551 : i32 to index
            %swap3A_553 = arith.constant 0 : index
            %swap3A_554 = tpu.vector_load %arg10[%swap3A_552, %swap3A_553] {strides = array<i32>} : memref<2x64xi32, #tpu.memory_space<vmem>>, vector<16xi32>,
            tpu.vector_store %arg10[%swap3A_552, %swap3A_553], %broadcast_in_dim3A_550 {strides = array<i32>} : memref<2x64xi32, #tpu.memory_space<vmem>>, vector<16xi32>,
            %broadcast_in_dim3A_555 = arith.constant 16384 : i32
            %broadcast_in_dim3A_556 = vector.broadcast %broadcast_in_dim3A_555 : i32 to vector<16xi32>
            %swap3A_557 = arith.constant 1 : i32
            %swap3A_558 = arith.index_cast %swap3A_557 : i32 to index
            %swap3A_559 = arith.constant 16 : index
            %swap3A_560 = tpu.vector_load %arg10[%swap3A_558, %swap3A_559] {strides = array<i32>} : memref<2x64xi32, #tpu.memory_space<vmem>>, vector<16xi32>,
            tpu.vector_store %arg10[%swap3A_558, %swap3A_559], %broadcast_in_dim3A_556 {strides = array<i32>} : memref<2x64xi32, #tpu.memory_space<vmem>>, vector<16xi32>,
            %broadcast_in_dim3A_561 = arith.constant 16384 : i32
            %broadcast_in_dim3A_562 = vector.broadcast %broadcast_in_dim3A_561 : i32 to vector<16xi32>
            %swap3A_563 = arith.constant 1 : i32
            %swap3A_564 = arith.index_cast %swap3A_563 : i32 to index
            %swap3A_565 = arith.constant 32 : index
            %swap3A_566 = tpu.vector_load %arg10[%swap3A_564, %swap3A_565] {strides = array<i32>} : memref<2x64xi32, #tpu.memory_space<vmem>>, vector<16xi32>,
            tpu.vector_store %arg10[%swap3A_564, %swap3A_565], %broadcast_in_dim3A_562 {strides = array<i32>} : memref<2x64xi32, #tpu.memory_space<vmem>>, vector<16xi32>,
            %broadcast_in_dim3A_567 = arith.constant 16384 : i32
            %broadcast_in_dim3A_568 = vector.broadcast %broadcast_in_dim3A_567 : i32 to vector<16xi32>
            %swap3A_569 = arith.constant 1 : i32
            %swap3A_570 = arith.index_cast %swap3A_569 : i32 to index
            %swap3A_571 = arith.constant 48 : index
            %swap3A_572 = tpu.vector_load %arg10[%swap3A_570, %swap3A_571] {strides = array<i32>} : memref<2x64xi32, #tpu.memory_space<vmem>>, vector<16xi32>,
            tpu.vector_store %arg10[%swap3A_570, %swap3A_571], %broadcast_in_dim3A_568 {strides = array<i32>} : memref<2x64xi32, #tpu.memory_space<vmem>>, vector<16xi32>,
          } else {
          }
          %eq3A_515 = arith.constant 1 : i32
          %eq3A_516 = arith.cmpi eq, %while3A_432, %eq3A_515 : i32
          %and3A_517 = arith.andi %ge3A_508, %eq3A_516 : i1
          %convert_element_type3A_518 = arith.extui %and3A_517 : i1 to i32
          %cond3A_519 = arith.constant 0 : i32
          %cond3A_520 = arith.cmpi ne, %convert_element_type3A_518, %cond3A_519 : i32
          scf.if %cond3A_520 {
            %dma_start3A = arith.constant 1 : i32
            %dma_start3A_533 = arith.constant 1 : i32
            %dma_start3A_534 = arith.constant 0 : i32
            %dma_start3A_535 = arith.constant 0 : i32
            %dma_start3A_536 = tpu.memref_slice %arg9[%dma_start3A, %dma_start3A_534, %dma_start3A_535] : memref<2x48x128xf32, #tpu.memory_space<vmem>> -> memref<1x48x128xf32, #tpu.memory_space<vmem>>
            %dma_start3A_537 = tpu.memref_squeeze %dma_start3A_536 : memref<1x48x128xf32, #tpu.memory_space<vmem>> -> memref<48x128xf32, #tpu.memory_space<vmem>>
            %dma_start3A_538 = arith.constant 0 : i32
            %dma_start3A_539 = tpu.memref_slice %arg10[%dma_start3A_533, %dma_start3A_538] : memref<2x64xi32, #tpu.memory_space<vmem>> -> memref<1x48xi32, #tpu.memory_space<vmem>>
            %dma_start3A_540 = tpu.memref_squeeze %dma_start3A_539 : memref<1x48xi32, #tpu.memory_space<vmem>> -> memref<48xi32, #tpu.memory_space<vmem>>
            %dma_start3A_541 = arith.constant 0 : i32
            %dma_start3A_542 = arith.constant 0 : i32
            %dma_start3A_543 = tpu.memref_slice %arg4[%dma_start3A_541, %dma_start3A_542] : memref<16448x128xf32, #tpu.memory_space<hbm>> -> memref<16448x128xf32, #tpu.memory_space<hbm>>
            tpu.enqueue_indirect_dma source(%dma_start3A_537 : memref<48x128xf32, #tpu.memory_space<vmem>>) target(%dma_start3A_543 : memref<16448x128xf32, #tpu.memory_space<hbm>>) offsets(%dma_start3A_540 : memref<48xi32, #tpu.memory_space<vmem>>) semaphore(%arg20 : memref<!tpu.dma_semaphore, #tpu.memory_space<semaphore_mem>>)
            %ge3A_544 = arith.constant 1 : i32
            %ge3A_545 = arith.cmpi sge, %while3A_433, %ge3A_544 : i32
            %convert_element_type3A_546 = arith.extui %ge3A_545 : i1 to i32
            %cond3A_547 = arith.constant 0 : i32
            %cond3A_548 = arith.cmpi ne, %convert_element_type3A_546, %cond3A_547 : i32
            scf.if %cond3A_548 {
              %dma_wait3A = arith.constant 0 : i32
              %dma_wait3A_573 = arith.constant 0 : i32
              %dma_wait3A_574 = arith.constant 0 : i32
              %dma_wait3A_575 = arith.constant 0 : i32
              %dma_wait3A_576 = tpu.memref_slice %arg9[%dma_wait3A, %dma_wait3A_574, %dma_wait3A_575] : memref<2x48x128xf32, #tpu.memory_space<vmem>> -> memref<1x48x128xf32, #tpu.memory_space<vmem>>
              %dma_wait3A_577 = tpu.memref_squeeze %dma_wait3A_576 : memref<1x48x128xf32, #tpu.memory_space<vmem>> -> memref<48x128xf32, #tpu.memory_space<vmem>>
              %dma_wait3A_578 = arith.constant 0 : i32
              %dma_wait3A_579 = tpu.memref_slice %arg10[%dma_wait3A_573, %dma_wait3A_578] : memref<2x64xi32, #tpu.memory_space<vmem>> -> memref<1x48xi32, #tpu.memory_space<vmem>>
              %dma_wait3A_580 = tpu.memref_squeeze %dma_wait3A_579 : memref<1x48xi32, #tpu.memory_space<vmem>> -> memref<48xi32, #tpu.memory_space<vmem>>
              %dma_wait3A_581 = arith.constant 0 : i32
              %dma_wait3A_582 = arith.constant 0 : i32
              %dma_wait3A_583 = tpu.memref_slice %arg4[%dma_wait3A_581, %dma_wait3A_582] : memref<16448x128xf32, #tpu.memory_space<hbm>> -> memref<16448x128xf32, #tpu.memory_space<hbm>>
              tpu.wait_indirect_dma semaphore(%arg19 : memref<!tpu.dma_semaphore, #tpu.memory_space<semaphore_mem>>) src(%dma_wait3A_577 : memref<48x128xf32, #tpu.memory_space<vmem>>) dst(%dma_wait3A_583 : memref<16448x128xf32, #tpu.memory_space<hbm>>)
            } else {
            }
            %broadcast_in_dim3A_549 = arith.constant 16384 : i32
            %broadcast_in_dim3A_550 = vector.broadcast %broadcast_in_dim3A_549 : i32 to vector<16xi32>
            %swap3A_551 = arith.constant 0 : i32
            %swap3A_552 = arith.index_cast %swap3A_551 : i32 to index
            %swap3A_553 = arith.constant 0 : index
            %swap3A_554 = tpu.vector_load %arg10[%swap3A_552, %swap3A_553] {strides = array<i32>} : memref<2x64xi32, #tpu.memory_space<vmem>>, vector<16xi32>,
            tpu.vector_store %arg10[%swap3A_552, %swap3A_553], %broadcast_in_dim3A_550 {strides = array<i32>} : memref<2x64xi32, #tpu.memory_space<vmem>>, vector<16xi32>,
            %broadcast_in_dim3A_555 = arith.constant 16384 : i32
            %broadcast_in_dim3A_556 = vector.broadcast %broadcast_in_dim3A_555 : i32 to vector<16xi32>
            %swap3A_557 = arith.constant 0 : i32
            %swap3A_558 = arith.index_cast %swap3A_557 : i32 to index
            %swap3A_559 = arith.constant 16 : index
            %swap3A_560 = tpu.vector_load %arg10[%swap3A_558, %swap3A_559] {strides = array<i32>} : memref<2x64xi32, #tpu.memory_space<vmem>>, vector<16xi32>,
            tpu.vector_store %arg10[%swap3A_558, %swap3A_559], %broadcast_in_dim3A_556 {strides = array<i32>} : memref<2x64xi32, #tpu.memory_space<vmem>>, vector<16xi32>,
            %broadcast_in_dim3A_561 = arith.constant 16384 : i32
            %broadcast_in_dim3A_562 = vector.broadcast %broadcast_in_dim3A_561 : i32 to vector<16xi32>
            %swap3A_563 = arith.constant 0 : i32
            %swap3A_564 = arith.index_cast %swap3A_563 : i32 to index
            %swap3A_565 = arith.constant 32 : index
            %swap3A_566 = tpu.vector_load %arg10[%swap3A_564, %swap3A_565] {strides = array<i32>} : memref<2x64xi32, #tpu.memory_space<vmem>>, vector<16xi32>,
            tpu.vector_store %arg10[%swap3A_564, %swap3A_565], %broadcast_in_dim3A_562 {strides = array<i32>} : memref<2x64xi32, #tpu.memory_space<vmem>>, vector<16xi32>,
            %broadcast_in_dim3A_567 = arith.constant 16384 : i32
            %broadcast_in_dim3A_568 = vector.broadcast %broadcast_in_dim3A_567 : i32 to vector<16xi32>
            %swap3A_569 = arith.constant 0 : i32
            %swap3A_570 = arith.index_cast %swap3A_569 : i32 to index
            %swap3A_571 = arith.constant 48 : index
            %swap3A_572 = tpu.vector_load %arg10[%swap3A_570, %swap3A_571] {strides = array<i32>} : memref<2x64xi32, #tpu.memory_space<vmem>>, vector<16xi32>,
            tpu.vector_store %arg10[%swap3A_570, %swap3A_571], %broadcast_in_dim3A_568 {strides = array<i32>} : memref<2x64xi32, #tpu.memory_space<vmem>>, vector<16xi32>,
          } else {
          }
          %jit3A_521 = arith.constant 1 : i32
          %jit3A_522 = arith.constant 0 : i32
          %select_n3A_523 = arith.select %ge3A_508, %jit3A_521, %jit3A_522 : i32
          %sub3A_524 = arith.constant 1 : i32
          %sub3A_525 = arith.subi %sub3A_524, %while3A_432 : i32
          %select_n3A_526 = arith.select %ge3A_508, %sub3A_525, %while3A_432 : i32
          %jit3A_527 = arith.constant 0 : i32
          %select_n3A_528 = arith.select %ge3A_508, %jit3A_527, %add3A_506 : i32
          %ne3A_529 = vector.broadcast %squeeze3A : i32 to vector<16xi32>
          %ne3A_530 = arith.cmpi ne, %iota3A, %ne3A_529 : vector<16xi32>
          %and3A_531 = arith.andi %while3A_430, %ne3A_530 : vector<16xi1>
          %add3A_532 = arith.addi %while3A_433, %select_n3A_523 : i32
          scf.yield %and3A_531, %select_n3A_528, %select_n3A_526, %add3A_532 : vector<16xi1>, i32, i32, i32
        }
        scf.yield %while3A_429#1, %while3A_429#2, %while3A_429#3 : i32, i32, i32
      }
      %while3A_243 = arith.constant 1 : i32
      %while3A_244:3 = scf.for %while3A_411 = %while3A_240 to %while3A_236 step %while3A_243 iter_args(%while3A_412 = %while3A_242#0, %while3A_413 = %while3A_242#1, %while3A_414 = %while3A_242#2) -> (i32, i32, i32)  : i32 {
        %mul3A_415 = arith.constant 16 : i32
        %mul3A_416 = arith.muli %while3A_411, %mul3A_415 : i32
        %get3A = arith.index_cast %mul3A_416 : i32 to index
        %get3A_417 = tpu.vector_load %arg6[%get3A] {strides = array<i32>} : memref<16400xi32, #tpu.memory_space<vmem>>, vector<16xi32>,
        %add3A_418 = vector.broadcast %mul3A_416 : i32 to vector<16xi32>
        %add3A_419 = arith.addi %iota3A, %add3A_418 : vector<16xi32>
        %lt3A_420 = vector.broadcast %scan3A_11 : i32 to vector<16xi32>
        %lt3A_421 = arith.cmpi slt, %add3A_419, %lt3A_420 : vector<16xi32>
        %ge3A = vector.broadcast %mul3A_234 : i32 to vector<16xi32>
        %ge3A_422 = arith.cmpi sge, %get3A_417, %ge3A : vector<16xi32>
        %add3A_423 = arith.constant 512 : i32
        %add3A_424 = arith.addi %mul3A_234, %add3A_423 : i32
        %lt3A_425 = vector.broadcast %add3A_424 : i32 to vector<16xi32>
        %lt3A_426 = arith.cmpi slt, %get3A_417, %lt3A_425 : vector<16xi32>
        %and3A_427 = arith.andi %ge3A_422, %lt3A_426 : vector<16xi1>
        %and3A_428 = arith.andi %lt3A_421, %and3A_427 : vector<16xi1>
        %while3A_429:4 = scf.while (%while3A_430 = %and3A_428, %while3A_431 = %while3A_412, %while3A_432 = %while3A_413, %while3A_433 = %while3A_414) : (vector<16xi1>, i32, i32, i32) -> (vector<16xi1>, i32, i32, i32) {
          %all_reduce_population_count3A = tpu.all_reduce %while3A_430 {dim = 0 : i64, kind = #tpu.reduction_kind<sum>} : vector<16xi1> -> vector<16xi32>
          %slice3A = vector.extract_strided_slice %all_reduce_population_count3A {offsets = [0], sizes = [1], strides = [1]} : vector<16xi32> to vector<1xi32>
          %squeeze3A = vector.extract %slice3A[0] : i32 from vector<1xi32>
          %gt3A = arith.constant 0 : i32
          %gt3A_434 = arith.cmpi sgt, %squeeze3A, %gt3A : i32
          scf.condition(%gt3A_434) %while3A_430, %while3A_431, %while3A_432, %while3A_433 : vector<16xi1>, i32, i32, i32
        } do {
        ^bb0(%while3A_430: vector<16xi1>, %while3A_431: i32, %while3A_432: i32, %while3A_433: i32):
          %all_reduce_ffs3A = tpu.all_reduce %while3A_430 {dim = 0 : i64, kind = #tpu.reduction_kind<find_first_set>} : vector<16xi1> -> vector<16xi32>
          %slice3A = vector.extract_strided_slice %all_reduce_ffs3A {offsets = [0], sizes = [1], strides = [1]} : vector<16xi32> to vector<1xi32>
          %squeeze3A = vector.extract %slice3A[0] : i32 from vector<1xi32>
          %add3A_434 = arith.addi %mul3A_416, %squeeze3A : i32
          %get3A_435 = arith.index_cast %add3A_434 : i32 to index
          %get3A_436 = tpu.vector_load %arg6[%get3A_435] {strides = array<i32>} : memref<16400xi32, #tpu.memory_space<vmem>>, vector<16xi32>,
          %slice3A_437 = vector.extract_strided_slice %get3A_436 {offsets = [0], sizes = [1], strides = [1]} : vector<16xi32> to vector<1xi32>
          %squeeze3A_438 = vector.extract %slice3A_437[0] : i32 from vector<1xi32>
          %add3A_439 = arith.addi %mul3A_416, %squeeze3A : i32
          %get3A_440 = arith.index_cast %add3A_439 : i32 to index
          %get3A_441 = tpu.vector_load %arg7[%get3A_440] {strides = array<i32>} : memref<16400xi32, #tpu.memory_space<vmem>>, vector<16xi32>,
          %slice3A_442 = vector.extract_strided_slice %get3A_441 {offsets = [0], sizes = [1], strides = [1]} : vector<16xi32> to vector<1xi32>
          %squeeze3A_443 = vector.extract %slice3A_442[0] : i32 from vector<1xi32>
          %shift_right_logical3A = arith.constant 7 : i32
          %shift_right_logical3A_444 = arith.shrui %squeeze3A_438, %shift_right_logical3A : i32
          %sub3A_445 = arith.subi %shift_right_logical3A_444, %mul3A_2 : i32
          %and3A_446 = arith.constant 7 : i32
          %and3A_447 = arith.andi %sub3A_445, %and3A_446 : i32
          %and3A_448 = arith.constant 127 : i32
          %and3A_449 = arith.andi %squeeze3A_438, %and3A_448 : i32
          %broadcast_in_dim3A_450 = vector.broadcast %and3A_449 : i32 to vector<16xi32>
          %add3A_451 = arith.constant 0 : i32
          %add3A_452 = vector.broadcast %add3A_451 : i32 to vector<16xi32>
          %add3A_453 = arith.addi %iota3A, %add3A_452 : vector<16xi32>
          %gather3A = arith.constant 0 : i32
          %gather3A_454 = arith.constant 0 : i32
          %gather3A_455 = tpu.memref_slice %arg8[%and3A_447, %gather3A, %gather3A_454] : memref<8x64x128xf32, #tpu.memory_space<vmem>> -> memref<1x64x128xf32, #tpu.memory_space<vmem>>
          %gather3A_456 = tpu.memref_squeeze %gather3A_455 : memref<1x64x128xf32, #tpu.memory_space<vmem>> -> memref<64x128xf32, #tpu.memory_space<vmem>>
          %gather3A_457 = tpu.vector_load_idx %gather3A_456[%add3A_453, %broadcast_in_dim3A_450] : memref<64x128xf32, #tpu.memory_space<vmem>>[vector<16xi32>, vector<16xi32>], vector<16xf32>,
          %swap3A_458 = arith.index_cast %while3A_432 : i32 to index
          %swap3A_459 = arith.index_cast %while3A_431 : i32 to index
          %swap3A_460 = arith.constant 0 : index
          %swap3A_461 = tpu.vector_load %arg9[%swap3A_458, %swap3A_459, %swap3A_460] {strides = array<i32>} : memref<2x48x128xf32, #tpu.memory_space<vmem>>, vector<16xf32>,
          tpu.vector_store %arg9[%swap3A_458, %swap3A_459, %swap3A_460], %gather3A_457 {strides = array<i32>} : memref<2x48x128xf32, #tpu.memory_space<vmem>>, vector<16xf32>,
          %add3A_462 = arith.constant 16 : i32
          %add3A_463 = vector.broadcast %add3A_462 : i32 to vector<16xi32>
          %add3A_464 = arith.addi %iota3A, %add3A_463 : vector<16xi32>
          %gather3A_465 = arith.constant 0 : i32
          %gather3A_466 = arith.constant 0 : i32
          %gather3A_467 = tpu.memref_slice %arg8[%and3A_447, %gather3A_465, %gather3A_466] : memref<8x64x128xf32, #tpu.memory_space<vmem>> -> memref<1x64x128xf32, #tpu.memory_space<vmem>>
          %gather3A_468 = tpu.memref_squeeze %gather3A_467 : memref<1x64x128xf32, #tpu.memory_space<vmem>> -> memref<64x128xf32, #tpu.memory_space<vmem>>
          %gather3A_469 = tpu.vector_load_idx %gather3A_468[%add3A_464, %broadcast_in_dim3A_450] : memref<64x128xf32, #tpu.memory_space<vmem>>[vector<16xi32>, vector<16xi32>], vector<16xf32>,
          %swap3A_470 = arith.index_cast %while3A_432 : i32 to index
          %swap3A_471 = arith.index_cast %while3A_431 : i32 to index
          %swap3A_472 = arith.constant 16 : index
          %swap3A_473 = tpu.vector_load %arg9[%swap3A_470, %swap3A_471, %swap3A_472] {strides = array<i32>} : memref<2x48x128xf32, #tpu.memory_space<vmem>>, vector<16xf32>,
          tpu.vector_store %arg9[%swap3A_470, %swap3A_471, %swap3A_472], %gather3A_469 {strides = array<i32>} : memref<2x48x128xf32, #tpu.memory_space<vmem>>, vector<16xf32>,
          %add3A_474 = arith.constant 32 : i32
          %add3A_475 = vector.broadcast %add3A_474 : i32 to vector<16xi32>
          %add3A_476 = arith.addi %iota3A, %add3A_475 : vector<16xi32>
          %gather3A_477 = arith.constant 0 : i32
          %gather3A_478 = arith.constant 0 : i32
          %gather3A_479 = tpu.memref_slice %arg8[%and3A_447, %gather3A_477, %gather3A_478] : memref<8x64x128xf32, #tpu.memory_space<vmem>> -> memref<1x64x128xf32, #tpu.memory_space<vmem>>
          %gather3A_480 = tpu.memref_squeeze %gather3A_479 : memref<1x64x128xf32, #tpu.memory_space<vmem>> -> memref<64x128xf32, #tpu.memory_space<vmem>>
          %gather3A_481 = tpu.vector_load_idx %gather3A_480[%add3A_476, %broadcast_in_dim3A_450] : memref<64x128xf32, #tpu.memory_space<vmem>>[vector<16xi32>, vector<16xi32>], vector<16xf32>,
          %swap3A_482 = arith.index_cast %while3A_432 : i32 to index
          %swap3A_483 = arith.index_cast %while3A_431 : i32 to index
          %swap3A_484 = arith.constant 32 : index
          %swap3A_485 = tpu.vector_load %arg9[%swap3A_482, %swap3A_483, %swap3A_484] {strides = array<i32>} : memref<2x48x128xf32, #tpu.memory_space<vmem>>, vector<16xf32>,
          tpu.vector_store %arg9[%swap3A_482, %swap3A_483, %swap3A_484], %gather3A_481 {strides = array<i32>} : memref<2x48x128xf32, #tpu.memory_space<vmem>>, vector<16xf32>,
          %add3A_486 = arith.constant 48 : i32
          %add3A_487 = vector.broadcast %add3A_486 : i32 to vector<16xi32>
          %add3A_488 = arith.addi %iota3A, %add3A_487 : vector<16xi32>
          %gather3A_489 = arith.constant 0 : i32
          %gather3A_490 = arith.constant 0 : i32
          %gather3A_491 = tpu.memref_slice %arg8[%and3A_447, %gather3A_489, %gather3A_490] : memref<8x64x128xf32, #tpu.memory_space<vmem>> -> memref<1x64x128xf32, #tpu.memory_space<vmem>>
          %gather3A_492 = tpu.memref_squeeze %gather3A_491 : memref<1x64x128xf32, #tpu.memory_space<vmem>> -> memref<64x128xf32, #tpu.memory_space<vmem>>
          %gather3A_493 = tpu.vector_load_idx %gather3A_492[%add3A_488, %broadcast_in_dim3A_450] : memref<64x128xf32, #tpu.memory_space<vmem>>[vector<16xi32>, vector<16xi32>], vector<16xf32>,
          %swap3A_494 = arith.index_cast %while3A_432 : i32 to index
          %swap3A_495 = arith.index_cast %while3A_431 : i32 to index
          %swap3A_496 = arith.constant 48 : index
          %swap3A_497 = tpu.vector_load %arg9[%swap3A_494, %swap3A_495, %swap3A_496] {strides = array<i32>} : memref<2x48x128xf32, #tpu.memory_space<vmem>>, vector<16xf32>,
          tpu.vector_store %arg9[%swap3A_494, %swap3A_495, %swap3A_496], %gather3A_493 {strides = array<i32>} : memref<2x48x128xf32, #tpu.memory_space<vmem>>, vector<16xf32>,
          %broadcast_in_dim3A_498 = vector.broadcast %while3A_431 : i32 to vector<16xi32>
          %broadcast_in_dim3A_499 = vector.broadcast %squeeze3A_443 : i32 to vector<16xi32>
          %eq3A_500 = arith.constant 0 : i32
          %eq3A_501 = vector.broadcast %eq3A_500 : i32 to vector<16xi32>
          %eq3A_502 = arith.cmpi eq, %iota3A, %eq3A_501 : vector<16xi32>
          %scatter3A = arith.constant 0 : i32
          %scatter3A_503 = tpu.memref_slice %arg10[%while3A_432, %scatter3A] : memref<2x64xi32, #tpu.memory_space<vmem>> -> memref<1x64xi32, #tpu.memory_space<vmem>>
          %scatter3A_504 = tpu.memref_squeeze %scatter3A_503 : memref<1x64xi32, #tpu.memory_space<vmem>> -> memref<64xi32, #tpu.memory_space<vmem>>
          tpu.vector_store_idx %scatter3A_504[%broadcast_in_dim3A_498], %broadcast_in_dim3A_499 masked %eq3A_502 : memref<64xi32, #tpu.memory_space<vmem>>[vector<16xi32>], vector<16xi32>, vector<16xi1>
          %add3A_505 = arith.constant 1 : i32
          %add3A_506 = arith.addi %while3A_431, %add3A_505 : i32
          %ge3A_507 = arith.constant 48 : i32
          %ge3A_508 = arith.cmpi sge, %add3A_506, %ge3A_507 : i32
          %eq3A_509 = arith.constant 0 : i32
          %eq3A_510 = arith.cmpi eq, %while3A_432, %eq3A_509 : i32
          %and3A_511 = arith.andi %ge3A_508, %eq3A_510 : i1
          %convert_element_type3A_512 = arith.extui %and3A_511 : i1 to i32
          %cond3A_513 = arith.constant 0 : i32
          %cond3A_514 = arith.cmpi ne, %convert_element_type3A_512, %cond3A_513 : i32
          scf.if %cond3A_514 {
            %dma_start3A = arith.constant 0 : i32
            %dma_start3A_533 = arith.constant 0 : i32
            %dma_start3A_534 = arith.constant 0 : i32
            %dma_start3A_535 = arith.constant 0 : i32
            %dma_start3A_536 = tpu.memref_slice %arg9[%dma_start3A, %dma_start3A_534, %dma_start3A_535] : memref<2x48x128xf32, #tpu.memory_space<vmem>> -> memref<1x48x128xf32, #tpu.memory_space<vmem>>
            %dma_start3A_537 = tpu.memref_squeeze %dma_start3A_536 : memref<1x48x128xf32, #tpu.memory_space<vmem>> -> memref<48x128xf32, #tpu.memory_space<vmem>>
            %dma_start3A_538 = arith.constant 0 : i32
            %dma_start3A_539 = tpu.memref_slice %arg10[%dma_start3A_533, %dma_start3A_538] : memref<2x64xi32, #tpu.memory_space<vmem>> -> memref<1x48xi32, #tpu.memory_space<vmem>>
            %dma_start3A_540 = tpu.memref_squeeze %dma_start3A_539 : memref<1x48xi32, #tpu.memory_space<vmem>> -> memref<48xi32, #tpu.memory_space<vmem>>
            %dma_start3A_541 = arith.constant 0 : i32
            %dma_start3A_542 = arith.constant 0 : i32
            %dma_start3A_543 = tpu.memref_slice %arg4[%dma_start3A_541, %dma_start3A_542] : memref<16448x128xf32, #tpu.memory_space<hbm>> -> memref<16448x128xf32, #tpu.memory_space<hbm>>
            tpu.enqueue_indirect_dma source(%dma_start3A_537 : memref<48x128xf32, #tpu.memory_space<vmem>>) target(%dma_start3A_543 : memref<16448x128xf32, #tpu.memory_space<hbm>>) offsets(%dma_start3A_540 : memref<48xi32, #tpu.memory_space<vmem>>) semaphore(%arg19 : memref<!tpu.dma_semaphore, #tpu.memory_space<semaphore_mem>>)
            %ge3A_544 = arith.constant 1 : i32
            %ge3A_545 = arith.cmpi sge, %while3A_433, %ge3A_544 : i32
            %convert_element_type3A_546 = arith.extui %ge3A_545 : i1 to i32
            %cond3A_547 = arith.constant 0 : i32
            %cond3A_548 = arith.cmpi ne, %convert_element_type3A_546, %cond3A_547 : i32
            scf.if %cond3A_548 {
              %dma_wait3A = arith.constant 1 : i32
              %dma_wait3A_573 = arith.constant 1 : i32
              %dma_wait3A_574 = arith.constant 0 : i32
              %dma_wait3A_575 = arith.constant 0 : i32
              %dma_wait3A_576 = tpu.memref_slice %arg9[%dma_wait3A, %dma_wait3A_574, %dma_wait3A_575] : memref<2x48x128xf32, #tpu.memory_space<vmem>> -> memref<1x48x128xf32, #tpu.memory_space<vmem>>
              %dma_wait3A_577 = tpu.memref_squeeze %dma_wait3A_576 : memref<1x48x128xf32, #tpu.memory_space<vmem>> -> memref<48x128xf32, #tpu.memory_space<vmem>>
              %dma_wait3A_578 = arith.constant 0 : i32
              %dma_wait3A_579 = tpu.memref_slice %arg10[%dma_wait3A_573, %dma_wait3A_578] : memref<2x64xi32, #tpu.memory_space<vmem>> -> memref<1x48xi32, #tpu.memory_space<vmem>>
              %dma_wait3A_580 = tpu.memref_squeeze %dma_wait3A_579 : memref<1x48xi32, #tpu.memory_space<vmem>> -> memref<48xi32, #tpu.memory_space<vmem>>
              %dma_wait3A_581 = arith.constant 0 : i32
              %dma_wait3A_582 = arith.constant 0 : i32
              %dma_wait3A_583 = tpu.memref_slice %arg4[%dma_wait3A_581, %dma_wait3A_582] : memref<16448x128xf32, #tpu.memory_space<hbm>> -> memref<16448x128xf32, #tpu.memory_space<hbm>>
              tpu.wait_indirect_dma semaphore(%arg20 : memref<!tpu.dma_semaphore, #tpu.memory_space<semaphore_mem>>) src(%dma_wait3A_577 : memref<48x128xf32, #tpu.memory_space<vmem>>) dst(%dma_wait3A_583 : memref<16448x128xf32, #tpu.memory_space<hbm>>)
            } else {
            }
            %broadcast_in_dim3A_549 = arith.constant 16384 : i32
            %broadcast_in_dim3A_550 = vector.broadcast %broadcast_in_dim3A_549 : i32 to vector<16xi32>
            %swap3A_551 = arith.constant 1 : i32
            %swap3A_552 = arith.index_cast %swap3A_551 : i32 to index
            %swap3A_553 = arith.constant 0 : index
            %swap3A_554 = tpu.vector_load %arg10[%swap3A_552, %swap3A_553] {strides = array<i32>} : memref<2x64xi32, #tpu.memory_space<vmem>>, vector<16xi32>,
            tpu.vector_store %arg10[%swap3A_552, %swap3A_553], %broadcast_in_dim3A_550 {strides = array<i32>} : memref<2x64xi32, #tpu.memory_space<vmem>>, vector<16xi32>,
            %broadcast_in_dim3A_555 = arith.constant 16384 : i32
            %broadcast_in_dim3A_556 = vector.broadcast %broadcast_in_dim3A_555 : i32 to vector<16xi32>
            %swap3A_557 = arith.constant 1 : i32
            %swap3A_558 = arith.index_cast %swap3A_557 : i32 to index
            %swap3A_559 = arith.constant 16 : index
            %swap3A_560 = tpu.vector_load %arg10[%swap3A_558, %swap3A_559] {strides = array<i32>} : memref<2x64xi32, #tpu.memory_space<vmem>>, vector<16xi32>,
            tpu.vector_store %arg10[%swap3A_558, %swap3A_559], %broadcast_in_dim3A_556 {strides = array<i32>} : memref<2x64xi32, #tpu.memory_space<vmem>>, vector<16xi32>,
            %broadcast_in_dim3A_561 = arith.constant 16384 : i32
            %broadcast_in_dim3A_562 = vector.broadcast %broadcast_in_dim3A_561 : i32 to vector<16xi32>
            %swap3A_563 = arith.constant 1 : i32
            %swap3A_564 = arith.index_cast %swap3A_563 : i32 to index
            %swap3A_565 = arith.constant 32 : index
            %swap3A_566 = tpu.vector_load %arg10[%swap3A_564, %swap3A_565] {strides = array<i32>} : memref<2x64xi32, #tpu.memory_space<vmem>>, vector<16xi32>,
            tpu.vector_store %arg10[%swap3A_564, %swap3A_565], %broadcast_in_dim3A_562 {strides = array<i32>} : memref<2x64xi32, #tpu.memory_space<vmem>>, vector<16xi32>,
            %broadcast_in_dim3A_567 = arith.constant 16384 : i32
            %broadcast_in_dim3A_568 = vector.broadcast %broadcast_in_dim3A_567 : i32 to vector<16xi32>
            %swap3A_569 = arith.constant 1 : i32
            %swap3A_570 = arith.index_cast %swap3A_569 : i32 to index
            %swap3A_571 = arith.constant 48 : index
            %swap3A_572 = tpu.vector_load %arg10[%swap3A_570, %swap3A_571] {strides = array<i32>} : memref<2x64xi32, #tpu.memory_space<vmem>>, vector<16xi32>,
            tpu.vector_store %arg10[%swap3A_570, %swap3A_571], %broadcast_in_dim3A_568 {strides = array<i32>} : memref<2x64xi32, #tpu.memory_space<vmem>>, vector<16xi32>,
          } else {
          }
          %eq3A_515 = arith.constant 1 : i32
          %eq3A_516 = arith.cmpi eq, %while3A_432, %eq3A_515 : i32
          %and3A_517 = arith.andi %ge3A_508, %eq3A_516 : i1
          %convert_element_type3A_518 = arith.extui %and3A_517 : i1 to i32
          %cond3A_519 = arith.constant 0 : i32
          %cond3A_520 = arith.cmpi ne, %convert_element_type3A_518, %cond3A_519 : i32
          scf.if %cond3A_520 {
            %dma_start3A = arith.constant 1 : i32
            %dma_start3A_533 = arith.constant 1 : i32
            %dma_start3A_534 = arith.constant 0 : i32
            %dma_start3A_535 = arith.constant 0 : i32
            %dma_start3A_536 = tpu.memref_slice %arg9[%dma_start3A, %dma_start3A_534, %dma_start3A_535] : memref<2x48x128xf32, #tpu.memory_space<vmem>> -> memref<1x48x128xf32, #tpu.memory_space<vmem>>
            %dma_start3A_537 = tpu.memref_squeeze %dma_start3A_536 : memref<1x48x128xf32, #tpu.memory_space<vmem>> -> memref<48x128xf32, #tpu.memory_space<vmem>>
            %dma_start3A_538 = arith.constant 0 : i32
            %dma_start3A_539 = tpu.memref_slice %arg10[%dma_start3A_533, %dma_start3A_538] : memref<2x64xi32, #tpu.memory_space<vmem>> -> memref<1x48xi32, #tpu.memory_space<vmem>>
            %dma_start3A_540 = tpu.memref_squeeze %dma_start3A_539 : memref<1x48xi32, #tpu.memory_space<vmem>> -> memref<48xi32, #tpu.memory_space<vmem>>
            %dma_start3A_541 = arith.constant 0 : i32
            %dma_start3A_542 = arith.constant 0 : i32
            %dma_start3A_543 = tpu.memref_slice %arg4[%dma_start3A_541, %dma_start3A_542] : memref<16448x128xf32, #tpu.memory_space<hbm>> -> memref<16448x128xf32, #tpu.memory_space<hbm>>
            tpu.enqueue_indirect_dma source(%dma_start3A_537 : memref<48x128xf32, #tpu.memory_space<vmem>>) target(%dma_start3A_543 : memref<16448x128xf32, #tpu.memory_space<hbm>>) offsets(%dma_start3A_540 : memref<48xi32, #tpu.memory_space<vmem>>) semaphore(%arg20 : memref<!tpu.dma_semaphore, #tpu.memory_space<semaphore_mem>>)
            %ge3A_544 = arith.constant 1 : i32
            %ge3A_545 = arith.cmpi sge, %while3A_433, %ge3A_544 : i32
            %convert_element_type3A_546 = arith.extui %ge3A_545 : i1 to i32
            %cond3A_547 = arith.constant 0 : i32
            %cond3A_548 = arith.cmpi ne, %convert_element_type3A_546, %cond3A_547 : i32
            scf.if %cond3A_548 {
              %dma_wait3A = arith.constant 0 : i32
              %dma_wait3A_573 = arith.constant 0 : i32
              %dma_wait3A_574 = arith.constant 0 : i32
              %dma_wait3A_575 = arith.constant 0 : i32
              %dma_wait3A_576 = tpu.memref_slice %arg9[%dma_wait3A, %dma_wait3A_574, %dma_wait3A_575] : memref<2x48x128xf32, #tpu.memory_space<vmem>> -> memref<1x48x128xf32, #tpu.memory_space<vmem>>
              %dma_wait3A_577 = tpu.memref_squeeze %dma_wait3A_576 : memref<1x48x128xf32, #tpu.memory_space<vmem>> -> memref<48x128xf32, #tpu.memory_space<vmem>>
              %dma_wait3A_578 = arith.constant 0 : i32
              %dma_wait3A_579 = tpu.memref_slice %arg10[%dma_wait3A_573, %dma_wait3A_578] : memref<2x64xi32, #tpu.memory_space<vmem>> -> memref<1x48xi32, #tpu.memory_space<vmem>>
              %dma_wait3A_580 = tpu.memref_squeeze %dma_wait3A_579 : memref<1x48xi32, #tpu.memory_space<vmem>> -> memref<48xi32, #tpu.memory_space<vmem>>
              %dma_wait3A_581 = arith.constant 0 : i32
              %dma_wait3A_582 = arith.constant 0 : i32
              %dma_wait3A_583 = tpu.memref_slice %arg4[%dma_wait3A_581, %dma_wait3A_582] : memref<16448x128xf32, #tpu.memory_space<hbm>> -> memref<16448x128xf32, #tpu.memory_space<hbm>>
              tpu.wait_indirect_dma semaphore(%arg19 : memref<!tpu.dma_semaphore, #tpu.memory_space<semaphore_mem>>) src(%dma_wait3A_577 : memref<48x128xf32, #tpu.memory_space<vmem>>) dst(%dma_wait3A_583 : memref<16448x128xf32, #tpu.memory_space<hbm>>)
            } else {
            }
            %broadcast_in_dim3A_549 = arith.constant 16384 : i32
            %broadcast_in_dim3A_550 = vector.broadcast %broadcast_in_dim3A_549 : i32 to vector<16xi32>
            %swap3A_551 = arith.constant 0 : i32
            %swap3A_552 = arith.index_cast %swap3A_551 : i32 to index
            %swap3A_553 = arith.constant 0 : index
            %swap3A_554 = tpu.vector_load %arg10[%swap3A_552, %swap3A_553] {strides = array<i32>} : memref<2x64xi32, #tpu.memory_space<vmem>>, vector<16xi32>,
            tpu.vector_store %arg10[%swap3A_552, %swap3A_553], %broadcast_in_dim3A_550 {strides = array<i32>} : memref<2x64xi32, #tpu.memory_space<vmem>>, vector<16xi32>,
            %broadcast_in_dim3A_555 = arith.constant 16384 : i32
            %broadcast_in_dim3A_556 = vector.broadcast %broadcast_in_dim3A_555 : i32 to vector<16xi32>
            %swap3A_557 = arith.constant 0 : i32
            %swap3A_558 = arith.index_cast %swap3A_557 : i32 to index
            %swap3A_559 = arith.constant 16 : index
            %swap3A_560 = tpu.vector_load %arg10[%swap3A_558, %swap3A_559] {strides = array<i32>} : memref<2x64xi32, #tpu.memory_space<vmem>>, vector<16xi32>,
            tpu.vector_store %arg10[%swap3A_558, %swap3A_559], %broadcast_in_dim3A_556 {strides = array<i32>} : memref<2x64xi32, #tpu.memory_space<vmem>>, vector<16xi32>,
            %broadcast_in_dim3A_561 = arith.constant 16384 : i32
            %broadcast_in_dim3A_562 = vector.broadcast %broadcast_in_dim3A_561 : i32 to vector<16xi32>
            %swap3A_563 = arith.constant 0 : i32
            %swap3A_564 = arith.index_cast %swap3A_563 : i32 to index
            %swap3A_565 = arith.constant 32 : index
            %swap3A_566 = tpu.vector_load %arg10[%swap3A_564, %swap3A_565] {strides = array<i32>} : memref<2x64xi32, #tpu.memory_space<vmem>>, vector<16xi32>,
            tpu.vector_store %arg10[%swap3A_564, %swap3A_565], %broadcast_in_dim3A_562 {strides = array<i32>} : memref<2x64xi32, #tpu.memory_space<vmem>>, vector<16xi32>,
            %broadcast_in_dim3A_567 = arith.constant 16384 : i32
            %broadcast_in_dim3A_568 = vector.broadcast %broadcast_in_dim3A_567 : i32 to vector<16xi32>
            %swap3A_569 = arith.constant 0 : i32
            %swap3A_570 = arith.index_cast %swap3A_569 : i32 to index
            %swap3A_571 = arith.constant 48 : index
            %swap3A_572 = tpu.vector_load %arg10[%swap3A_570, %swap3A_571] {strides = array<i32>} : memref<2x64xi32, #tpu.memory_space<vmem>>, vector<16xi32>,
            tpu.vector_store %arg10[%swap3A_570, %swap3A_571], %broadcast_in_dim3A_568 {strides = array<i32>} : memref<2x64xi32, #tpu.memory_space<vmem>>, vector<16xi32>,
          } else {
          }
          %jit3A_521 = arith.constant 1 : i32
          %jit3A_522 = arith.constant 0 : i32
          %select_n3A_523 = arith.select %ge3A_508, %jit3A_521, %jit3A_522 : i32
          %sub3A_524 = arith.constant 1 : i32
          %sub3A_525 = arith.subi %sub3A_524, %while3A_432 : i32
          %select_n3A_526 = arith.select %ge3A_508, %sub3A_525, %while3A_432 : i32
          %jit3A_527 = arith.constant 0 : i32
          %select_n3A_528 = arith.select %ge3A_508, %jit3A_527, %add3A_506 : i32
          %ne3A_529 = vector.broadcast %squeeze3A : i32 to vector<16xi32>
          %ne3A_530 = arith.cmpi ne, %iota3A, %ne3A_529 : vector<16xi32>
          %and3A_531 = arith.andi %while3A_430, %ne3A_530 : vector<16xi1>
          %add3A_532 = arith.addi %while3A_433, %select_n3A_523 : i32
          scf.yield %and3A_531, %select_n3A_528, %select_n3A_526, %add3A_532 : vector<16xi1>, i32, i32, i32
        }
        scf.yield %while3A_429#1, %while3A_429#2, %while3A_429#3 : i32, i32, i32
      }
      %add3A_245 = arith.constant 8 : i32
      %add3A_246 = arith.addi %add3A_187, %add3A_245 : i32
      %add3A_247 = arith.constant 0 : i32
      %add3A_248 = arith.addi %add3A_246, %add3A_247 : i32
      %lt3A_249 = arith.constant 245 : i32
      %lt3A_250 = arith.cmpi slt, %add3A_248, %lt3A_249 : i32
      %add3A_251 = arith.addi %mul3A_2, %add3A_248 : i32
      %lt3A_252 = arith.constant 7813 : i32
      %lt3A_253 = arith.cmpi slt, %add3A_251, %lt3A_252 : i32
      %and3A_254 = arith.andi %lt3A_250, %lt3A_253 : i1
      %convert_element_type3A_255 = arith.extui %and3A_254 : i1 to i32
      %cond3A_256 = arith.constant 0 : i32
      %cond3A_257 = arith.cmpi ne, %convert_element_type3A_255, %cond3A_256 : i32
      scf.if %cond3A_257 {
        %add3A_411 = arith.constant 8 : i32
        %add3A_412 = arith.addi %add3A_187, %add3A_411 : i32
        %add3A_413 = arith.constant 0 : i32
        %add3A_414 = arith.addi %add3A_412, %add3A_413 : i32
        %add3A_415 = arith.addi %mul3A_2, %add3A_414 : i32
        %mul3A_416 = arith.constant 128 : i32
        %mul3A_417 = arith.muli %add3A_415, %mul3A_416 : i32
        %multiple_of3A = tpu.assume_multiple %mul3A_417, 128 : i32
        %dma_start3A = arith.constant 0 : i32
        %dma_start3A_418 = arith.constant 0 : i32
        %dma_start3A_419 = arith.constant 0 : i32
        %dma_start3A_420 = tpu.memref_slice %arg8[%dma_start3A, %dma_start3A_418, %dma_start3A_419] : memref<8x64x128xf32, #tpu.memory_space<vmem>> -> memref<1x64x128xf32, #tpu.memory_space<vmem>>
        %dma_start3A_421 = tpu.memref_squeeze %dma_start3A_420 : memref<1x64x128xf32, #tpu.memory_space<vmem>> -> memref<64x128xf32, #tpu.memory_space<vmem>>
        %dma_start3A_422 = arith.constant 0 : i32
        %dma_start3A_423 = tpu.memref_slice %arg2[%dma_start3A_422, %multiple_of3A] : memref<64x1000000xf32, #tpu.memory_space<hbm>> -> memref<64x128xf32, #tpu.memory_space<hbm>>
        %dma_start3A_424 = arith.constant 0 : i32
        %dma_start3A_425 = arith.constant 0 : i32
        %dma_start3A_426 = tpu.memref_slice %arg8[%dma_start3A, %dma_start3A_424, %dma_start3A_425] : memref<8x64x128xf32, #tpu.memory_space<vmem>> -> memref<1x64x128xf32, #tpu.memory_space<vmem>>
        %dma_start3A_427 = tpu.memref_squeeze %dma_start3A_426 : memref<1x64x128xf32, #tpu.memory_space<vmem>> -> memref<64x128xf32, #tpu.memory_space<vmem>>
        %dma_start3A_428 = arith.constant 0 : i32
        %dma_start3A_429 = tpu.memref_slice %arg2[%dma_start3A_428, %multiple_of3A] : memref<64x1000000xf32, #tpu.memory_space<hbm>> -> memref<64x128xf32, #tpu.memory_space<hbm>>
        tpu.enqueue_dma source(%dma_start3A_429 : memref<64x128xf32, #tpu.memory_space<hbm>>) target(%dma_start3A_427 : memref<64x128xf32, #tpu.memory_space<vmem>>) target_semaphore(%arg11 : memref<!tpu.dma_semaphore, #tpu.memory_space<semaphore_mem>>)
      } else {
      }
      %add3A_258 = arith.constant 8 : i32
      %add3A_259 = arith.addi %add3A_187, %add3A_258 : i32
      %add3A_260 = arith.constant 1 : i32
      %add3A_261 = arith.addi %add3A_259, %add3A_260 : i32
      %lt3A_262 = arith.constant 245 : i32
      %lt3A_263 = arith.cmpi slt, %add3A_261, %lt3A_262 : i32
      %add3A_264 = arith.addi %mul3A_2, %add3A_261 : i32
      %lt3A_265 = arith.constant 7813 : i32
      %lt3A_266 = arith.cmpi slt, %add3A_264, %lt3A_265 : i32
      %and3A_267 = arith.andi %lt3A_263, %lt3A_266 : i1
      %convert_element_type3A_268 = arith.extui %and3A_267 : i1 to i32
      %cond3A_269 = arith.constant 0 : i32
      %cond3A_270 = arith.cmpi ne, %convert_element_type3A_268, %cond3A_269 : i32
      scf.if %cond3A_270 {
        %add3A_411 = arith.constant 8 : i32
        %add3A_412 = arith.addi %add3A_187, %add3A_411 : i32
        %add3A_413 = arith.constant 1 : i32
        %add3A_414 = arith.addi %add3A_412, %add3A_413 : i32
        %add3A_415 = arith.addi %mul3A_2, %add3A_414 : i32
        %mul3A_416 = arith.constant 128 : i32
        %mul3A_417 = arith.muli %add3A_415, %mul3A_416 : i32
        %multiple_of3A = tpu.assume_multiple %mul3A_417, 128 : i32
        %dma_start3A = arith.constant 1 : i32
        %dma_start3A_418 = arith.constant 0 : i32
        %dma_start3A_419 = arith.constant 0 : i32
        %dma_start3A_420 = tpu.memref_slice %arg8[%dma_start3A, %dma_start3A_418, %dma_start3A_419] : memref<8x64x128xf32, #tpu.memory_space<vmem>> -> memref<1x64x128xf32, #tpu.memory_space<vmem>>
        %dma_start3A_421 = tpu.memref_squeeze %dma_start3A_420 : memref<1x64x128xf32, #tpu.memory_space<vmem>> -> memref<64x128xf32, #tpu.memory_space<vmem>>
        %dma_start3A_422 = arith.constant 0 : i32
        %dma_start3A_423 = tpu.memref_slice %arg2[%dma_start3A_422, %multiple_of3A] : memref<64x1000000xf32, #tpu.memory_space<hbm>> -> memref<64x128xf32, #tpu.memory_space<hbm>>
        %dma_start3A_424 = arith.constant 0 : i32
        %dma_start3A_425 = arith.constant 0 : i32
        %dma_start3A_426 = tpu.memref_slice %arg8[%dma_start3A, %dma_start3A_424, %dma_start3A_425] : memref<8x64x128xf32, #tpu.memory_space<vmem>> -> memref<1x64x128xf32, #tpu.memory_space<vmem>>
        %dma_start3A_427 = tpu.memref_squeeze %dma_start3A_426 : memref<1x64x128xf32, #tpu.memory_space<vmem>> -> memref<64x128xf32, #tpu.memory_space<vmem>>
        %dma_start3A_428 = arith.constant 0 : i32
        %dma_start3A_429 = tpu.memref_slice %arg2[%dma_start3A_428, %multiple_of3A] : memref<64x1000000xf32, #tpu.memory_space<hbm>> -> memref<64x128xf32, #tpu.memory_space<hbm>>
        tpu.enqueue_dma source(%dma_start3A_429 : memref<64x128xf32, #tpu.memory_space<hbm>>) target(%dma_start3A_427 : memref<64x128xf32, #tpu.memory_space<vmem>>) target_semaphore(%arg12 : memref<!tpu.dma_semaphore, #tpu.memory_space<semaphore_mem>>)
      } else {
      }
      %add3A_271 = arith.constant 8 : i32
      %add3A_272 = arith.addi %add3A_187, %add3A_271 : i32
      %add3A_273 = arith.constant 2 : i32
      %add3A_274 = arith.addi %add3A_272, %add3A_273 : i32
      %lt3A_275 = arith.constant 245 : i32
      %lt3A_276 = arith.cmpi slt, %add3A_274, %lt3A_275 : i32
      %add3A_277 = arith.addi %mul3A_2, %add3A_274 : i32
      %lt3A_278 = arith.constant 7813 : i32
      %lt3A_279 = arith.cmpi slt, %add3A_277, %lt3A_278 : i32
      %and3A_280 = arith.andi %lt3A_276, %lt3A_279 : i1
      %convert_element_type3A_281 = arith.extui %and3A_280 : i1 to i32
      %cond3A_282 = arith.constant 0 : i32
      %cond3A_283 = arith.cmpi ne, %convert_element_type3A_281, %cond3A_282 : i32
      scf.if %cond3A_283 {
        %add3A_411 = arith.constant 8 : i32
        %add3A_412 = arith.addi %add3A_187, %add3A_411 : i32
        %add3A_413 = arith.constant 2 : i32
        %add3A_414 = arith.addi %add3A_412, %add3A_413 : i32
        %add3A_415 = arith.addi %mul3A_2, %add3A_414 : i32
        %mul3A_416 = arith.constant 128 : i32
        %mul3A_417 = arith.muli %add3A_415, %mul3A_416 : i32
        %multiple_of3A = tpu.assume_multiple %mul3A_417, 128 : i32
        %dma_start3A = arith.constant 2 : i32
        %dma_start3A_418 = arith.constant 0 : i32
        %dma_start3A_419 = arith.constant 0 : i32
        %dma_start3A_420 = tpu.memref_slice %arg8[%dma_start3A, %dma_start3A_418, %dma_start3A_419] : memref<8x64x128xf32, #tpu.memory_space<vmem>> -> memref<1x64x128xf32, #tpu.memory_space<vmem>>
        %dma_start3A_421 = tpu.memref_squeeze %dma_start3A_420 : memref<1x64x128xf32, #tpu.memory_space<vmem>> -> memref<64x128xf32, #tpu.memory_space<vmem>>
        %dma_start3A_422 = arith.constant 0 : i32
        %dma_start3A_423 = tpu.memref_slice %arg2[%dma_start3A_422, %multiple_of3A] : memref<64x1000000xf32, #tpu.memory_space<hbm>> -> memref<64x128xf32, #tpu.memory_space<hbm>>
        %dma_start3A_424 = arith.constant 0 : i32
        %dma_start3A_425 = arith.constant 0 : i32
        %dma_start3A_426 = tpu.memref_slice %arg8[%dma_start3A, %dma_start3A_424, %dma_start3A_425] : memref<8x64x128xf32, #tpu.memory_space<vmem>> -> memref<1x64x128xf32, #tpu.memory_space<vmem>>
        %dma_start3A_427 = tpu.memref_squeeze %dma_start3A_426 : memref<1x64x128xf32, #tpu.memory_space<vmem>> -> memref<64x128xf32, #tpu.memory_space<vmem>>
        %dma_start3A_428 = arith.constant 0 : i32
        %dma_start3A_429 = tpu.memref_slice %arg2[%dma_start3A_428, %multiple_of3A] : memref<64x1000000xf32, #tpu.memory_space<hbm>> -> memref<64x128xf32, #tpu.memory_space<hbm>>
        tpu.enqueue_dma source(%dma_start3A_429 : memref<64x128xf32, #tpu.memory_space<hbm>>) target(%dma_start3A_427 : memref<64x128xf32, #tpu.memory_space<vmem>>) target_semaphore(%arg13 : memref<!tpu.dma_semaphore, #tpu.memory_space<semaphore_mem>>)
      } else {
      }
      %add3A_284 = arith.constant 8 : i32
      %add3A_285 = arith.addi %add3A_187, %add3A_284 : i32
      %add3A_286 = arith.constant 3 : i32
      %add3A_287 = arith.addi %add3A_285, %add3A_286 : i32
      %lt3A_288 = arith.constant 245 : i32
      %lt3A_289 = arith.cmpi slt, %add3A_287, %lt3A_288 : i32
      %add3A_290 = arith.addi %mul3A_2, %add3A_287 : i32
      %lt3A_291 = arith.constant 7813 : i32
      %lt3A_292 = arith.cmpi slt, %add3A_290, %lt3A_291 : i32
      %and3A_293 = arith.andi %lt3A_289, %lt3A_292 : i1
      %convert_element_type3A_294 = arith.extui %and3A_293 : i1 to i32
      %cond3A_295 = arith.constant 0 : i32
      %cond3A_296 = arith.cmpi ne, %convert_element_type3A_294, %cond3A_295 : i32
      scf.if %cond3A_296 {
        %add3A_411 = arith.constant 8 : i32
        %add3A_412 = arith.addi %add3A_187, %add3A_411 : i32
        %add3A_413 = arith.constant 3 : i32
        %add3A_414 = arith.addi %add3A_412, %add3A_413 : i32
        %add3A_415 = arith.addi %mul3A_2, %add3A_414 : i32
        %mul3A_416 = arith.constant 128 : i32
        %mul3A_417 = arith.muli %add3A_415, %mul3A_416 : i32
        %multiple_of3A = tpu.assume_multiple %mul3A_417, 128 : i32
        %dma_start3A = arith.constant 3 : i32
        %dma_start3A_418 = arith.constant 0 : i32
        %dma_start3A_419 = arith.constant 0 : i32
        %dma_start3A_420 = tpu.memref_slice %arg8[%dma_start3A, %dma_start3A_418, %dma_start3A_419] : memref<8x64x128xf32, #tpu.memory_space<vmem>> -> memref<1x64x128xf32, #tpu.memory_space<vmem>>
        %dma_start3A_421 = tpu.memref_squeeze %dma_start3A_420 : memref<1x64x128xf32, #tpu.memory_space<vmem>> -> memref<64x128xf32, #tpu.memory_space<vmem>>
        %dma_start3A_422 = arith.constant 0 : i32
        %dma_start3A_423 = tpu.memref_slice %arg2[%dma_start3A_422, %multiple_of3A] : memref<64x1000000xf32, #tpu.memory_space<hbm>> -> memref<64x128xf32, #tpu.memory_space<hbm>>
        %dma_start3A_424 = arith.constant 0 : i32
        %dma_start3A_425 = arith.constant 0 : i32
        %dma_start3A_426 = tpu.memref_slice %arg8[%dma_start3A, %dma_start3A_424, %dma_start3A_425] : memref<8x64x128xf32, #tpu.memory_space<vmem>> -> memref<1x64x128xf32, #tpu.memory_space<vmem>>
        %dma_start3A_427 = tpu.memref_squeeze %dma_start3A_426 : memref<1x64x128xf32, #tpu.memory_space<vmem>> -> memref<64x128xf32, #tpu.memory_space<vmem>>
        %dma_start3A_428 = arith.constant 0 : i32
        %dma_start3A_429 = tpu.memref_slice %arg2[%dma_start3A_428, %multiple_of3A] : memref<64x1000000xf32, #tpu.memory_space<hbm>> -> memref<64x128xf32, #tpu.memory_space<hbm>>
        tpu.enqueue_dma source(%dma_start3A_429 : memref<64x128xf32, #tpu.memory_space<hbm>>) target(%dma_start3A_427 : memref<64x128xf32, #tpu.memory_space<vmem>>) target_semaphore(%arg14 : memref<!tpu.dma_semaphore, #tpu.memory_space<semaphore_mem>>)
      } else {
      }
      %mul3A_297 = arith.constant 8 : i32
      %mul3A_298 = arith.muli %scan3A_180, %mul3A_297 : i32
      %add3A_299 = arith.constant 4 : i32
      %add3A_300 = arith.addi %mul3A_298, %add3A_299 : i32
      %add3A_301 = arith.constant 0 : i32
      %add3A_302 = arith.addi %add3A_300, %add3A_301 : i32
      %lt3A_303 = arith.constant 245 : i32
      %lt3A_304 = arith.cmpi slt, %add3A_302, %lt3A_303 : i32
      %add3A_305 = arith.addi %mul3A_2, %add3A_302 : i32
      %lt3A_306 = arith.constant 7813 : i32
      %lt3A_307 = arith.cmpi slt, %add3A_305, %lt3A_306 : i32
      %and3A_308 = arith.andi %lt3A_304, %lt3A_307 : i1
      %convert_element_type3A_309 = arith.extui %and3A_308 : i1 to i32
      %cond3A_310 = arith.constant 0 : i32
      %cond3A_311 = arith.cmpi ne, %convert_element_type3A_309, %cond3A_310 : i32
      scf.if %cond3A_311 {
        %dma_wait3A = arith.constant 4 : i32
        %dma_wait3A_411 = arith.constant 0 : i32
        %dma_wait3A_412 = arith.constant 0 : i32
        %dma_wait3A_413 = tpu.memref_slice %arg8[%dma_wait3A, %dma_wait3A_411, %dma_wait3A_412] : memref<8x64x128xf32, #tpu.memory_space<vmem>> -> memref<1x64x128xf32, #tpu.memory_space<vmem>>
        %dma_wait3A_414 = tpu.memref_squeeze %dma_wait3A_413 : memref<1x64x128xf32, #tpu.memory_space<vmem>> -> memref<64x128xf32, #tpu.memory_space<vmem>>
        %dma_wait3A_415 = arith.constant 0 : i32
        %dma_wait3A_416 = arith.constant 0 : i32
        %dma_wait3A_417 = tpu.memref_slice %arg2[%dma_wait3A_415, %dma_wait3A_416] : memref<64x1000000xf32, #tpu.memory_space<hbm>> -> memref<64x128xf32, #tpu.memory_space<hbm>>
        %dma_wait3A_418 = arith.constant 0 : i32
        %dma_wait3A_419 = arith.constant 0 : i32
        %dma_wait3A_420 = tpu.memref_slice %arg8[%dma_wait3A, %dma_wait3A_418, %dma_wait3A_419] : memref<8x64x128xf32, #tpu.memory_space<vmem>> -> memref<1x64x128xf32, #tpu.memory_space<vmem>>
        %dma_wait3A_421 = tpu.memref_squeeze %dma_wait3A_420 : memref<1x64x128xf32, #tpu.memory_space<vmem>> -> memref<64x128xf32, #tpu.memory_space<vmem>>
        %dma_wait3A_422 = arith.constant 0 : i32
        %dma_wait3A_423 = arith.constant 0 : i32
        %dma_wait3A_424 = tpu.memref_slice %arg2[%dma_wait3A_422, %dma_wait3A_423] : memref<64x1000000xf32, #tpu.memory_space<hbm>> -> memref<64x128xf32, #tpu.memory_space<hbm>>
        tpu.wait_dma2 semaphore(%arg15 : memref<!tpu.dma_semaphore, #tpu.memory_space<semaphore_mem>>) src(%dma_wait3A_424 : memref<64x128xf32, #tpu.memory_space<hbm>>) dst(%dma_wait3A_421 : memref<64x128xf32, #tpu.memory_space<vmem>>)
      } else {
      }
      %add3A_312 = arith.constant 1 : i32
      %add3A_313 = arith.addi %add3A_300, %add3A_312 : i32
      %lt3A_314 = arith.constant 245 : i32
      %lt3A_315 = arith.cmpi slt, %add3A_313, %lt3A_314 : i32
      %add3A_316 = arith.addi %mul3A_2, %add3A_313 : i32
      %lt3A_317 = arith.constant 7813 : i32
      %lt3A_318 = arith.cmpi slt, %add3A_316, %lt3A_317 : i32
      %and3A_319 = arith.andi %lt3A_315, %lt3A_318 : i1
      %convert_element_type3A_320 = arith.extui %and3A_319 : i1 to i32
      %cond3A_321 = arith.constant 0 : i32
      %cond3A_322 = arith.cmpi ne, %convert_element_type3A_320, %cond3A_321 : i32
      scf.if %cond3A_322 {
        %dma_wait3A = arith.constant 5 : i32
        %dma_wait3A_411 = arith.constant 0 : i32
        %dma_wait3A_412 = arith.constant 0 : i32
        %dma_wait3A_413 = tpu.memref_slice %arg8[%dma_wait3A, %dma_wait3A_411, %dma_wait3A_412] : memref<8x64x128xf32, #tpu.memory_space<vmem>> -> memref<1x64x128xf32, #tpu.memory_space<vmem>>
        %dma_wait3A_414 = tpu.memref_squeeze %dma_wait3A_413 : memref<1x64x128xf32, #tpu.memory_space<vmem>> -> memref<64x128xf32, #tpu.memory_space<vmem>>
        %dma_wait3A_415 = arith.constant 0 : i32
        %dma_wait3A_416 = arith.constant 0 : i32
        %dma_wait3A_417 = tpu.memref_slice %arg2[%dma_wait3A_415, %dma_wait3A_416] : memref<64x1000000xf32, #tpu.memory_space<hbm>> -> memref<64x128xf32, #tpu.memory_space<hbm>>
        %dma_wait3A_418 = arith.constant 0 : i32
        %dma_wait3A_419 = arith.constant 0 : i32
        %dma_wait3A_420 = tpu.memref_slice %arg8[%dma_wait3A, %dma_wait3A_418, %dma_wait3A_419] : memref<8x64x128xf32, #tpu.memory_space<vmem>> -> memref<1x64x128xf32, #tpu.memory_space<vmem>>
        %dma_wait3A_421 = tpu.memref_squeeze %dma_wait3A_420 : memref<1x64x128xf32, #tpu.memory_space<vmem>> -> memref<64x128xf32, #tpu.memory_space<vmem>>
        %dma_wait3A_422 = arith.constant 0 : i32
        %dma_wait3A_423 = arith.constant 0 : i32
        %dma_wait3A_424 = tpu.memref_slice %arg2[%dma_wait3A_422, %dma_wait3A_423] : memref<64x1000000xf32, #tpu.memory_space<hbm>> -> memref<64x128xf32, #tpu.memory_space<hbm>>
        tpu.wait_dma2 semaphore(%arg16 : memref<!tpu.dma_semaphore, #tpu.memory_space<semaphore_mem>>) src(%dma_wait3A_424 : memref<64x128xf32, #tpu.memory_space<hbm>>) dst(%dma_wait3A_421 : memref<64x128xf32, #tpu.memory_space<vmem>>)
      } else {
      }
      %add3A_323 = arith.constant 2 : i32
      %add3A_324 = arith.addi %add3A_300, %add3A_323 : i32
      %lt3A_325 = arith.constant 245 : i32
      %lt3A_326 = arith.cmpi slt, %add3A_324, %lt3A_325 : i32
      %add3A_327 = arith.addi %mul3A_2, %add3A_324 : i32
      %lt3A_328 = arith.constant 7813 : i32
      %lt3A_329 = arith.cmpi slt, %add3A_327, %lt3A_328 : i32
      %and3A_330 = arith.andi %lt3A_326, %lt3A_329 : i1
      %convert_element_type3A_331 = arith.extui %and3A_330 : i1 to i32
      %cond3A_332 = arith.constant 0 : i32
      %cond3A_333 = arith.cmpi ne, %convert_element_type3A_331, %cond3A_332 : i32
      scf.if %cond3A_333 {
        %dma_wait3A = arith.constant 6 : i32
        %dma_wait3A_411 = arith.constant 0 : i32
        %dma_wait3A_412 = arith.constant 0 : i32
        %dma_wait3A_413 = tpu.memref_slice %arg8[%dma_wait3A, %dma_wait3A_411, %dma_wait3A_412] : memref<8x64x128xf32, #tpu.memory_space<vmem>> -> memref<1x64x128xf32, #tpu.memory_space<vmem>>
        %dma_wait3A_414 = tpu.memref_squeeze %dma_wait3A_413 : memref<1x64x128xf32, #tpu.memory_space<vmem>> -> memref<64x128xf32, #tpu.memory_space<vmem>>
        %dma_wait3A_415 = arith.constant 0 : i32
        %dma_wait3A_416 = arith.constant 0 : i32
        %dma_wait3A_417 = tpu.memref_slice %arg2[%dma_wait3A_415, %dma_wait3A_416] : memref<64x1000000xf32, #tpu.memory_space<hbm>> -> memref<64x128xf32, #tpu.memory_space<hbm>>
        %dma_wait3A_418 = arith.constant 0 : i32
        %dma_wait3A_419 = arith.constant 0 : i32
        %dma_wait3A_420 = tpu.memref_slice %arg8[%dma_wait3A, %dma_wait3A_418, %dma_wait3A_419] : memref<8x64x128xf32, #tpu.memory_space<vmem>> -> memref<1x64x128xf32, #tpu.memory_space<vmem>>
        %dma_wait3A_421 = tpu.memref_squeeze %dma_wait3A_420 : memref<1x64x128xf32, #tpu.memory_space<vmem>> -> memref<64x128xf32, #tpu.memory_space<vmem>>
        %dma_wait3A_422 = arith.constant 0 : i32
        %dma_wait3A_423 = arith.constant 0 : i32
        %dma_wait3A_424 = tpu.memref_slice %arg2[%dma_wait3A_422, %dma_wait3A_423] : memref<64x1000000xf32, #tpu.memory_space<hbm>> -> memref<64x128xf32, #tpu.memory_space<hbm>>
        tpu.wait_dma2 semaphore(%arg17 : memref<!tpu.dma_semaphore, #tpu.memory_space<semaphore_mem>>) src(%dma_wait3A_424 : memref<64x128xf32, #tpu.memory_space<hbm>>) dst(%dma_wait3A_421 : memref<64x128xf32, #tpu.memory_space<vmem>>)
      } else {
      }
      %add3A_334 = arith.constant 3 : i32
      %add3A_335 = arith.addi %add3A_300, %add3A_334 : i32
      %lt3A_336 = arith.constant 245 : i32
      %lt3A_337 = arith.cmpi slt, %add3A_335, %lt3A_336 : i32
      %add3A_338 = arith.addi %mul3A_2, %add3A_335 : i32
      %lt3A_339 = arith.constant 7813 : i32
      %lt3A_340 = arith.cmpi slt, %add3A_338, %lt3A_339 : i32
      %and3A_341 = arith.andi %lt3A_337, %lt3A_340 : i1
      %convert_element_type3A_342 = arith.extui %and3A_341 : i1 to i32
      %cond3A_343 = arith.constant 0 : i32
      %cond3A_344 = arith.cmpi ne, %convert_element_type3A_342, %cond3A_343 : i32
      scf.if %cond3A_344 {
        %dma_wait3A = arith.constant 7 : i32
        %dma_wait3A_411 = arith.constant 0 : i32
        %dma_wait3A_412 = arith.constant 0 : i32
        %dma_wait3A_413 = tpu.memref_slice %arg8[%dma_wait3A, %dma_wait3A_411, %dma_wait3A_412] : memref<8x64x128xf32, #tpu.memory_space<vmem>> -> memref<1x64x128xf32, #tpu.memory_space<vmem>>
        %dma_wait3A_414 = tpu.memref_squeeze %dma_wait3A_413 : memref<1x64x128xf32, #tpu.memory_space<vmem>> -> memref<64x128xf32, #tpu.memory_space<vmem>>
        %dma_wait3A_415 = arith.constant 0 : i32
        %dma_wait3A_416 = arith.constant 0 : i32
        %dma_wait3A_417 = tpu.memref_slice %arg2[%dma_wait3A_415, %dma_wait3A_416] : memref<64x1000000xf32, #tpu.memory_space<hbm>> -> memref<64x128xf32, #tpu.memory_space<hbm>>
        %dma_wait3A_418 = arith.constant 0 : i32
        %dma_wait3A_419 = arith.constant 0 : i32
        %dma_wait3A_420 = tpu.memref_slice %arg8[%dma_wait3A, %dma_wait3A_418, %dma_wait3A_419] : memref<8x64x128xf32, #tpu.memory_space<vmem>> -> memref<1x64x128xf32, #tpu.memory_space<vmem>>
        %dma_wait3A_421 = tpu.memref_squeeze %dma_wait3A_420 : memref<1x64x128xf32, #tpu.memory_space<vmem>> -> memref<64x128xf32, #tpu.memory_space<vmem>>
        %dma_wait3A_422 = arith.constant 0 : i32
        %dma_wait3A_423 = arith.constant 0 : i32
        %dma_wait3A_424 = tpu.memref_slice %arg2[%dma_wait3A_422, %dma_wait3A_423] : memref<64x1000000xf32, #tpu.memory_space<hbm>> -> memref<64x128xf32, #tpu.memory_space<hbm>>
        tpu.wait_dma2 semaphore(%arg18 : memref<!tpu.dma_semaphore, #tpu.memory_space<semaphore_mem>>) src(%dma_wait3A_424 : memref<64x128xf32, #tpu.memory_space<hbm>>) dst(%dma_wait3A_421 : memref<64x128xf32, #tpu.memory_space<vmem>>)
      } else {
      }
      %add3A_345 = arith.addi %mul3A_2, %add3A_300 : i32
      %mul3A_346 = arith.constant 128 : i32
      %mul3A_347 = arith.muli %add3A_345, %mul3A_346 : i32
      %while3A_348 = arith.constant 0 : i32
      %while3A_349 = arith.subi %select_n3A, %while3A_348 : i32
      %while3A_350 = arith.addi %while3A_348, %while3A_349 : i32
      %while3A_351 = arith.constant 1 : i32
      %while3A_352 = arith.divsi %while3A_349, %while3A_351 : i32
      %while3A_353 = arith.muli %while3A_352, %while3A_351 : i32
      %while3A_354 = arith.addi %while3A_348, %while3A_353 : i32
      %while3A_355 = arith.constant 1 : i32
      %while3A_356:3 = scf.for %while3A_411 = %while3A_348 to %while3A_354 step %while3A_355 iter_args(%while3A_412 = %while3A_244#0, %while3A_413 = %while3A_244#1, %while3A_414 = %while3A_244#2) -> (i32, i32, i32)  : i32 {
        %mul3A_415 = arith.constant 16 : i32
        %mul3A_416 = arith.muli %while3A_411, %mul3A_415 : i32
        %get3A = arith.index_cast %mul3A_416 : i32 to index
        %get3A_417 = tpu.vector_load %arg6[%get3A] {strides = array<i32>} : memref<16400xi32, #tpu.memory_space<vmem>>, vector<16xi32>,
        %add3A_418 = vector.broadcast %mul3A_416 : i32 to vector<16xi32>
        %add3A_419 = arith.addi %iota3A, %add3A_418 : vector<16xi32>
        %lt3A_420 = vector.broadcast %scan3A_11 : i32 to vector<16xi32>
        %lt3A_421 = arith.cmpi slt, %add3A_419, %lt3A_420 : vector<16xi32>
        %ge3A = vector.broadcast %mul3A_347 : i32 to vector<16xi32>
        %ge3A_422 = arith.cmpi sge, %get3A_417, %ge3A : vector<16xi32>
        %add3A_423 = arith.constant 512 : i32
        %add3A_424 = arith.addi %mul3A_347, %add3A_423 : i32
        %lt3A_425 = vector.broadcast %add3A_424 : i32 to vector<16xi32>
        %lt3A_426 = arith.cmpi slt, %get3A_417, %lt3A_425 : vector<16xi32>
        %and3A_427 = arith.andi %ge3A_422, %lt3A_426 : vector<16xi1>
        %and3A_428 = arith.andi %lt3A_421, %and3A_427 : vector<16xi1>
        %while3A_429:4 = scf.while (%while3A_430 = %and3A_428, %while3A_431 = %while3A_412, %while3A_432 = %while3A_413, %while3A_433 = %while3A_414) : (vector<16xi1>, i32, i32, i32) -> (vector<16xi1>, i32, i32, i32) {
          %all_reduce_population_count3A = tpu.all_reduce %while3A_430 {dim = 0 : i64, kind = #tpu.reduction_kind<sum>} : vector<16xi1> -> vector<16xi32>
          %slice3A = vector.extract_strided_slice %all_reduce_population_count3A {offsets = [0], sizes = [1], strides = [1]} : vector<16xi32> to vector<1xi32>
          %squeeze3A = vector.extract %slice3A[0] : i32 from vector<1xi32>
          %gt3A = arith.constant 0 : i32
          %gt3A_434 = arith.cmpi sgt, %squeeze3A, %gt3A : i32
          scf.condition(%gt3A_434) %while3A_430, %while3A_431, %while3A_432, %while3A_433 : vector<16xi1>, i32, i32, i32
        } do {
        ^bb0(%while3A_430: vector<16xi1>, %while3A_431: i32, %while3A_432: i32, %while3A_433: i32):
          %all_reduce_ffs3A = tpu.all_reduce %while3A_430 {dim = 0 : i64, kind = #tpu.reduction_kind<find_first_set>} : vector<16xi1> -> vector<16xi32>
          %slice3A = vector.extract_strided_slice %all_reduce_ffs3A {offsets = [0], sizes = [1], strides = [1]} : vector<16xi32> to vector<1xi32>
          %squeeze3A = vector.extract %slice3A[0] : i32 from vector<1xi32>
          %add3A_434 = arith.addi %mul3A_416, %squeeze3A : i32
          %get3A_435 = arith.index_cast %add3A_434 : i32 to index
          %get3A_436 = tpu.vector_load %arg6[%get3A_435] {strides = array<i32>} : memref<16400xi32, #tpu.memory_space<vmem>>, vector<16xi32>,
          %slice3A_437 = vector.extract_strided_slice %get3A_436 {offsets = [0], sizes = [1], strides = [1]} : vector<16xi32> to vector<1xi32>
          %squeeze3A_438 = vector.extract %slice3A_437[0] : i32 from vector<1xi32>
          %add3A_439 = arith.addi %mul3A_416, %squeeze3A : i32
          %get3A_440 = arith.index_cast %add3A_439 : i32 to index
          %get3A_441 = tpu.vector_load %arg7[%get3A_440] {strides = array<i32>} : memref<16400xi32, #tpu.memory_space<vmem>>, vector<16xi32>,
          %slice3A_442 = vector.extract_strided_slice %get3A_441 {offsets = [0], sizes = [1], strides = [1]} : vector<16xi32> to vector<1xi32>
          %squeeze3A_443 = vector.extract %slice3A_442[0] : i32 from vector<1xi32>
          %shift_right_logical3A = arith.constant 7 : i32
          %shift_right_logical3A_444 = arith.shrui %squeeze3A_438, %shift_right_logical3A : i32
          %sub3A_445 = arith.subi %shift_right_logical3A_444, %mul3A_2 : i32
          %and3A_446 = arith.constant 7 : i32
          %and3A_447 = arith.andi %sub3A_445, %and3A_446 : i32
          %and3A_448 = arith.constant 127 : i32
          %and3A_449 = arith.andi %squeeze3A_438, %and3A_448 : i32
          %broadcast_in_dim3A_450 = vector.broadcast %and3A_449 : i32 to vector<16xi32>
          %add3A_451 = arith.constant 0 : i32
          %add3A_452 = vector.broadcast %add3A_451 : i32 to vector<16xi32>
          %add3A_453 = arith.addi %iota3A, %add3A_452 : vector<16xi32>
          %gather3A = arith.constant 0 : i32
          %gather3A_454 = arith.constant 0 : i32
          %gather3A_455 = tpu.memref_slice %arg8[%and3A_447, %gather3A, %gather3A_454] : memref<8x64x128xf32, #tpu.memory_space<vmem>> -> memref<1x64x128xf32, #tpu.memory_space<vmem>>
          %gather3A_456 = tpu.memref_squeeze %gather3A_455 : memref<1x64x128xf32, #tpu.memory_space<vmem>> -> memref<64x128xf32, #tpu.memory_space<vmem>>
          %gather3A_457 = tpu.vector_load_idx %gather3A_456[%add3A_453, %broadcast_in_dim3A_450] : memref<64x128xf32, #tpu.memory_space<vmem>>[vector<16xi32>, vector<16xi32>], vector<16xf32>,
          %swap3A_458 = arith.index_cast %while3A_432 : i32 to index
          %swap3A_459 = arith.index_cast %while3A_431 : i32 to index
          %swap3A_460 = arith.constant 0 : index
          %swap3A_461 = tpu.vector_load %arg9[%swap3A_458, %swap3A_459, %swap3A_460] {strides = array<i32>} : memref<2x48x128xf32, #tpu.memory_space<vmem>>, vector<16xf32>,
          tpu.vector_store %arg9[%swap3A_458, %swap3A_459, %swap3A_460], %gather3A_457 {strides = array<i32>} : memref<2x48x128xf32, #tpu.memory_space<vmem>>, vector<16xf32>,
          %add3A_462 = arith.constant 16 : i32
          %add3A_463 = vector.broadcast %add3A_462 : i32 to vector<16xi32>
          %add3A_464 = arith.addi %iota3A, %add3A_463 : vector<16xi32>
          %gather3A_465 = arith.constant 0 : i32
          %gather3A_466 = arith.constant 0 : i32
          %gather3A_467 = tpu.memref_slice %arg8[%and3A_447, %gather3A_465, %gather3A_466] : memref<8x64x128xf32, #tpu.memory_space<vmem>> -> memref<1x64x128xf32, #tpu.memory_space<vmem>>
          %gather3A_468 = tpu.memref_squeeze %gather3A_467 : memref<1x64x128xf32, #tpu.memory_space<vmem>> -> memref<64x128xf32, #tpu.memory_space<vmem>>
          %gather3A_469 = tpu.vector_load_idx %gather3A_468[%add3A_464, %broadcast_in_dim3A_450] : memref<64x128xf32, #tpu.memory_space<vmem>>[vector<16xi32>, vector<16xi32>], vector<16xf32>,
          %swap3A_470 = arith.index_cast %while3A_432 : i32 to index
          %swap3A_471 = arith.index_cast %while3A_431 : i32 to index
          %swap3A_472 = arith.constant 16 : index
          %swap3A_473 = tpu.vector_load %arg9[%swap3A_470, %swap3A_471, %swap3A_472] {strides = array<i32>} : memref<2x48x128xf32, #tpu.memory_space<vmem>>, vector<16xf32>,
          tpu.vector_store %arg9[%swap3A_470, %swap3A_471, %swap3A_472], %gather3A_469 {strides = array<i32>} : memref<2x48x128xf32, #tpu.memory_space<vmem>>, vector<16xf32>,
          %add3A_474 = arith.constant 32 : i32
          %add3A_475 = vector.broadcast %add3A_474 : i32 to vector<16xi32>
          %add3A_476 = arith.addi %iota3A, %add3A_475 : vector<16xi32>
          %gather3A_477 = arith.constant 0 : i32
          %gather3A_478 = arith.constant 0 : i32
          %gather3A_479 = tpu.memref_slice %arg8[%and3A_447, %gather3A_477, %gather3A_478] : memref<8x64x128xf32, #tpu.memory_space<vmem>> -> memref<1x64x128xf32, #tpu.memory_space<vmem>>
          %gather3A_480 = tpu.memref_squeeze %gather3A_479 : memref<1x64x128xf32, #tpu.memory_space<vmem>> -> memref<64x128xf32, #tpu.memory_space<vmem>>
          %gather3A_481 = tpu.vector_load_idx %gather3A_480[%add3A_476, %broadcast_in_dim3A_450] : memref<64x128xf32, #tpu.memory_space<vmem>>[vector<16xi32>, vector<16xi32>], vector<16xf32>,
          %swap3A_482 = arith.index_cast %while3A_432 : i32 to index
          %swap3A_483 = arith.index_cast %while3A_431 : i32 to index
          %swap3A_484 = arith.constant 32 : index
          %swap3A_485 = tpu.vector_load %arg9[%swap3A_482, %swap3A_483, %swap3A_484] {strides = array<i32>} : memref<2x48x128xf32, #tpu.memory_space<vmem>>, vector<16xf32>,
          tpu.vector_store %arg9[%swap3A_482, %swap3A_483, %swap3A_484], %gather3A_481 {strides = array<i32>} : memref<2x48x128xf32, #tpu.memory_space<vmem>>, vector<16xf32>,
          %add3A_486 = arith.constant 48 : i32
          %add3A_487 = vector.broadcast %add3A_486 : i32 to vector<16xi32>
          %add3A_488 = arith.addi %iota3A, %add3A_487 : vector<16xi32>
          %gather3A_489 = arith.constant 0 : i32
          %gather3A_490 = arith.constant 0 : i32
          %gather3A_491 = tpu.memref_slice %arg8[%and3A_447, %gather3A_489, %gather3A_490] : memref<8x64x128xf32, #tpu.memory_space<vmem>> -> memref<1x64x128xf32, #tpu.memory_space<vmem>>
          %gather3A_492 = tpu.memref_squeeze %gather3A_491 : memref<1x64x128xf32, #tpu.memory_space<vmem>> -> memref<64x128xf32, #tpu.memory_space<vmem>>
          %gather3A_493 = tpu.vector_load_idx %gather3A_492[%add3A_488, %broadcast_in_dim3A_450] : memref<64x128xf32, #tpu.memory_space<vmem>>[vector<16xi32>, vector<16xi32>], vector<16xf32>,
          %swap3A_494 = arith.index_cast %while3A_432 : i32 to index
          %swap3A_495 = arith.index_cast %while3A_431 : i32 to index
          %swap3A_496 = arith.constant 48 : index
          %swap3A_497 = tpu.vector_load %arg9[%swap3A_494, %swap3A_495, %swap3A_496] {strides = array<i32>} : memref<2x48x128xf32, #tpu.memory_space<vmem>>, vector<16xf32>,
          tpu.vector_store %arg9[%swap3A_494, %swap3A_495, %swap3A_496], %gather3A_493 {strides = array<i32>} : memref<2x48x128xf32, #tpu.memory_space<vmem>>, vector<16xf32>,
          %broadcast_in_dim3A_498 = vector.broadcast %while3A_431 : i32 to vector<16xi32>
          %broadcast_in_dim3A_499 = vector.broadcast %squeeze3A_443 : i32 to vector<16xi32>
          %eq3A_500 = arith.constant 0 : i32
          %eq3A_501 = vector.broadcast %eq3A_500 : i32 to vector<16xi32>
          %eq3A_502 = arith.cmpi eq, %iota3A, %eq3A_501 : vector<16xi32>
          %scatter3A = arith.constant 0 : i32
          %scatter3A_503 = tpu.memref_slice %arg10[%while3A_432, %scatter3A] : memref<2x64xi32, #tpu.memory_space<vmem>> -> memref<1x64xi32, #tpu.memory_space<vmem>>
          %scatter3A_504 = tpu.memref_squeeze %scatter3A_503 : memref<1x64xi32, #tpu.memory_space<vmem>> -> memref<64xi32, #tpu.memory_space<vmem>>
          tpu.vector_store_idx %scatter3A_504[%broadcast_in_dim3A_498], %broadcast_in_dim3A_499 masked %eq3A_502 : memref<64xi32, #tpu.memory_space<vmem>>[vector<16xi32>], vector<16xi32>, vector<16xi1>
          %add3A_505 = arith.constant 1 : i32
          %add3A_506 = arith.addi %while3A_431, %add3A_505 : i32
          %ge3A_507 = arith.constant 48 : i32
          %ge3A_508 = arith.cmpi sge, %add3A_506, %ge3A_507 : i32
          %eq3A_509 = arith.constant 0 : i32
          %eq3A_510 = arith.cmpi eq, %while3A_432, %eq3A_509 : i32
          %and3A_511 = arith.andi %ge3A_508, %eq3A_510 : i1
          %convert_element_type3A_512 = arith.extui %and3A_511 : i1 to i32
          %cond3A_513 = arith.constant 0 : i32
          %cond3A_514 = arith.cmpi ne, %convert_element_type3A_512, %cond3A_513 : i32
          scf.if %cond3A_514 {
            %dma_start3A = arith.constant 0 : i32
            %dma_start3A_533 = arith.constant 0 : i32
            %dma_start3A_534 = arith.constant 0 : i32
            %dma_start3A_535 = arith.constant 0 : i32
            %dma_start3A_536 = tpu.memref_slice %arg9[%dma_start3A, %dma_start3A_534, %dma_start3A_535] : memref<2x48x128xf32, #tpu.memory_space<vmem>> -> memref<1x48x128xf32, #tpu.memory_space<vmem>>
            %dma_start3A_537 = tpu.memref_squeeze %dma_start3A_536 : memref<1x48x128xf32, #tpu.memory_space<vmem>> -> memref<48x128xf32, #tpu.memory_space<vmem>>
            %dma_start3A_538 = arith.constant 0 : i32
            %dma_start3A_539 = tpu.memref_slice %arg10[%dma_start3A_533, %dma_start3A_538] : memref<2x64xi32, #tpu.memory_space<vmem>> -> memref<1x48xi32, #tpu.memory_space<vmem>>
            %dma_start3A_540 = tpu.memref_squeeze %dma_start3A_539 : memref<1x48xi32, #tpu.memory_space<vmem>> -> memref<48xi32, #tpu.memory_space<vmem>>
            %dma_start3A_541 = arith.constant 0 : i32
            %dma_start3A_542 = arith.constant 0 : i32
            %dma_start3A_543 = tpu.memref_slice %arg4[%dma_start3A_541, %dma_start3A_542] : memref<16448x128xf32, #tpu.memory_space<hbm>> -> memref<16448x128xf32, #tpu.memory_space<hbm>>
            tpu.enqueue_indirect_dma source(%dma_start3A_537 : memref<48x128xf32, #tpu.memory_space<vmem>>) target(%dma_start3A_543 : memref<16448x128xf32, #tpu.memory_space<hbm>>) offsets(%dma_start3A_540 : memref<48xi32, #tpu.memory_space<vmem>>) semaphore(%arg19 : memref<!tpu.dma_semaphore, #tpu.memory_space<semaphore_mem>>)
            %ge3A_544 = arith.constant 1 : i32
            %ge3A_545 = arith.cmpi sge, %while3A_433, %ge3A_544 : i32
            %convert_element_type3A_546 = arith.extui %ge3A_545 : i1 to i32
            %cond3A_547 = arith.constant 0 : i32
            %cond3A_548 = arith.cmpi ne, %convert_element_type3A_546, %cond3A_547 : i32
            scf.if %cond3A_548 {
              %dma_wait3A = arith.constant 1 : i32
              %dma_wait3A_573 = arith.constant 1 : i32
              %dma_wait3A_574 = arith.constant 0 : i32
              %dma_wait3A_575 = arith.constant 0 : i32
              %dma_wait3A_576 = tpu.memref_slice %arg9[%dma_wait3A, %dma_wait3A_574, %dma_wait3A_575] : memref<2x48x128xf32, #tpu.memory_space<vmem>> -> memref<1x48x128xf32, #tpu.memory_space<vmem>>
              %dma_wait3A_577 = tpu.memref_squeeze %dma_wait3A_576 : memref<1x48x128xf32, #tpu.memory_space<vmem>> -> memref<48x128xf32, #tpu.memory_space<vmem>>
              %dma_wait3A_578 = arith.constant 0 : i32
              %dma_wait3A_579 = tpu.memref_slice %arg10[%dma_wait3A_573, %dma_wait3A_578] : memref<2x64xi32, #tpu.memory_space<vmem>> -> memref<1x48xi32, #tpu.memory_space<vmem>>
              %dma_wait3A_580 = tpu.memref_squeeze %dma_wait3A_579 : memref<1x48xi32, #tpu.memory_space<vmem>> -> memref<48xi32, #tpu.memory_space<vmem>>
              %dma_wait3A_581 = arith.constant 0 : i32
              %dma_wait3A_582 = arith.constant 0 : i32
              %dma_wait3A_583 = tpu.memref_slice %arg4[%dma_wait3A_581, %dma_wait3A_582] : memref<16448x128xf32, #tpu.memory_space<hbm>> -> memref<16448x128xf32, #tpu.memory_space<hbm>>
              tpu.wait_indirect_dma semaphore(%arg20 : memref<!tpu.dma_semaphore, #tpu.memory_space<semaphore_mem>>) src(%dma_wait3A_577 : memref<48x128xf32, #tpu.memory_space<vmem>>) dst(%dma_wait3A_583 : memref<16448x128xf32, #tpu.memory_space<hbm>>)
            } else {
            }
            %broadcast_in_dim3A_549 = arith.constant 16384 : i32
            %broadcast_in_dim3A_550 = vector.broadcast %broadcast_in_dim3A_549 : i32 to vector<16xi32>
            %swap3A_551 = arith.constant 1 : i32
            %swap3A_552 = arith.index_cast %swap3A_551 : i32 to index
            %swap3A_553 = arith.constant 0 : index
            %swap3A_554 = tpu.vector_load %arg10[%swap3A_552, %swap3A_553] {strides = array<i32>} : memref<2x64xi32, #tpu.memory_space<vmem>>, vector<16xi32>,
            tpu.vector_store %arg10[%swap3A_552, %swap3A_553], %broadcast_in_dim3A_550 {strides = array<i32>} : memref<2x64xi32, #tpu.memory_space<vmem>>, vector<16xi32>,
            %broadcast_in_dim3A_555 = arith.constant 16384 : i32
            %broadcast_in_dim3A_556 = vector.broadcast %broadcast_in_dim3A_555 : i32 to vector<16xi32>
            %swap3A_557 = arith.constant 1 : i32
            %swap3A_558 = arith.index_cast %swap3A_557 : i32 to index
            %swap3A_559 = arith.constant 16 : index
            %swap3A_560 = tpu.vector_load %arg10[%swap3A_558, %swap3A_559] {strides = array<i32>} : memref<2x64xi32, #tpu.memory_space<vmem>>, vector<16xi32>,
            tpu.vector_store %arg10[%swap3A_558, %swap3A_559], %broadcast_in_dim3A_556 {strides = array<i32>} : memref<2x64xi32, #tpu.memory_space<vmem>>, vector<16xi32>,
            %broadcast_in_dim3A_561 = arith.constant 16384 : i32
            %broadcast_in_dim3A_562 = vector.broadcast %broadcast_in_dim3A_561 : i32 to vector<16xi32>
            %swap3A_563 = arith.constant 1 : i32
            %swap3A_564 = arith.index_cast %swap3A_563 : i32 to index
            %swap3A_565 = arith.constant 32 : index
            %swap3A_566 = tpu.vector_load %arg10[%swap3A_564, %swap3A_565] {strides = array<i32>} : memref<2x64xi32, #tpu.memory_space<vmem>>, vector<16xi32>,
            tpu.vector_store %arg10[%swap3A_564, %swap3A_565], %broadcast_in_dim3A_562 {strides = array<i32>} : memref<2x64xi32, #tpu.memory_space<vmem>>, vector<16xi32>,
            %broadcast_in_dim3A_567 = arith.constant 16384 : i32
            %broadcast_in_dim3A_568 = vector.broadcast %broadcast_in_dim3A_567 : i32 to vector<16xi32>
            %swap3A_569 = arith.constant 1 : i32
            %swap3A_570 = arith.index_cast %swap3A_569 : i32 to index
            %swap3A_571 = arith.constant 48 : index
            %swap3A_572 = tpu.vector_load %arg10[%swap3A_570, %swap3A_571] {strides = array<i32>} : memref<2x64xi32, #tpu.memory_space<vmem>>, vector<16xi32>,
            tpu.vector_store %arg10[%swap3A_570, %swap3A_571], %broadcast_in_dim3A_568 {strides = array<i32>} : memref<2x64xi32, #tpu.memory_space<vmem>>, vector<16xi32>,
          } else {
          }
          %eq3A_515 = arith.constant 1 : i32
          %eq3A_516 = arith.cmpi eq, %while3A_432, %eq3A_515 : i32
          %and3A_517 = arith.andi %ge3A_508, %eq3A_516 : i1
          %convert_element_type3A_518 = arith.extui %and3A_517 : i1 to i32
          %cond3A_519 = arith.constant 0 : i32
          %cond3A_520 = arith.cmpi ne, %convert_element_type3A_518, %cond3A_519 : i32
          scf.if %cond3A_520 {
            %dma_start3A = arith.constant 1 : i32
            %dma_start3A_533 = arith.constant 1 : i32
            %dma_start3A_534 = arith.constant 0 : i32
            %dma_start3A_535 = arith.constant 0 : i32
            %dma_start3A_536 = tpu.memref_slice %arg9[%dma_start3A, %dma_start3A_534, %dma_start3A_535] : memref<2x48x128xf32, #tpu.memory_space<vmem>> -> memref<1x48x128xf32, #tpu.memory_space<vmem>>
            %dma_start3A_537 = tpu.memref_squeeze %dma_start3A_536 : memref<1x48x128xf32, #tpu.memory_space<vmem>> -> memref<48x128xf32, #tpu.memory_space<vmem>>
            %dma_start3A_538 = arith.constant 0 : i32
            %dma_start3A_539 = tpu.memref_slice %arg10[%dma_start3A_533, %dma_start3A_538] : memref<2x64xi32, #tpu.memory_space<vmem>> -> memref<1x48xi32, #tpu.memory_space<vmem>>
            %dma_start3A_540 = tpu.memref_squeeze %dma_start3A_539 : memref<1x48xi32, #tpu.memory_space<vmem>> -> memref<48xi32, #tpu.memory_space<vmem>>
            %dma_start3A_541 = arith.constant 0 : i32
            %dma_start3A_542 = arith.constant 0 : i32
            %dma_start3A_543 = tpu.memref_slice %arg4[%dma_start3A_541, %dma_start3A_542] : memref<16448x128xf32, #tpu.memory_space<hbm>> -> memref<16448x128xf32, #tpu.memory_space<hbm>>
            tpu.enqueue_indirect_dma source(%dma_start3A_537 : memref<48x128xf32, #tpu.memory_space<vmem>>) target(%dma_start3A_543 : memref<16448x128xf32, #tpu.memory_space<hbm>>) offsets(%dma_start3A_540 : memref<48xi32, #tpu.memory_space<vmem>>) semaphore(%arg20 : memref<!tpu.dma_semaphore, #tpu.memory_space<semaphore_mem>>)
            %ge3A_544 = arith.constant 1 : i32
            %ge3A_545 = arith.cmpi sge, %while3A_433, %ge3A_544 : i32
            %convert_element_type3A_546 = arith.extui %ge3A_545 : i1 to i32
            %cond3A_547 = arith.constant 0 : i32
            %cond3A_548 = arith.cmpi ne, %convert_element_type3A_546, %cond3A_547 : i32
            scf.if %cond3A_548 {
              %dma_wait3A = arith.constant 0 : i32
              %dma_wait3A_573 = arith.constant 0 : i32
              %dma_wait3A_574 = arith.constant 0 : i32
              %dma_wait3A_575 = arith.constant 0 : i32
              %dma_wait3A_576 = tpu.memref_slice %arg9[%dma_wait3A, %dma_wait3A_574, %dma_wait3A_575] : memref<2x48x128xf32, #tpu.memory_space<vmem>> -> memref<1x48x128xf32, #tpu.memory_space<vmem>>
              %dma_wait3A_577 = tpu.memref_squeeze %dma_wait3A_576 : memref<1x48x128xf32, #tpu.memory_space<vmem>> -> memref<48x128xf32, #tpu.memory_space<vmem>>
              %dma_wait3A_578 = arith.constant 0 : i32
              %dma_wait3A_579 = tpu.memref_slice %arg10[%dma_wait3A_573, %dma_wait3A_578] : memref<2x64xi32, #tpu.memory_space<vmem>> -> memref<1x48xi32, #tpu.memory_space<vmem>>
              %dma_wait3A_580 = tpu.memref_squeeze %dma_wait3A_579 : memref<1x48xi32, #tpu.memory_space<vmem>> -> memref<48xi32, #tpu.memory_space<vmem>>
              %dma_wait3A_581 = arith.constant 0 : i32
              %dma_wait3A_582 = arith.constant 0 : i32
              %dma_wait3A_583 = tpu.memref_slice %arg4[%dma_wait3A_581, %dma_wait3A_582] : memref<16448x128xf32, #tpu.memory_space<hbm>> -> memref<16448x128xf32, #tpu.memory_space<hbm>>
              tpu.wait_indirect_dma semaphore(%arg19 : memref<!tpu.dma_semaphore, #tpu.memory_space<semaphore_mem>>) src(%dma_wait3A_577 : memref<48x128xf32, #tpu.memory_space<vmem>>) dst(%dma_wait3A_583 : memref<16448x128xf32, #tpu.memory_space<hbm>>)
            } else {
            }
            %broadcast_in_dim3A_549 = arith.constant 16384 : i32
            %broadcast_in_dim3A_550 = vector.broadcast %broadcast_in_dim3A_549 : i32 to vector<16xi32>
            %swap3A_551 = arith.constant 0 : i32
            %swap3A_552 = arith.index_cast %swap3A_551 : i32 to index
            %swap3A_553 = arith.constant 0 : index
            %swap3A_554 = tpu.vector_load %arg10[%swap3A_552, %swap3A_553] {strides = array<i32>} : memref<2x64xi32, #tpu.memory_space<vmem>>, vector<16xi32>,
            tpu.vector_store %arg10[%swap3A_552, %swap3A_553], %broadcast_in_dim3A_550 {strides = array<i32>} : memref<2x64xi32, #tpu.memory_space<vmem>>, vector<16xi32>,
            %broadcast_in_dim3A_555 = arith.constant 16384 : i32
            %broadcast_in_dim3A_556 = vector.broadcast %broadcast_in_dim3A_555 : i32 to vector<16xi32>
            %swap3A_557 = arith.constant 0 : i32
            %swap3A_558 = arith.index_cast %swap3A_557 : i32 to index
            %swap3A_559 = arith.constant 16 : index
            %swap3A_560 = tpu.vector_load %arg10[%swap3A_558, %swap3A_559] {strides = array<i32>} : memref<2x64xi32, #tpu.memory_space<vmem>>, vector<16xi32>,
            tpu.vector_store %arg10[%swap3A_558, %swap3A_559], %broadcast_in_dim3A_556 {strides = array<i32>} : memref<2x64xi32, #tpu.memory_space<vmem>>, vector<16xi32>,
            %broadcast_in_dim3A_561 = arith.constant 16384 : i32
            %broadcast_in_dim3A_562 = vector.broadcast %broadcast_in_dim3A_561 : i32 to vector<16xi32>
            %swap3A_563 = arith.constant 0 : i32
            %swap3A_564 = arith.index_cast %swap3A_563 : i32 to index
            %swap3A_565 = arith.constant 32 : index
            %swap3A_566 = tpu.vector_load %arg10[%swap3A_564, %swap3A_565] {strides = array<i32>} : memref<2x64xi32, #tpu.memory_space<vmem>>, vector<16xi32>,
            tpu.vector_store %arg10[%swap3A_564, %swap3A_565], %broadcast_in_dim3A_562 {strides = array<i32>} : memref<2x64xi32, #tpu.memory_space<vmem>>, vector<16xi32>,
            %broadcast_in_dim3A_567 = arith.constant 16384 : i32
            %broadcast_in_dim3A_568 = vector.broadcast %broadcast_in_dim3A_567 : i32 to vector<16xi32>
            %swap3A_569 = arith.constant 0 : i32
            %swap3A_570 = arith.index_cast %swap3A_569 : i32 to index
            %swap3A_571 = arith.constant 48 : index
            %swap3A_572 = tpu.vector_load %arg10[%swap3A_570, %swap3A_571] {strides = array<i32>} : memref<2x64xi32, #tpu.memory_space<vmem>>, vector<16xi32>,
            tpu.vector_store %arg10[%swap3A_570, %swap3A_571], %broadcast_in_dim3A_568 {strides = array<i32>} : memref<2x64xi32, #tpu.memory_space<vmem>>, vector<16xi32>,
          } else {
          }
          %jit3A_521 = arith.constant 1 : i32
          %jit3A_522 = arith.constant 0 : i32
          %select_n3A_523 = arith.select %ge3A_508, %jit3A_521, %jit3A_522 : i32
          %sub3A_524 = arith.constant 1 : i32
          %sub3A_525 = arith.subi %sub3A_524, %while3A_432 : i32
          %select_n3A_526 = arith.select %ge3A_508, %sub3A_525, %while3A_432 : i32
          %jit3A_527 = arith.constant 0 : i32
          %select_n3A_528 = arith.select %ge3A_508, %jit3A_527, %add3A_506 : i32
          %ne3A_529 = vector.broadcast %squeeze3A : i32 to vector<16xi32>
          %ne3A_530 = arith.cmpi ne, %iota3A, %ne3A_529 : vector<16xi32>
          %and3A_531 = arith.andi %while3A_430, %ne3A_530 : vector<16xi1>
          %add3A_532 = arith.addi %while3A_433, %select_n3A_523 : i32
          scf.yield %and3A_531, %select_n3A_528, %select_n3A_526, %add3A_532 : vector<16xi1>, i32, i32, i32
        }
        scf.yield %while3A_429#1, %while3A_429#2, %while3A_429#3 : i32, i32, i32
      }
      %while3A_357 = arith.constant 1 : i32
      %while3A_358:3 = scf.for %while3A_411 = %while3A_354 to %while3A_350 step %while3A_357 iter_args(%while3A_412 = %while3A_356#0, %while3A_413 = %while3A_356#1, %while3A_414 = %while3A_356#2) -> (i32, i32, i32)  : i32 {
        %mul3A_415 = arith.constant 16 : i32
        %mul3A_416 = arith.muli %while3A_411, %mul3A_415 : i32
        %get3A = arith.index_cast %mul3A_416 : i32 to index
        %get3A_417 = tpu.vector_load %arg6[%get3A] {strides = array<i32>} : memref<16400xi32, #tpu.memory_space<vmem>>, vector<16xi32>,
        %add3A_418 = vector.broadcast %mul3A_416 : i32 to vector<16xi32>
        %add3A_419 = arith.addi %iota3A, %add3A_418 : vector<16xi32>
        %lt3A_420 = vector.broadcast %scan3A_11 : i32 to vector<16xi32>
        %lt3A_421 = arith.cmpi slt, %add3A_419, %lt3A_420 : vector<16xi32>
        %ge3A = vector.broadcast %mul3A_347 : i32 to vector<16xi32>
        %ge3A_422 = arith.cmpi sge, %get3A_417, %ge3A : vector<16xi32>
        %add3A_423 = arith.constant 512 : i32
        %add3A_424 = arith.addi %mul3A_347, %add3A_423 : i32
        %lt3A_425 = vector.broadcast %add3A_424 : i32 to vector<16xi32>
        %lt3A_426 = arith.cmpi slt, %get3A_417, %lt3A_425 : vector<16xi32>
        %and3A_427 = arith.andi %ge3A_422, %lt3A_426 : vector<16xi1>
        %and3A_428 = arith.andi %lt3A_421, %and3A_427 : vector<16xi1>
        %while3A_429:4 = scf.while (%while3A_430 = %and3A_428, %while3A_431 = %while3A_412, %while3A_432 = %while3A_413, %while3A_433 = %while3A_414) : (vector<16xi1>, i32, i32, i32) -> (vector<16xi1>, i32, i32, i32) {
          %all_reduce_population_count3A = tpu.all_reduce %while3A_430 {dim = 0 : i64, kind = #tpu.reduction_kind<sum>} : vector<16xi1> -> vector<16xi32>
          %slice3A = vector.extract_strided_slice %all_reduce_population_count3A {offsets = [0], sizes = [1], strides = [1]} : vector<16xi32> to vector<1xi32>
          %squeeze3A = vector.extract %slice3A[0] : i32 from vector<1xi32>
          %gt3A = arith.constant 0 : i32
          %gt3A_434 = arith.cmpi sgt, %squeeze3A, %gt3A : i32
          scf.condition(%gt3A_434) %while3A_430, %while3A_431, %while3A_432, %while3A_433 : vector<16xi1>, i32, i32, i32
        } do {
        ^bb0(%while3A_430: vector<16xi1>, %while3A_431: i32, %while3A_432: i32, %while3A_433: i32):
          %all_reduce_ffs3A = tpu.all_reduce %while3A_430 {dim = 0 : i64, kind = #tpu.reduction_kind<find_first_set>} : vector<16xi1> -> vector<16xi32>
          %slice3A = vector.extract_strided_slice %all_reduce_ffs3A {offsets = [0], sizes = [1], strides = [1]} : vector<16xi32> to vector<1xi32>
          %squeeze3A = vector.extract %slice3A[0] : i32 from vector<1xi32>
          %add3A_434 = arith.addi %mul3A_416, %squeeze3A : i32
          %get3A_435 = arith.index_cast %add3A_434 : i32 to index
          %get3A_436 = tpu.vector_load %arg6[%get3A_435] {strides = array<i32>} : memref<16400xi32, #tpu.memory_space<vmem>>, vector<16xi32>,
          %slice3A_437 = vector.extract_strided_slice %get3A_436 {offsets = [0], sizes = [1], strides = [1]} : vector<16xi32> to vector<1xi32>
          %squeeze3A_438 = vector.extract %slice3A_437[0] : i32 from vector<1xi32>
          %add3A_439 = arith.addi %mul3A_416, %squeeze3A : i32
          %get3A_440 = arith.index_cast %add3A_439 : i32 to index
          %get3A_441 = tpu.vector_load %arg7[%get3A_440] {strides = array<i32>} : memref<16400xi32, #tpu.memory_space<vmem>>, vector<16xi32>,
          %slice3A_442 = vector.extract_strided_slice %get3A_441 {offsets = [0], sizes = [1], strides = [1]} : vector<16xi32> to vector<1xi32>
          %squeeze3A_443 = vector.extract %slice3A_442[0] : i32 from vector<1xi32>
          %shift_right_logical3A = arith.constant 7 : i32
          %shift_right_logical3A_444 = arith.shrui %squeeze3A_438, %shift_right_logical3A : i32
          %sub3A_445 = arith.subi %shift_right_logical3A_444, %mul3A_2 : i32
          %and3A_446 = arith.constant 7 : i32
          %and3A_447 = arith.andi %sub3A_445, %and3A_446 : i32
          %and3A_448 = arith.constant 127 : i32
          %and3A_449 = arith.andi %squeeze3A_438, %and3A_448 : i32
          %broadcast_in_dim3A_450 = vector.broadcast %and3A_449 : i32 to vector<16xi32>
          %add3A_451 = arith.constant 0 : i32
          %add3A_452 = vector.broadcast %add3A_451 : i32 to vector<16xi32>
          %add3A_453 = arith.addi %iota3A, %add3A_452 : vector<16xi32>
          %gather3A = arith.constant 0 : i32
          %gather3A_454 = arith.constant 0 : i32
          %gather3A_455 = tpu.memref_slice %arg8[%and3A_447, %gather3A, %gather3A_454] : memref<8x64x128xf32, #tpu.memory_space<vmem>> -> memref<1x64x128xf32, #tpu.memory_space<vmem>>
          %gather3A_456 = tpu.memref_squeeze %gather3A_455 : memref<1x64x128xf32, #tpu.memory_space<vmem>> -> memref<64x128xf32, #tpu.memory_space<vmem>>
          %gather3A_457 = tpu.vector_load_idx %gather3A_456[%add3A_453, %broadcast_in_dim3A_450] : memref<64x128xf32, #tpu.memory_space<vmem>>[vector<16xi32>, vector<16xi32>], vector<16xf32>,
          %swap3A_458 = arith.index_cast %while3A_432 : i32 to index
          %swap3A_459 = arith.index_cast %while3A_431 : i32 to index
          %swap3A_460 = arith.constant 0 : index
          %swap3A_461 = tpu.vector_load %arg9[%swap3A_458, %swap3A_459, %swap3A_460] {strides = array<i32>} : memref<2x48x128xf32, #tpu.memory_space<vmem>>, vector<16xf32>,
          tpu.vector_store %arg9[%swap3A_458, %swap3A_459, %swap3A_460], %gather3A_457 {strides = array<i32>} : memref<2x48x128xf32, #tpu.memory_space<vmem>>, vector<16xf32>,
          %add3A_462 = arith.constant 16 : i32
          %add3A_463 = vector.broadcast %add3A_462 : i32 to vector<16xi32>
          %add3A_464 = arith.addi %iota3A, %add3A_463 : vector<16xi32>
          %gather3A_465 = arith.constant 0 : i32
          %gather3A_466 = arith.constant 0 : i32
          %gather3A_467 = tpu.memref_slice %arg8[%and3A_447, %gather3A_465, %gather3A_466] : memref<8x64x128xf32, #tpu.memory_space<vmem>> -> memref<1x64x128xf32, #tpu.memory_space<vmem>>
          %gather3A_468 = tpu.memref_squeeze %gather3A_467 : memref<1x64x128xf32, #tpu.memory_space<vmem>> -> memref<64x128xf32, #tpu.memory_space<vmem>>
          %gather3A_469 = tpu.vector_load_idx %gather3A_468[%add3A_464, %broadcast_in_dim3A_450] : memref<64x128xf32, #tpu.memory_space<vmem>>[vector<16xi32>, vector<16xi32>], vector<16xf32>,
          %swap3A_470 = arith.index_cast %while3A_432 : i32 to index
          %swap3A_471 = arith.index_cast %while3A_431 : i32 to index
          %swap3A_472 = arith.constant 16 : index
          %swap3A_473 = tpu.vector_load %arg9[%swap3A_470, %swap3A_471, %swap3A_472] {strides = array<i32>} : memref<2x48x128xf32, #tpu.memory_space<vmem>>, vector<16xf32>,
          tpu.vector_store %arg9[%swap3A_470, %swap3A_471, %swap3A_472], %gather3A_469 {strides = array<i32>} : memref<2x48x128xf32, #tpu.memory_space<vmem>>, vector<16xf32>,
          %add3A_474 = arith.constant 32 : i32
          %add3A_475 = vector.broadcast %add3A_474 : i32 to vector<16xi32>
          %add3A_476 = arith.addi %iota3A, %add3A_475 : vector<16xi32>
          %gather3A_477 = arith.constant 0 : i32
          %gather3A_478 = arith.constant 0 : i32
          %gather3A_479 = tpu.memref_slice %arg8[%and3A_447, %gather3A_477, %gather3A_478] : memref<8x64x128xf32, #tpu.memory_space<vmem>> -> memref<1x64x128xf32, #tpu.memory_space<vmem>>
          %gather3A_480 = tpu.memref_squeeze %gather3A_479 : memref<1x64x128xf32, #tpu.memory_space<vmem>> -> memref<64x128xf32, #tpu.memory_space<vmem>>
          %gather3A_481 = tpu.vector_load_idx %gather3A_480[%add3A_476, %broadcast_in_dim3A_450] : memref<64x128xf32, #tpu.memory_space<vmem>>[vector<16xi32>, vector<16xi32>], vector<16xf32>,
          %swap3A_482 = arith.index_cast %while3A_432 : i32 to index
          %swap3A_483 = arith.index_cast %while3A_431 : i32 to index
          %swap3A_484 = arith.constant 32 : index
          %swap3A_485 = tpu.vector_load %arg9[%swap3A_482, %swap3A_483, %swap3A_484] {strides = array<i32>} : memref<2x48x128xf32, #tpu.memory_space<vmem>>, vector<16xf32>,
          tpu.vector_store %arg9[%swap3A_482, %swap3A_483, %swap3A_484], %gather3A_481 {strides = array<i32>} : memref<2x48x128xf32, #tpu.memory_space<vmem>>, vector<16xf32>,
          %add3A_486 = arith.constant 48 : i32
          %add3A_487 = vector.broadcast %add3A_486 : i32 to vector<16xi32>
          %add3A_488 = arith.addi %iota3A, %add3A_487 : vector<16xi32>
          %gather3A_489 = arith.constant 0 : i32
          %gather3A_490 = arith.constant 0 : i32
          %gather3A_491 = tpu.memref_slice %arg8[%and3A_447, %gather3A_489, %gather3A_490] : memref<8x64x128xf32, #tpu.memory_space<vmem>> -> memref<1x64x128xf32, #tpu.memory_space<vmem>>
          %gather3A_492 = tpu.memref_squeeze %gather3A_491 : memref<1x64x128xf32, #tpu.memory_space<vmem>> -> memref<64x128xf32, #tpu.memory_space<vmem>>
          %gather3A_493 = tpu.vector_load_idx %gather3A_492[%add3A_488, %broadcast_in_dim3A_450] : memref<64x128xf32, #tpu.memory_space<vmem>>[vector<16xi32>, vector<16xi32>], vector<16xf32>,
          %swap3A_494 = arith.index_cast %while3A_432 : i32 to index
          %swap3A_495 = arith.index_cast %while3A_431 : i32 to index
          %swap3A_496 = arith.constant 48 : index
          %swap3A_497 = tpu.vector_load %arg9[%swap3A_494, %swap3A_495, %swap3A_496] {strides = array<i32>} : memref<2x48x128xf32, #tpu.memory_space<vmem>>, vector<16xf32>,
          tpu.vector_store %arg9[%swap3A_494, %swap3A_495, %swap3A_496], %gather3A_493 {strides = array<i32>} : memref<2x48x128xf32, #tpu.memory_space<vmem>>, vector<16xf32>,
          %broadcast_in_dim3A_498 = vector.broadcast %while3A_431 : i32 to vector<16xi32>
          %broadcast_in_dim3A_499 = vector.broadcast %squeeze3A_443 : i32 to vector<16xi32>
          %eq3A_500 = arith.constant 0 : i32
          %eq3A_501 = vector.broadcast %eq3A_500 : i32 to vector<16xi32>
          %eq3A_502 = arith.cmpi eq, %iota3A, %eq3A_501 : vector<16xi32>
          %scatter3A = arith.constant 0 : i32
          %scatter3A_503 = tpu.memref_slice %arg10[%while3A_432, %scatter3A] : memref<2x64xi32, #tpu.memory_space<vmem>> -> memref<1x64xi32, #tpu.memory_space<vmem>>
          %scatter3A_504 = tpu.memref_squeeze %scatter3A_503 : memref<1x64xi32, #tpu.memory_space<vmem>> -> memref<64xi32, #tpu.memory_space<vmem>>
          tpu.vector_store_idx %scatter3A_504[%broadcast_in_dim3A_498], %broadcast_in_dim3A_499 masked %eq3A_502 : memref<64xi32, #tpu.memory_space<vmem>>[vector<16xi32>], vector<16xi32>, vector<16xi1>
          %add3A_505 = arith.constant 1 : i32
          %add3A_506 = arith.addi %while3A_431, %add3A_505 : i32
          %ge3A_507 = arith.constant 48 : i32
          %ge3A_508 = arith.cmpi sge, %add3A_506, %ge3A_507 : i32
          %eq3A_509 = arith.constant 0 : i32
          %eq3A_510 = arith.cmpi eq, %while3A_432, %eq3A_509 : i32
          %and3A_511 = arith.andi %ge3A_508, %eq3A_510 : i1
          %convert_element_type3A_512 = arith.extui %and3A_511 : i1 to i32
          %cond3A_513 = arith.constant 0 : i32
          %cond3A_514 = arith.cmpi ne, %convert_element_type3A_512, %cond3A_513 : i32
          scf.if %cond3A_514 {
            %dma_start3A = arith.constant 0 : i32
            %dma_start3A_533 = arith.constant 0 : i32
            %dma_start3A_534 = arith.constant 0 : i32
            %dma_start3A_535 = arith.constant 0 : i32
            %dma_start3A_536 = tpu.memref_slice %arg9[%dma_start3A, %dma_start3A_534, %dma_start3A_535] : memref<2x48x128xf32, #tpu.memory_space<vmem>> -> memref<1x48x128xf32, #tpu.memory_space<vmem>>
            %dma_start3A_537 = tpu.memref_squeeze %dma_start3A_536 : memref<1x48x128xf32, #tpu.memory_space<vmem>> -> memref<48x128xf32, #tpu.memory_space<vmem>>
            %dma_start3A_538 = arith.constant 0 : i32
            %dma_start3A_539 = tpu.memref_slice %arg10[%dma_start3A_533, %dma_start3A_538] : memref<2x64xi32, #tpu.memory_space<vmem>> -> memref<1x48xi32, #tpu.memory_space<vmem>>
            %dma_start3A_540 = tpu.memref_squeeze %dma_start3A_539 : memref<1x48xi32, #tpu.memory_space<vmem>> -> memref<48xi32, #tpu.memory_space<vmem>>
            %dma_start3A_541 = arith.constant 0 : i32
            %dma_start3A_542 = arith.constant 0 : i32
            %dma_start3A_543 = tpu.memref_slice %arg4[%dma_start3A_541, %dma_start3A_542] : memref<16448x128xf32, #tpu.memory_space<hbm>> -> memref<16448x128xf32, #tpu.memory_space<hbm>>
            tpu.enqueue_indirect_dma source(%dma_start3A_537 : memref<48x128xf32, #tpu.memory_space<vmem>>) target(%dma_start3A_543 : memref<16448x128xf32, #tpu.memory_space<hbm>>) offsets(%dma_start3A_540 : memref<48xi32, #tpu.memory_space<vmem>>) semaphore(%arg19 : memref<!tpu.dma_semaphore, #tpu.memory_space<semaphore_mem>>)
            %ge3A_544 = arith.constant 1 : i32
            %ge3A_545 = arith.cmpi sge, %while3A_433, %ge3A_544 : i32
            %convert_element_type3A_546 = arith.extui %ge3A_545 : i1 to i32
            %cond3A_547 = arith.constant 0 : i32
            %cond3A_548 = arith.cmpi ne, %convert_element_type3A_546, %cond3A_547 : i32
            scf.if %cond3A_548 {
              %dma_wait3A = arith.constant 1 : i32
              %dma_wait3A_573 = arith.constant 1 : i32
              %dma_wait3A_574 = arith.constant 0 : i32
              %dma_wait3A_575 = arith.constant 0 : i32
              %dma_wait3A_576 = tpu.memref_slice %arg9[%dma_wait3A, %dma_wait3A_574, %dma_wait3A_575] : memref<2x48x128xf32, #tpu.memory_space<vmem>> -> memref<1x48x128xf32, #tpu.memory_space<vmem>>
              %dma_wait3A_577 = tpu.memref_squeeze %dma_wait3A_576 : memref<1x48x128xf32, #tpu.memory_space<vmem>> -> memref<48x128xf32, #tpu.memory_space<vmem>>
              %dma_wait3A_578 = arith.constant 0 : i32
              %dma_wait3A_579 = tpu.memref_slice %arg10[%dma_wait3A_573, %dma_wait3A_578] : memref<2x64xi32, #tpu.memory_space<vmem>> -> memref<1x48xi32, #tpu.memory_space<vmem>>
              %dma_wait3A_580 = tpu.memref_squeeze %dma_wait3A_579 : memref<1x48xi32, #tpu.memory_space<vmem>> -> memref<48xi32, #tpu.memory_space<vmem>>
              %dma_wait3A_581 = arith.constant 0 : i32
              %dma_wait3A_582 = arith.constant 0 : i32
              %dma_wait3A_583 = tpu.memref_slice %arg4[%dma_wait3A_581, %dma_wait3A_582] : memref<16448x128xf32, #tpu.memory_space<hbm>> -> memref<16448x128xf32, #tpu.memory_space<hbm>>
              tpu.wait_indirect_dma semaphore(%arg20 : memref<!tpu.dma_semaphore, #tpu.memory_space<semaphore_mem>>) src(%dma_wait3A_577 : memref<48x128xf32, #tpu.memory_space<vmem>>) dst(%dma_wait3A_583 : memref<16448x128xf32, #tpu.memory_space<hbm>>)
            } else {
            }
            %broadcast_in_dim3A_549 = arith.constant 16384 : i32
            %broadcast_in_dim3A_550 = vector.broadcast %broadcast_in_dim3A_549 : i32 to vector<16xi32>
            %swap3A_551 = arith.constant 1 : i32
            %swap3A_552 = arith.index_cast %swap3A_551 : i32 to index
            %swap3A_553 = arith.constant 0 : index
            %swap3A_554 = tpu.vector_load %arg10[%swap3A_552, %swap3A_553] {strides = array<i32>} : memref<2x64xi32, #tpu.memory_space<vmem>>, vector<16xi32>,
            tpu.vector_store %arg10[%swap3A_552, %swap3A_553], %broadcast_in_dim3A_550 {strides = array<i32>} : memref<2x64xi32, #tpu.memory_space<vmem>>, vector<16xi32>,
            %broadcast_in_dim3A_555 = arith.constant 16384 : i32
            %broadcast_in_dim3A_556 = vector.broadcast %broadcast_in_dim3A_555 : i32 to vector<16xi32>
            %swap3A_557 = arith.constant 1 : i32
            %swap3A_558 = arith.index_cast %swap3A_557 : i32 to index
            %swap3A_559 = arith.constant 16 : index
            %swap3A_560 = tpu.vector_load %arg10[%swap3A_558, %swap3A_559] {strides = array<i32>} : memref<2x64xi32, #tpu.memory_space<vmem>>, vector<16xi32>,
            tpu.vector_store %arg10[%swap3A_558, %swap3A_559], %broadcast_in_dim3A_556 {strides = array<i32>} : memref<2x64xi32, #tpu.memory_space<vmem>>, vector<16xi32>,
            %broadcast_in_dim3A_561 = arith.constant 16384 : i32
            %broadcast_in_dim3A_562 = vector.broadcast %broadcast_in_dim3A_561 : i32 to vector<16xi32>
            %swap3A_563 = arith.constant 1 : i32
            %swap3A_564 = arith.index_cast %swap3A_563 : i32 to index
            %swap3A_565 = arith.constant 32 : index
            %swap3A_566 = tpu.vector_load %arg10[%swap3A_564, %swap3A_565] {strides = array<i32>} : memref<2x64xi32, #tpu.memory_space<vmem>>, vector<16xi32>,
            tpu.vector_store %arg10[%swap3A_564, %swap3A_565], %broadcast_in_dim3A_562 {strides = array<i32>} : memref<2x64xi32, #tpu.memory_space<vmem>>, vector<16xi32>,
            %broadcast_in_dim3A_567 = arith.constant 16384 : i32
            %broadcast_in_dim3A_568 = vector.broadcast %broadcast_in_dim3A_567 : i32 to vector<16xi32>
            %swap3A_569 = arith.constant 1 : i32
            %swap3A_570 = arith.index_cast %swap3A_569 : i32 to index
            %swap3A_571 = arith.constant 48 : index
            %swap3A_572 = tpu.vector_load %arg10[%swap3A_570, %swap3A_571] {strides = array<i32>} : memref<2x64xi32, #tpu.memory_space<vmem>>, vector<16xi32>,
            tpu.vector_store %arg10[%swap3A_570, %swap3A_571], %broadcast_in_dim3A_568 {strides = array<i32>} : memref<2x64xi32, #tpu.memory_space<vmem>>, vector<16xi32>,
          } else {
          }
          %eq3A_515 = arith.constant 1 : i32
          %eq3A_516 = arith.cmpi eq, %while3A_432, %eq3A_515 : i32
          %and3A_517 = arith.andi %ge3A_508, %eq3A_516 : i1
          %convert_element_type3A_518 = arith.extui %and3A_517 : i1 to i32
          %cond3A_519 = arith.constant 0 : i32
          %cond3A_520 = arith.cmpi ne, %convert_element_type3A_518, %cond3A_519 : i32
          scf.if %cond3A_520 {
            %dma_start3A = arith.constant 1 : i32
            %dma_start3A_533 = arith.constant 1 : i32
            %dma_start3A_534 = arith.constant 0 : i32
            %dma_start3A_535 = arith.constant 0 : i32
            %dma_start3A_536 = tpu.memref_slice %arg9[%dma_start3A, %dma_start3A_534, %dma_start3A_535] : memref<2x48x128xf32, #tpu.memory_space<vmem>> -> memref<1x48x128xf32, #tpu.memory_space<vmem>>
            %dma_start3A_537 = tpu.memref_squeeze %dma_start3A_536 : memref<1x48x128xf32, #tpu.memory_space<vmem>> -> memref<48x128xf32, #tpu.memory_space<vmem>>
            %dma_start3A_538 = arith.constant 0 : i32
            %dma_start3A_539 = tpu.memref_slice %arg10[%dma_start3A_533, %dma_start3A_538] : memref<2x64xi32, #tpu.memory_space<vmem>> -> memref<1x48xi32, #tpu.memory_space<vmem>>
            %dma_start3A_540 = tpu.memref_squeeze %dma_start3A_539 : memref<1x48xi32, #tpu.memory_space<vmem>> -> memref<48xi32, #tpu.memory_space<vmem>>
            %dma_start3A_541 = arith.constant 0 : i32
            %dma_start3A_542 = arith.constant 0 : i32
            %dma_start3A_543 = tpu.memref_slice %arg4[%dma_start3A_541, %dma_start3A_542] : memref<16448x128xf32, #tpu.memory_space<hbm>> -> memref<16448x128xf32, #tpu.memory_space<hbm>>
            tpu.enqueue_indirect_dma source(%dma_start3A_537 : memref<48x128xf32, #tpu.memory_space<vmem>>) target(%dma_start3A_543 : memref<16448x128xf32, #tpu.memory_space<hbm>>) offsets(%dma_start3A_540 : memref<48xi32, #tpu.memory_space<vmem>>) semaphore(%arg20 : memref<!tpu.dma_semaphore, #tpu.memory_space<semaphore_mem>>)
            %ge3A_544 = arith.constant 1 : i32
            %ge3A_545 = arith.cmpi sge, %while3A_433, %ge3A_544 : i32
            %convert_element_type3A_546 = arith.extui %ge3A_545 : i1 to i32
            %cond3A_547 = arith.constant 0 : i32
            %cond3A_548 = arith.cmpi ne, %convert_element_type3A_546, %cond3A_547 : i32
            scf.if %cond3A_548 {
              %dma_wait3A = arith.constant 0 : i32
              %dma_wait3A_573 = arith.constant 0 : i32
              %dma_wait3A_574 = arith.constant 0 : i32
              %dma_wait3A_575 = arith.constant 0 : i32
              %dma_wait3A_576 = tpu.memref_slice %arg9[%dma_wait3A, %dma_wait3A_574, %dma_wait3A_575] : memref<2x48x128xf32, #tpu.memory_space<vmem>> -> memref<1x48x128xf32, #tpu.memory_space<vmem>>
              %dma_wait3A_577 = tpu.memref_squeeze %dma_wait3A_576 : memref<1x48x128xf32, #tpu.memory_space<vmem>> -> memref<48x128xf32, #tpu.memory_space<vmem>>
              %dma_wait3A_578 = arith.constant 0 : i32
              %dma_wait3A_579 = tpu.memref_slice %arg10[%dma_wait3A_573, %dma_wait3A_578] : memref<2x64xi32, #tpu.memory_space<vmem>> -> memref<1x48xi32, #tpu.memory_space<vmem>>
              %dma_wait3A_580 = tpu.memref_squeeze %dma_wait3A_579 : memref<1x48xi32, #tpu.memory_space<vmem>> -> memref<48xi32, #tpu.memory_space<vmem>>
              %dma_wait3A_581 = arith.constant 0 : i32
              %dma_wait3A_582 = arith.constant 0 : i32
              %dma_wait3A_583 = tpu.memref_slice %arg4[%dma_wait3A_581, %dma_wait3A_582] : memref<16448x128xf32, #tpu.memory_space<hbm>> -> memref<16448x128xf32, #tpu.memory_space<hbm>>
              tpu.wait_indirect_dma semaphore(%arg19 : memref<!tpu.dma_semaphore, #tpu.memory_space<semaphore_mem>>) src(%dma_wait3A_577 : memref<48x128xf32, #tpu.memory_space<vmem>>) dst(%dma_wait3A_583 : memref<16448x128xf32, #tpu.memory_space<hbm>>)
            } else {
            }
            %broadcast_in_dim3A_549 = arith.constant 16384 : i32
            %broadcast_in_dim3A_550 = vector.broadcast %broadcast_in_dim3A_549 : i32 to vector<16xi32>
            %swap3A_551 = arith.constant 0 : i32
            %swap3A_552 = arith.index_cast %swap3A_551 : i32 to index
            %swap3A_553 = arith.constant 0 : index
            %swap3A_554 = tpu.vector_load %arg10[%swap3A_552, %swap3A_553] {strides = array<i32>} : memref<2x64xi32, #tpu.memory_space<vmem>>, vector<16xi32>,
            tpu.vector_store %arg10[%swap3A_552, %swap3A_553], %broadcast_in_dim3A_550 {strides = array<i32>} : memref<2x64xi32, #tpu.memory_space<vmem>>, vector<16xi32>,
            %broadcast_in_dim3A_555 = arith.constant 16384 : i32
            %broadcast_in_dim3A_556 = vector.broadcast %broadcast_in_dim3A_555 : i32 to vector<16xi32>
            %swap3A_557 = arith.constant 0 : i32
            %swap3A_558 = arith.index_cast %swap3A_557 : i32 to index
            %swap3A_559 = arith.constant 16 : index
            %swap3A_560 = tpu.vector_load %arg10[%swap3A_558, %swap3A_559] {strides = array<i32>} : memref<2x64xi32, #tpu.memory_space<vmem>>, vector<16xi32>,
            tpu.vector_store %arg10[%swap3A_558, %swap3A_559], %broadcast_in_dim3A_556 {strides = array<i32>} : memref<2x64xi32, #tpu.memory_space<vmem>>, vector<16xi32>,
            %broadcast_in_dim3A_561 = arith.constant 16384 : i32
            %broadcast_in_dim3A_562 = vector.broadcast %broadcast_in_dim3A_561 : i32 to vector<16xi32>
            %swap3A_563 = arith.constant 0 : i32
            %swap3A_564 = arith.index_cast %swap3A_563 : i32 to index
            %swap3A_565 = arith.constant 32 : index
            %swap3A_566 = tpu.vector_load %arg10[%swap3A_564, %swap3A_565] {strides = array<i32>} : memref<2x64xi32, #tpu.memory_space<vmem>>, vector<16xi32>,
            tpu.vector_store %arg10[%swap3A_564, %swap3A_565], %broadcast_in_dim3A_562 {strides = array<i32>} : memref<2x64xi32, #tpu.memory_space<vmem>>, vector<16xi32>,
            %broadcast_in_dim3A_567 = arith.constant 16384 : i32
            %broadcast_in_dim3A_568 = vector.broadcast %broadcast_in_dim3A_567 : i32 to vector<16xi32>
            %swap3A_569 = arith.constant 0 : i32
            %swap3A_570 = arith.index_cast %swap3A_569 : i32 to index
            %swap3A_571 = arith.constant 48 : index
            %swap3A_572 = tpu.vector_load %arg10[%swap3A_570, %swap3A_571] {strides = array<i32>} : memref<2x64xi32, #tpu.memory_space<vmem>>, vector<16xi32>,
            tpu.vector_store %arg10[%swap3A_570, %swap3A_571], %broadcast_in_dim3A_568 {strides = array<i32>} : memref<2x64xi32, #tpu.memory_space<vmem>>, vector<16xi32>,
          } else {
          }
          %jit3A_521 = arith.constant 1 : i32
          %jit3A_522 = arith.constant 0 : i32
          %select_n3A_523 = arith.select %ge3A_508, %jit3A_521, %jit3A_522 : i32
          %sub3A_524 = arith.constant 1 : i32
          %sub3A_525 = arith.subi %sub3A_524, %while3A_432 : i32
          %select_n3A_526 = arith.select %ge3A_508, %sub3A_525, %while3A_432 : i32
          %jit3A_527 = arith.constant 0 : i32
          %select_n3A_528 = arith.select %ge3A_508, %jit3A_527, %add3A_506 : i32
          %ne3A_529 = vector.broadcast %squeeze3A : i32 to vector<16xi32>
          %ne3A_530 = arith.cmpi ne, %iota3A, %ne3A_529 : vector<16xi32>
          %and3A_531 = arith.andi %while3A_430, %ne3A_530 : vector<16xi1>
          %add3A_532 = arith.addi %while3A_433, %select_n3A_523 : i32
          scf.yield %and3A_531, %select_n3A_528, %select_n3A_526, %add3A_532 : vector<16xi1>, i32, i32, i32
        }
        scf.yield %while3A_429#1, %while3A_429#2, %while3A_429#3 : i32, i32, i32
      }
      %add3A_359 = arith.constant 8 : i32
      %add3A_360 = arith.addi %add3A_300, %add3A_359 : i32
      %add3A_361 = arith.constant 0 : i32
      %add3A_362 = arith.addi %add3A_360, %add3A_361 : i32
      %lt3A_363 = arith.constant 245 : i32
      %lt3A_364 = arith.cmpi slt, %add3A_362, %lt3A_363 : i32
      %add3A_365 = arith.addi %mul3A_2, %add3A_362 : i32
      %lt3A_366 = arith.constant 7813 : i32
      %lt3A_367 = arith.cmpi slt, %add3A_365, %lt3A_366 : i32
      %and3A_368 = arith.andi %lt3A_364, %lt3A_367 : i1
      %convert_element_type3A_369 = arith.extui %and3A_368 : i1 to i32
      %cond3A_370 = arith.constant 0 : i32
      %cond3A_371 = arith.cmpi ne, %convert_element_type3A_369, %cond3A_370 : i32
      scf.if %cond3A_371 {
        %add3A_411 = arith.constant 8 : i32
        %add3A_412 = arith.addi %add3A_300, %add3A_411 : i32
        %add3A_413 = arith.constant 0 : i32
        %add3A_414 = arith.addi %add3A_412, %add3A_413 : i32
        %add3A_415 = arith.addi %mul3A_2, %add3A_414 : i32
        %mul3A_416 = arith.constant 128 : i32
        %mul3A_417 = arith.muli %add3A_415, %mul3A_416 : i32
        %multiple_of3A = tpu.assume_multiple %mul3A_417, 128 : i32
        %dma_start3A = arith.constant 4 : i32
        %dma_start3A_418 = arith.constant 0 : i32
        %dma_start3A_419 = arith.constant 0 : i32
        %dma_start3A_420 = tpu.memref_slice %arg8[%dma_start3A, %dma_start3A_418, %dma_start3A_419] : memref<8x64x128xf32, #tpu.memory_space<vmem>> -> memref<1x64x128xf32, #tpu.memory_space<vmem>>
        %dma_start3A_421 = tpu.memref_squeeze %dma_start3A_420 : memref<1x64x128xf32, #tpu.memory_space<vmem>> -> memref<64x128xf32, #tpu.memory_space<vmem>>
        %dma_start3A_422 = arith.constant 0 : i32
        %dma_start3A_423 = tpu.memref_slice %arg2[%dma_start3A_422, %multiple_of3A] : memref<64x1000000xf32, #tpu.memory_space<hbm>> -> memref<64x128xf32, #tpu.memory_space<hbm>>
        %dma_start3A_424 = arith.constant 0 : i32
        %dma_start3A_425 = arith.constant 0 : i32
        %dma_start3A_426 = tpu.memref_slice %arg8[%dma_start3A, %dma_start3A_424, %dma_start3A_425] : memref<8x64x128xf32, #tpu.memory_space<vmem>> -> memref<1x64x128xf32, #tpu.memory_space<vmem>>
        %dma_start3A_427 = tpu.memref_squeeze %dma_start3A_426 : memref<1x64x128xf32, #tpu.memory_space<vmem>> -> memref<64x128xf32, #tpu.memory_space<vmem>>
        %dma_start3A_428 = arith.constant 0 : i32
        %dma_start3A_429 = tpu.memref_slice %arg2[%dma_start3A_428, %multiple_of3A] : memref<64x1000000xf32, #tpu.memory_space<hbm>> -> memref<64x128xf32, #tpu.memory_space<hbm>>
        tpu.enqueue_dma source(%dma_start3A_429 : memref<64x128xf32, #tpu.memory_space<hbm>>) target(%dma_start3A_427 : memref<64x128xf32, #tpu.memory_space<vmem>>) target_semaphore(%arg15 : memref<!tpu.dma_semaphore, #tpu.memory_space<semaphore_mem>>)
      } else {
      }
      %add3A_372 = arith.constant 8 : i32
      %add3A_373 = arith.addi %add3A_300, %add3A_372 : i32
      %add3A_374 = arith.constant 1 : i32
      %add3A_375 = arith.addi %add3A_373, %add3A_374 : i32
      %lt3A_376 = arith.constant 245 : i32
      %lt3A_377 = arith.cmpi slt, %add3A_375, %lt3A_376 : i32
      %add3A_378 = arith.addi %mul3A_2, %add3A_375 : i32
      %lt3A_379 = arith.constant 7813 : i32
      %lt3A_380 = arith.cmpi slt, %add3A_378, %lt3A_379 : i32
      %and3A_381 = arith.andi %lt3A_377, %lt3A_380 : i1
      %convert_element_type3A_382 = arith.extui %and3A_381 : i1 to i32
      %cond3A_383 = arith.constant 0 : i32
      %cond3A_384 = arith.cmpi ne, %convert_element_type3A_382, %cond3A_383 : i32
      scf.if %cond3A_384 {
        %add3A_411 = arith.constant 8 : i32
        %add3A_412 = arith.addi %add3A_300, %add3A_411 : i32
        %add3A_413 = arith.constant 1 : i32
        %add3A_414 = arith.addi %add3A_412, %add3A_413 : i32
        %add3A_415 = arith.addi %mul3A_2, %add3A_414 : i32
        %mul3A_416 = arith.constant 128 : i32
        %mul3A_417 = arith.muli %add3A_415, %mul3A_416 : i32
        %multiple_of3A = tpu.assume_multiple %mul3A_417, 128 : i32
        %dma_start3A = arith.constant 5 : i32
        %dma_start3A_418 = arith.constant 0 : i32
        %dma_start3A_419 = arith.constant 0 : i32
        %dma_start3A_420 = tpu.memref_slice %arg8[%dma_start3A, %dma_start3A_418, %dma_start3A_419] : memref<8x64x128xf32, #tpu.memory_space<vmem>> -> memref<1x64x128xf32, #tpu.memory_space<vmem>>
        %dma_start3A_421 = tpu.memref_squeeze %dma_start3A_420 : memref<1x64x128xf32, #tpu.memory_space<vmem>> -> memref<64x128xf32, #tpu.memory_space<vmem>>
        %dma_start3A_422 = arith.constant 0 : i32
        %dma_start3A_423 = tpu.memref_slice %arg2[%dma_start3A_422, %multiple_of3A] : memref<64x1000000xf32, #tpu.memory_space<hbm>> -> memref<64x128xf32, #tpu.memory_space<hbm>>
        %dma_start3A_424 = arith.constant 0 : i32
        %dma_start3A_425 = arith.constant 0 : i32
        %dma_start3A_426 = tpu.memref_slice %arg8[%dma_start3A, %dma_start3A_424, %dma_start3A_425] : memref<8x64x128xf32, #tpu.memory_space<vmem>> -> memref<1x64x128xf32, #tpu.memory_space<vmem>>
        %dma_start3A_427 = tpu.memref_squeeze %dma_start3A_426 : memref<1x64x128xf32, #tpu.memory_space<vmem>> -> memref<64x128xf32, #tpu.memory_space<vmem>>
        %dma_start3A_428 = arith.constant 0 : i32
        %dma_start3A_429 = tpu.memref_slice %arg2[%dma_start3A_428, %multiple_of3A] : memref<64x1000000xf32, #tpu.memory_space<hbm>> -> memref<64x128xf32, #tpu.memory_space<hbm>>
        tpu.enqueue_dma source(%dma_start3A_429 : memref<64x128xf32, #tpu.memory_space<hbm>>) target(%dma_start3A_427 : memref<64x128xf32, #tpu.memory_space<vmem>>) target_semaphore(%arg16 : memref<!tpu.dma_semaphore, #tpu.memory_space<semaphore_mem>>)
      } else {
      }
      %add3A_385 = arith.constant 8 : i32
      %add3A_386 = arith.addi %add3A_300, %add3A_385 : i32
      %add3A_387 = arith.constant 2 : i32
      %add3A_388 = arith.addi %add3A_386, %add3A_387 : i32
      %lt3A_389 = arith.constant 245 : i32
      %lt3A_390 = arith.cmpi slt, %add3A_388, %lt3A_389 : i32
      %add3A_391 = arith.addi %mul3A_2, %add3A_388 : i32
      %lt3A_392 = arith.constant 7813 : i32
      %lt3A_393 = arith.cmpi slt, %add3A_391, %lt3A_392 : i32
      %and3A_394 = arith.andi %lt3A_390, %lt3A_393 : i1
      %convert_element_type3A_395 = arith.extui %and3A_394 : i1 to i32
      %cond3A_396 = arith.constant 0 : i32
      %cond3A_397 = arith.cmpi ne, %convert_element_type3A_395, %cond3A_396 : i32
      scf.if %cond3A_397 {
        %add3A_411 = arith.constant 8 : i32
        %add3A_412 = arith.addi %add3A_300, %add3A_411 : i32
        %add3A_413 = arith.constant 2 : i32
        %add3A_414 = arith.addi %add3A_412, %add3A_413 : i32
        %add3A_415 = arith.addi %mul3A_2, %add3A_414 : i32
        %mul3A_416 = arith.constant 128 : i32
        %mul3A_417 = arith.muli %add3A_415, %mul3A_416 : i32
        %multiple_of3A = tpu.assume_multiple %mul3A_417, 128 : i32
        %dma_start3A = arith.constant 6 : i32
        %dma_start3A_418 = arith.constant 0 : i32
        %dma_start3A_419 = arith.constant 0 : i32
        %dma_start3A_420 = tpu.memref_slice %arg8[%dma_start3A, %dma_start3A_418, %dma_start3A_419] : memref<8x64x128xf32, #tpu.memory_space<vmem>> -> memref<1x64x128xf32, #tpu.memory_space<vmem>>
        %dma_start3A_421 = tpu.memref_squeeze %dma_start3A_420 : memref<1x64x128xf32, #tpu.memory_space<vmem>> -> memref<64x128xf32, #tpu.memory_space<vmem>>
        %dma_start3A_422 = arith.constant 0 : i32
        %dma_start3A_423 = tpu.memref_slice %arg2[%dma_start3A_422, %multiple_of3A] : memref<64x1000000xf32, #tpu.memory_space<hbm>> -> memref<64x128xf32, #tpu.memory_space<hbm>>
        %dma_start3A_424 = arith.constant 0 : i32
        %dma_start3A_425 = arith.constant 0 : i32
        %dma_start3A_426 = tpu.memref_slice %arg8[%dma_start3A, %dma_start3A_424, %dma_start3A_425] : memref<8x64x128xf32, #tpu.memory_space<vmem>> -> memref<1x64x128xf32, #tpu.memory_space<vmem>>
        %dma_start3A_427 = tpu.memref_squeeze %dma_start3A_426 : memref<1x64x128xf32, #tpu.memory_space<vmem>> -> memref<64x128xf32, #tpu.memory_space<vmem>>
        %dma_start3A_428 = arith.constant 0 : i32
        %dma_start3A_429 = tpu.memref_slice %arg2[%dma_start3A_428, %multiple_of3A] : memref<64x1000000xf32, #tpu.memory_space<hbm>> -> memref<64x128xf32, #tpu.memory_space<hbm>>
        tpu.enqueue_dma source(%dma_start3A_429 : memref<64x128xf32, #tpu.memory_space<hbm>>) target(%dma_start3A_427 : memref<64x128xf32, #tpu.memory_space<vmem>>) target_semaphore(%arg17 : memref<!tpu.dma_semaphore, #tpu.memory_space<semaphore_mem>>)
      } else {
      }
      %add3A_398 = arith.constant 8 : i32
      %add3A_399 = arith.addi %add3A_300, %add3A_398 : i32
      %add3A_400 = arith.constant 3 : i32
      %add3A_401 = arith.addi %add3A_399, %add3A_400 : i32
      %lt3A_402 = arith.constant 245 : i32
      %lt3A_403 = arith.cmpi slt, %add3A_401, %lt3A_402 : i32
      %add3A_404 = arith.addi %mul3A_2, %add3A_401 : i32
      %lt3A_405 = arith.constant 7813 : i32
      %lt3A_406 = arith.cmpi slt, %add3A_404, %lt3A_405 : i32
      %and3A_407 = arith.andi %lt3A_403, %lt3A_406 : i1
      %convert_element_type3A_408 = arith.extui %and3A_407 : i1 to i32
      %cond3A_409 = arith.constant 0 : i32
      %cond3A_410 = arith.cmpi ne, %convert_element_type3A_408, %cond3A_409 : i32
      scf.if %cond3A_410 {
        %add3A_411 = arith.constant 8 : i32
        %add3A_412 = arith.addi %add3A_300, %add3A_411 : i32
        %add3A_413 = arith.constant 3 : i32
        %add3A_414 = arith.addi %add3A_412, %add3A_413 : i32
        %add3A_415 = arith.addi %mul3A_2, %add3A_414 : i32
        %mul3A_416 = arith.constant 128 : i32
        %mul3A_417 = arith.muli %add3A_415, %mul3A_416 : i32
        %multiple_of3A = tpu.assume_multiple %mul3A_417, 128 : i32
        %dma_start3A = arith.constant 7 : i32
        %dma_start3A_418 = arith.constant 0 : i32
        %dma_start3A_419 = arith.constant 0 : i32
        %dma_start3A_420 = tpu.memref_slice %arg8[%dma_start3A, %dma_start3A_418, %dma_start3A_419] : memref<8x64x128xf32, #tpu.memory_space<vmem>> -> memref<1x64x128xf32, #tpu.memory_space<vmem>>
        %dma_start3A_421 = tpu.memref_squeeze %dma_start3A_420 : memref<1x64x128xf32, #tpu.memory_space<vmem>> -> memref<64x128xf32, #tpu.memory_space<vmem>>
        %dma_start3A_422 = arith.constant 0 : i32
        %dma_start3A_423 = tpu.memref_slice %arg2[%dma_start3A_422, %multiple_of3A] : memref<64x1000000xf32, #tpu.memory_space<hbm>> -> memref<64x128xf32, #tpu.memory_space<hbm>>
        %dma_start3A_424 = arith.constant 0 : i32
        %dma_start3A_425 = arith.constant 0 : i32
        %dma_start3A_426 = tpu.memref_slice %arg8[%dma_start3A, %dma_start3A_424, %dma_start3A_425] : memref<8x64x128xf32, #tpu.memory_space<vmem>> -> memref<1x64x128xf32, #tpu.memory_space<vmem>>
        %dma_start3A_427 = tpu.memref_squeeze %dma_start3A_426 : memref<1x64x128xf32, #tpu.memory_space<vmem>> -> memref<64x128xf32, #tpu.memory_space<vmem>>
        %dma_start3A_428 = arith.constant 0 : i32
        %dma_start3A_429 = tpu.memref_slice %arg2[%dma_start3A_428, %multiple_of3A] : memref<64x1000000xf32, #tpu.memory_space<hbm>> -> memref<64x128xf32, #tpu.memory_space<hbm>>
        tpu.enqueue_dma source(%dma_start3A_429 : memref<64x128xf32, #tpu.memory_space<hbm>>) target(%dma_start3A_427 : memref<64x128xf32, #tpu.memory_space<vmem>>) target_semaphore(%arg18 : memref<!tpu.dma_semaphore, #tpu.memory_space<semaphore_mem>>)
      } else {
      }
      scf.yield %while3A_358#0, %while3A_358#1, %while3A_358#2 : i32, i32, i32
    }
    %scan3A_170 = arith.constant 31 : i32
    %eq3A = arith.constant 0 : i32
    %eq3A_171 = arith.cmpi eq, %scan3A_169#1, %eq3A : i32
    %convert_element_type3A_172 = arith.extui %eq3A_171 : i1 to i32
    %cond3A_173 = arith.constant 0 : i32
    %cond3A_174 = arith.cmpi ne, %convert_element_type3A_172, %cond3A_173 : i32
    scf.if %cond3A_174 {
      %dma_start3A = arith.constant 0 : i32
      %dma_start3A_180 = arith.constant 0 : i32
      %dma_start3A_181 = arith.constant 0 : i32
      %dma_start3A_182 = arith.constant 0 : i32
      %dma_start3A_183 = tpu.memref_slice %arg9[%dma_start3A, %dma_start3A_181, %dma_start3A_182] : memref<2x48x128xf32, #tpu.memory_space<vmem>> -> memref<1x48x128xf32, #tpu.memory_space<vmem>>
      %dma_start3A_184 = tpu.memref_squeeze %dma_start3A_183 : memref<1x48x128xf32, #tpu.memory_space<vmem>> -> memref<48x128xf32, #tpu.memory_space<vmem>>
      %dma_start3A_185 = arith.constant 0 : i32
      %dma_start3A_186 = tpu.memref_slice %arg10[%dma_start3A_180, %dma_start3A_185] : memref<2x64xi32, #tpu.memory_space<vmem>> -> memref<1x48xi32, #tpu.memory_space<vmem>>
      %dma_start3A_187 = tpu.memref_squeeze %dma_start3A_186 : memref<1x48xi32, #tpu.memory_space<vmem>> -> memref<48xi32, #tpu.memory_space<vmem>>
      %dma_start3A_188 = arith.constant 0 : i32
      %dma_start3A_189 = arith.constant 0 : i32
      %dma_start3A_190 = tpu.memref_slice %arg4[%dma_start3A_188, %dma_start3A_189] : memref<16448x128xf32, #tpu.memory_space<hbm>> -> memref<16448x128xf32, #tpu.memory_space<hbm>>
      tpu.enqueue_indirect_dma source(%dma_start3A_184 : memref<48x128xf32, #tpu.memory_space<vmem>>) target(%dma_start3A_190 : memref<16448x128xf32, #tpu.memory_space<hbm>>) offsets(%dma_start3A_187 : memref<48xi32, #tpu.memory_space<vmem>>) semaphore(%arg19 : memref<!tpu.dma_semaphore, #tpu.memory_space<semaphore_mem>>)
      %dma_wait3A = arith.constant 0 : i32
      %dma_wait3A_191 = arith.constant 0 : i32
      %dma_wait3A_192 = arith.constant 0 : i32
      %dma_wait3A_193 = arith.constant 0 : i32
      %dma_wait3A_194 = tpu.memref_slice %arg9[%dma_wait3A, %dma_wait3A_192, %dma_wait3A_193] : memref<2x48x128xf32, #tpu.memory_space<vmem>> -> memref<1x48x128xf32, #tpu.memory_space<vmem>>
      %dma_wait3A_195 = tpu.memref_squeeze %dma_wait3A_194 : memref<1x48x128xf32, #tpu.memory_space<vmem>> -> memref<48x128xf32, #tpu.memory_space<vmem>>
      %dma_wait3A_196 = arith.constant 0 : i32
      %dma_wait3A_197 = tpu.memref_slice %arg10[%dma_wait3A_191, %dma_wait3A_196] : memref<2x64xi32, #tpu.memory_space<vmem>> -> memref<1x48xi32, #tpu.memory_space<vmem>>
      %dma_wait3A_198 = tpu.memref_squeeze %dma_wait3A_197 : memref<1x48xi32, #tpu.memory_space<vmem>> -> memref<48xi32, #tpu.memory_space<vmem>>
      %dma_wait3A_199 = arith.constant 0 : i32
      %dma_wait3A_200 = arith.constant 0 : i32
      %dma_wait3A_201 = tpu.memref_slice %arg4[%dma_wait3A_199, %dma_wait3A_200] : memref<16448x128xf32, #tpu.memory_space<hbm>> -> memref<16448x128xf32, #tpu.memory_space<hbm>>
      tpu.wait_indirect_dma semaphore(%arg19 : memref<!tpu.dma_semaphore, #tpu.memory_space<semaphore_mem>>) src(%dma_wait3A_195 : memref<48x128xf32, #tpu.memory_space<vmem>>) dst(%dma_wait3A_201 : memref<16448x128xf32, #tpu.memory_space<hbm>>)
      %ge3A = arith.constant 1 : i32
      %ge3A_202 = arith.cmpi sge, %scan3A_169#2, %ge3A : i32
      %convert_element_type3A_203 = arith.extui %ge3A_202 : i1 to i32
      %cond3A_204 = arith.constant 0 : i32
      %cond3A_205 = arith.cmpi ne, %convert_element_type3A_203, %cond3A_204 : i32
      scf.if %cond3A_205 {
        %dma_wait3A_206 = arith.constant 1 : i32
        %dma_wait3A_207 = arith.constant 1 : i32
        %dma_wait3A_208 = arith.constant 0 : i32
        %dma_wait3A_209 = arith.constant 0 : i32
        %dma_wait3A_210 = tpu.memref_slice %arg9[%dma_wait3A_206, %dma_wait3A_208, %dma_wait3A_209] : memref<2x48x128xf32, #tpu.memory_space<vmem>> -> memref<1x48x128xf32, #tpu.memory_space<vmem>>
        %dma_wait3A_211 = tpu.memref_squeeze %dma_wait3A_210 : memref<1x48x128xf32, #tpu.memory_space<vmem>> -> memref<48x128xf32, #tpu.memory_space<vmem>>
        %dma_wait3A_212 = arith.constant 0 : i32
        %dma_wait3A_213 = tpu.memref_slice %arg10[%dma_wait3A_207, %dma_wait3A_212] : memref<2x64xi32, #tpu.memory_space<vmem>> -> memref<1x48xi32, #tpu.memory_space<vmem>>
        %dma_wait3A_214 = tpu.memref_squeeze %dma_wait3A_213 : memref<1x48xi32, #tpu.memory_space<vmem>> -> memref<48xi32, #tpu.memory_space<vmem>>
        %dma_wait3A_215 = arith.constant 0 : i32
        %dma_wait3A_216 = arith.constant 0 : i32
        %dma_wait3A_217 = tpu.memref_slice %arg4[%dma_wait3A_215, %dma_wait3A_216] : memref<16448x128xf32, #tpu.memory_space<hbm>> -> memref<16448x128xf32, #tpu.memory_space<hbm>>
        tpu.wait_indirect_dma semaphore(%arg20 : memref<!tpu.dma_semaphore, #tpu.memory_space<semaphore_mem>>) src(%dma_wait3A_211 : memref<48x128xf32, #tpu.memory_space<vmem>>) dst(%dma_wait3A_217 : memref<16448x128xf32, #tpu.memory_space<hbm>>)
      } else {
      }
    } else {
    }
    %eq3A_175 = arith.constant 1 : i32
    %eq3A_176 = arith.cmpi eq, %scan3A_169#1, %eq3A_175 : i32
    %convert_element_type3A_177 = arith.extui %eq3A_176 : i1 to i32
    %cond3A_178 = arith.constant 0 : i32
    %cond3A_179 = arith.cmpi ne, %convert_element_type3A_177, %cond3A_178 : i32
    scf.if %cond3A_179 {
      %dma_start3A = arith.constant 1 : i32
      %dma_start3A_180 = arith.constant 1 : i32
      %dma_start3A_181 = arith.constant 0 : i32
      %dma_start3A_182 = arith.constant 0 : i32
      %dma_start3A_183 = tpu.memref_slice %arg9[%dma_start3A, %dma_start3A_181, %dma_start3A_182] : memref<2x48x128xf32, #tpu.memory_space<vmem>> -> memref<1x48x128xf32, #tpu.memory_space<vmem>>
      %dma_start3A_184 = tpu.memref_squeeze %dma_start3A_183 : memref<1x48x128xf32, #tpu.memory_space<vmem>> -> memref<48x128xf32, #tpu.memory_space<vmem>>
      %dma_start3A_185 = arith.constant 0 : i32
      %dma_start3A_186 = tpu.memref_slice %arg10[%dma_start3A_180, %dma_start3A_185] : memref<2x64xi32, #tpu.memory_space<vmem>> -> memref<1x48xi32, #tpu.memory_space<vmem>>
      %dma_start3A_187 = tpu.memref_squeeze %dma_start3A_186 : memref<1x48xi32, #tpu.memory_space<vmem>> -> memref<48xi32, #tpu.memory_space<vmem>>
      %dma_start3A_188 = arith.constant 0 : i32
      %dma_start3A_189 = arith.constant 0 : i32
      %dma_start3A_190 = tpu.memref_slice %arg4[%dma_start3A_188, %dma_start3A_189] : memref<16448x128xf32, #tpu.memory_space<hbm>> -> memref<16448x128xf32, #tpu.memory_space<hbm>>
      tpu.enqueue_indirect_dma source(%dma_start3A_184 : memref<48x128xf32, #tpu.memory_space<vmem>>) target(%dma_start3A_190 : memref<16448x128xf32, #tpu.memory_space<hbm>>) offsets(%dma_start3A_187 : memref<48xi32, #tpu.memory_space<vmem>>) semaphore(%arg20 : memref<!tpu.dma_semaphore, #tpu.memory_space<semaphore_mem>>)
      %dma_wait3A = arith.constant 1 : i32
      %dma_wait3A_191 = arith.constant 1 : i32
      %dma_wait3A_192 = arith.constant 0 : i32
      %dma_wait3A_193 = arith.constant 0 : i32
      %dma_wait3A_194 = tpu.memref_slice %arg9[%dma_wait3A, %dma_wait3A_192, %dma_wait3A_193] : memref<2x48x128xf32, #tpu.memory_space<vmem>> -> memref<1x48x128xf32, #tpu.memory_space<vmem>>
      %dma_wait3A_195 = tpu.memref_squeeze %dma_wait3A_194 : memref<1x48x128xf32, #tpu.memory_space<vmem>> -> memref<48x128xf32, #tpu.memory_space<vmem>>
      %dma_wait3A_196 = arith.constant 0 : i32
      %dma_wait3A_197 = tpu.memref_slice %arg10[%dma_wait3A_191, %dma_wait3A_196] : memref<2x64xi32, #tpu.memory_space<vmem>> -> memref<1x48xi32, #tpu.memory_space<vmem>>
      %dma_wait3A_198 = tpu.memref_squeeze %dma_wait3A_197 : memref<1x48xi32, #tpu.memory_space<vmem>> -> memref<48xi32, #tpu.memory_space<vmem>>
      %dma_wait3A_199 = arith.constant 0 : i32
      %dma_wait3A_200 = arith.constant 0 : i32
      %dma_wait3A_201 = tpu.memref_slice %arg4[%dma_wait3A_199, %dma_wait3A_200] : memref<16448x128xf32, #tpu.memory_space<hbm>> -> memref<16448x128xf32, #tpu.memory_space<hbm>>
      tpu.wait_indirect_dma semaphore(%arg20 : memref<!tpu.dma_semaphore, #tpu.memory_space<semaphore_mem>>) src(%dma_wait3A_195 : memref<48x128xf32, #tpu.memory_space<vmem>>) dst(%dma_wait3A_201 : memref<16448x128xf32, #tpu.memory_space<hbm>>)
      %ge3A = arith.constant 1 : i32
      %ge3A_202 = arith.cmpi sge, %scan3A_169#2, %ge3A : i32
      %convert_element_type3A_203 = arith.extui %ge3A_202 : i1 to i32
      %cond3A_204 = arith.constant 0 : i32
      %cond3A_205 = arith.cmpi ne, %convert_element_type3A_203, %cond3A_204 : i32
      scf.if %cond3A_205 {
        %dma_wait3A_206 = arith.constant 0 : i32
        %dma_wait3A_207 = arith.constant 0 : i32
        %dma_wait3A_208 = arith.constant 0 : i32
        %dma_wait3A_209 = arith.constant 0 : i32
        %dma_wait3A_210 = tpu.memref_slice %arg9[%dma_wait3A_206, %dma_wait3A_208, %dma_wait3A_209] : memref<2x48x128xf32, #tpu.memory_space<vmem>> -> memref<1x48x128xf32, #tpu.memory_space<vmem>>
        %dma_wait3A_211 = tpu.memref_squeeze %dma_wait3A_210 : memref<1x48x128xf32, #tpu.memory_space<vmem>> -> memref<48x128xf32, #tpu.memory_space<vmem>>
        %dma_wait3A_212 = arith.constant 0 : i32
        %dma_wait3A_213 = tpu.memref_slice %arg10[%dma_wait3A_207, %dma_wait3A_212] : memref<2x64xi32, #tpu.memory_space<vmem>> -> memref<1x48xi32, #tpu.memory_space<vmem>>
        %dma_wait3A_214 = tpu.memref_squeeze %dma_wait3A_213 : memref<1x48xi32, #tpu.memory_space<vmem>> -> memref<48xi32, #tpu.memory_space<vmem>>
        %dma_wait3A_215 = arith.constant 0 : i32
        %dma_wait3A_216 = arith.constant 0 : i32
        %dma_wait3A_217 = tpu.memref_slice %arg4[%dma_wait3A_215, %dma_wait3A_216] : memref<16448x128xf32, #tpu.memory_space<hbm>> -> memref<16448x128xf32, #tpu.memory_space<hbm>>
        tpu.wait_indirect_dma semaphore(%arg19 : memref<!tpu.dma_semaphore, #tpu.memory_space<semaphore_mem>>) src(%dma_wait3A_211 : memref<48x128xf32, #tpu.memory_space<vmem>>) dst(%dma_wait3A_217 : memref<16448x128xf32, #tpu.memory_space<hbm>>)
      } else {
      }
    } else {
    }
    return
  }
}

</mosaic_0001>

<sc_bundles>
// kernel: kernel.3.cloned.1.call-start
scs
__scs_entry_jumppad:
0x0: {  	(pc) =	sbr.rel $0x88, $3  }
0x1: {  	(tag) =	ssettag $0x0;
	lr =	simm.s32 $0x1  }
0x2: {  	[smem:$0x3F9F] =	sst lr;
	_ =	strace $0xD0000000  }
0x3: {  	_ = 	snop  }
0x4: {  	_ = 	snop  }
0x5: {  	_ = 	snop  }
0x6: {  	_ = 	snop  }
0x7: {  	_ = 	snop  }
__scs_overlays_trampoline_lowered:
0x8: {  	[smem:$0x3FAE] =	sst s0  }
0x9: {  	[smem:$0x3FAF] =	sst s1  }
0xa: {  	[smem:$0x3FB0] =	sst s2  }
0xb: {  	[smem:$0x3FB1] =	sst s3  }
0xc: {  	[smem:$0x3FB2] =	sst s4  }
0xd: {  	[smem:$0x3FB3] =	sst s5  }
0xe: {  	[smem:$0x3FB4] =	sst s6  }
0xf: {  	[smem:$0x3FB5] =	sst s7  }
0x10: {  	[smem:$0x3FB6] =	sst s8  }
0x11: {  	[smem:$0x3FB7] =	sst s9;
	s0 =	simm.s32 @!p0 $0x0  }
0x12: {  	s1 =	sld [smem:$0x3F9D];
	s0 =	simm.s32 @p0 $0x1  }
0x13: {  	[smem:$0x3FB8] =	sst s0;
	s0 =	simm.s32 @!p1 $0x0  }
0x14: {  	s2 =	sld [smem:$0x3F9C];
	s0 =	simm.s32 @p1 $0x1  }
0x15: {  	[smem:$0x3FB9] =	sst s0;
	s0 =	simm.s32 @!p2 $0x0  }
0x16: {  	s3 =	sld [smem:$0x3FDB];
	s0 =	simm.s32 @p2 $0x1  }
0x17: {  	s4 =	simm.s32 $0x1BF5;
	[smem:$0x3FBB] =	sst s0  }
0x18: {  	s0 =	sld [smem:$0x3F9E];
	_ =	swait.ge [sflag:s4], $0x0  }
0x19: {  	s7 =	sld [smem:$0x3F9F]  }
0x1a: {  	s8 =	sadd.s32 $0xFFFFE003, lr  }
0x1b: {  	s9 =	sadd.s32 $0xFFFFFEF7, lr;
	s5 =	simm.s32 $0xFFFFFFFF;
	p2 =	slt.u32 s8, $0xFFFFF086  }
0x1c: {  	p1 =	slt.u32 s9, $0xF7A;
	s5 =	simm.s32 @!p2 $0x0  }
0x1d: {  	s5 =	simm.s32 @p1 $0x1;
	p0 =	seq.s32 s7, s2  }
0x1e: {  	s7 =	smul.u32 @!p0 $0xF7A, s2;
	p2 =	seq.s32 @!p0 s5, $0x0  }
0x1f: {  	s9 =	smul.u32 $0xF7A, s1;
	s8 =	simm.s32 @!p0 $0x1BF5;
	p2 =	por !p2, p0  }
0x20: {  	[sflag:s8] =	ssyncset.s32 @!p0 $0xFFFFF086;
	s6 =	sadd.s32 @!p0 s3, s7;
	s7 =	simm.s32 @!p0 $0x108  }
0x21: {  	s3 =	sadd.s32 s3, s9;
	s6 =	sadd.s32 @!p0 $0x88, s6;
	s7 =	simm.s32 @p2 $0x1082  }
0x22: {  	[simem:s7], [sflag:s8] =	dma.local @!p0 [hbm:s6], $0xF7A  }
0x23: {  	s9 =	sor.u32 $0xD0000000, s2;
	s6 =	simm.s32 $0x108;
	_ =	swait.ge @!p0 [sflag:s8], $0x0  }
0x24: {  	s3 =	sadd.s32 $0x88, s3;
	s6 =	simm.s32 @!p1 $0x1082;
	[sflag:s4] =	ssyncset.s32 $0xFFFFF086  }
0x25: {  	[simem:s6], [sflag:s4] =	dma.local [hbm:s3], $0xF7A  }
0x26: {  	[smem:$0x3F9F] =	sst s1;
	(tag) =	ssettag s2;
	_ =	strace s9  }
0x27: {  	s1 =	sld [smem:$0x3FAF]  }
0x28: {  	s2 =	sld [smem:$0x3FB0]  }
0x29: {  	s4 =	sld [smem:$0x3FB2]  }
0x2a: {  	p0 =	seq.s32 s5, $0x0;
	s5 =	sld [smem:$0x3FB3]  }
0x2b: {  	s6 =	sld [smem:$0x3FB4]  }
0x2c: {  	s7 =	sld [smem:$0x3FB5]  }
0x2d: {  	s3 =	simm.s32 $0x108;
	s8 =	sld [smem:$0x3FB6]  }
0x2e: {  	s3 =	simm.s32 @!p0 $0x1082;
	s9 =	sld [smem:$0x3FB7]  }
0x2f: {  	lr =	sadd.s32 s0, s3;
	s0 =	sld [smem:$0x3FAE]  }
0x30: {  	s3 =	sld [smem:$0x3FB1]  }
0x31: {  	[smem:$0x3FBA] =	sst s10  }
0x32: {  	s10 =	sld [smem:$0x3FB8];
	_ =	sdelay $0x3  }
0x33: {  	p0 =	seq.s32 s10, $0x1;
	s10 =	sld [smem:$0x3FBA];
	_ =	sdelay $0x3  }
0x34: {  	[smem:$0x3FBA] =	sst s10  }
0x35: {  	s10 =	sld [smem:$0x3FB9];
	_ =	sdelay $0x3  }
0x36: {  	p1 =	seq.s32 s10, $0x1;
	s10 =	sld [smem:$0x3FBA];
	_ =	sdelay $0x3  }
0x37: {  	[smem:$0x3FBA] =	sst s10  }
0x38: {  	s10 =	sld [smem:$0x3FBB]  }
0x39: {  	_ = 	snop;
	(pc) =	sbr.ind lr, $3  }
0x3a: {  	_ = 	snop  }
0x3b: {  	_ = 	snop  }
0x3c: {  	p2 =	seq.s32 s10, $0x1;
	s10 =	sld [smem:$0x3FBA]  }
0x3d: {  	_ =	shalt  }
0x3e: {  	_ =	shalt  }
0x3f: {  	_ =	shalt  }
0x40: {  	_ =	shalt  }
0x41: {  	_ =	shalt  }
0x42: {  	_ =	shalt  }
0x43: {  	_ =	shalt  }
0x44: {  	_ =	shalt  }
0x45: {  	_ =	shalt  }
0x46: {  	_ =	shalt  }
0x47: {  	_ =	shalt  }
0x48: {  	_ =	shalt  }
0x49: {  	_ =	shalt  }
0x4a: {  	_ =	shalt  }
0x4b: {  	_ =	shalt  }
0x4c: {  	_ =	shalt  }
0x4d: {  	_ =	shalt  }
0x4e: {  	_ =	shalt  }
0x4f: {  	_ =	shalt  }
0x50: {  	_ =	shalt  }
0x51: {  	_ =	shalt  }
0x52: {  	_ =	shalt  }
0x53: {  	_ =	shalt  }
0x54: {  	_ =	shalt  }
0x55: {  	_ =	shalt  }
0x56: {  	_ =	shalt  }
0x57: {  	_ =	shalt  }
0x58: {  	_ =	shalt  }
0x59: {  	_ =	shalt  }
0x5a: {  	_ =	shalt  }
0x5b: {  	_ =	shalt  }
0x5c: {  	_ =	shalt  }
0x5d: {  	_ =	shalt  }
0x5e: {  	_ =	shalt  }
0x5f: {  	_ =	shalt  }
0x60: {  	_ =	shalt  }
0x61: {  	_ =	shalt  }
0x62: {  	_ =	shalt  }
0x63: {  	_ =	shalt  }
0x64: {  	_ =	shalt  }
0x65: {  	_ =	shalt  }
0x66: {  	_ =	shalt  }
0x67: {  	_ =	shalt  }
0x68: {  	_ =	shalt  }
0x69: {  	_ =	shalt  }
0x6a: {  	_ =	shalt  }
0x6b: {  	_ =	shalt  }
0x6c: {  	_ =	shalt  }
0x6d: {  	_ =	shalt  }
0x6e: {  	_ =	shalt  }
0x6f: {  	_ =	shalt  }
0x70: {  	_ =	shalt  }
0x71: {  	_ =	shalt  }
0x72: {  	_ =	shalt  }
0x73: {  	_ =	shalt  }
0x74: {  	_ =	shalt  }
0x75: {  	_ =	shalt  }
0x76: {  	_ =	shalt  }
0x77: {  	_ =	shalt  }
0x78: {  	_ =	shalt  }
0x79: {  	_ =	shalt  }
0x7a: {  	_ =	shalt  }
0x7b: {  	_ =	shalt  }
0x7c: {  	_ =	shalt  }
0x7d: {  	_ =	shalt  }
0x7e: {  	_ =	shalt  }
0x7f: {  	_ =	shalt  }
0x80: {  	_ =	shalt  }
0x81: {  	_ =	shalt  }
0x82: {  	_ =	shalt  }
0x83: {  	_ =	shalt  }
0x84: {  	_ =	shalt  }
0x85: {  	_ =	shalt  }
0x86: {  	_ =	shalt  }
0x87: {  	_ =	shalt  }
.Lfunc_end0:
.L_simem_size_0:
called_computation_lowered:
.L_overlay_start_0:
0x88: {  	s2 =	sld [smem:$0x3FD9]  }
0x89: {  	s3 =	sld [smem:$0x3FFE];
	_ =	sdelay $0x1  }
0x8a: {  	s1 =	srdreg.scid  }
0x8b: {  	s0 =	sand.u32 $0x1, s1  }
0x8c: {  	s17 =	sshll.u32 s0, $0xA;
	s2 =	sadd.s32 s3, s2  }
0x8d: {  	s2 =	sadd.s32 s2, s17  }
0x8e: {  	[smem:$0x3FC6] =	sst s2  }
0x8f: {  	_ = 	snop  }
0x90: {  	s2 =	sld [smem:$0x3FC9]  }
0x91: {  	s18 =	sld [smem:$0x3FC8];
	(tm) =	ssettm $0x1  }
0x92: {  	s4 =	sld [smem:$0x3FFB];
	_ =	sdelay $0x3  }
0x93: {  	_ =	strace s4  }
0x94: {  	s4 =	sld [smem:$0x3FFC];
	_ =	sdelay $0x3  }
0x95: {  	_ =	strace s4  }
0x96: {  	s4 =	sld [smem:$0x3FFD];
	_ =	sdelay $0x3  }
0x97: {  	_ =	strace s4  }
0x98: {  	_ =	strace $0x8FFFFFFF  }
0x99: {  	s19 =	sld [smem:$0x3FDB];
	_ =	sdelay $0x1  }
0x9a: {  	s5 =	simm.s32 $_scs_section_size  }
0x9b: {  	s6 =	simm.s32 $_size__tile_overlayer_lowered;
	s7 =	simm.s32 $_tile_overlayer_lowered  }
0x9c: {  	s22 =	simm.s32 $0x1BFF;
	s21 =	sshll.u32 s7, $0x1;
	s4 =	sadd.s32 s5, s19  }
0x9d: {  	s8 =	simm.s32 $0x0;
	s20 =	sshll.u32 s6, $0x1;
	s6 =	sadd.s32 s21, s4  }
0x9e: {  	[timem:s8], [sflag:s22] =	dma.local [hbm:s6], s20  }
0x9f: {  	_ =	swait.ge [sflag:s22], s20  }
0xa0: {  	s5 =	ssub.s32 $0x0, s20;
	[sflag:s22] =	ssyncset.done $0x0  }
0xa1: {  	[sflag:s22] =	ssyncadd.s32 s5;
	_ =	sdelay $0x1  }
0xa2: {  	s23 =	simm.s32 $0x1B8B  }
0xa3: {  	_ =	swait.ge [sflag:s23], $0x1  }
0xa4: {  	[sflag:s23] =	ssyncset.done $0x0  }
0xa5: {  	s25 =	simm.s32 $0x1B8E;
	s24 =	sld [smem:$0x3FFE];
	[sflag:s23] =	ssyncadd.s32 $0xFFFFFFFF  }
0xa6: {  	s26 =	simm.s32 $execute0_lowered;
	[smem:$0x3FD2] =	sst s25  }
0xa7: {  	s6 =	sshll.u32 s26, $0x1;
	_ =	strace $0x80000046;
	[dreg:$0x1] =	wrdreg $0xFFFFFFFF  }
0xa8: {  	s28 =	simm.s32 $_size_execute0_lowered;
	s4 =	sadd.s32 s4, s6;
	[dreg:$0x0] =	wrdreg $0x0  }
0xa9: {  	s6 =	sshll.u32 s28, $0x1;
	[dreg:$0x2] =	wrdreg s4  }
0xaa: {  	[dreg:$0x3] =	wrdreg s6  }
0xab: {  	[dreg:$0x4] =	wrdreg $0xC0  }
0xac: {  	_ =	task [dreg:s8], $0x5FFFF  }
0xad: {  	[dreg:$0x1] =	wrdreg $0xFFFFFFFF  }
0xae: {  	[dreg:$0x0] =	wrdreg $0x60  }
0xaf: {  	[dreg:$0x2] =	wrdreg s18  }
0xb0: {  	[dreg:$0x3] =	wrdreg s2  }
0xb1: {  	[dreg:$0x4] =	wrdreg s24  }
0xb2: {  	[dreg:$0x5] =	wrdreg $0x9  }
0xb3: {  	_ =	task.clear_ibuf [dreg:s8], $0x6FFFF;
	_ =	strace $0x90000046  }
0xb4: {  	s29 =	simm.s32 $0x9;
	_ =	strace $0x80000048  }
0xb5: {  	_ =	swait.ge [sflag:s29], $0x1  }
0xb6: {  	[sflag:s29] =	ssyncadd.s32 $0xFFFFFFFF  }
0xb7: {  	_ =	strace $0x90000048  }
0xb8: {  	_ =	sfence  }
0xb9: {  	s30 =	sld [smem:$0x0];
	_ =	sdelay $0x2  }
0xba: {  	s31 =	sshll.u32 s1, $0xD;
	s1 =	sshrl.u32 s1, $0x2  }
0xbb: {  	s3 =	sand.u32 $0x4000, s31;
	s1 =	sadd.s32 s1, s30  }
0xbc: {  	s0 =	sor.u32 s3, s0;
	s1 =	sshll.u32 s1, $0x11  }
0xbd: {  	s0 =	sor.u32 s1, s0  }
0xbe: {  	s0 =	sadd.s32 $0x8F2B, s0  }
0xbf: {  	[sflag:s0] =	ssyncadd.remote.s32 $0x1  }
0xc0: {  	_ =	sfence.sel $0xFFFF  }
0xc1: {  	[dreg:$0x0] =	wrdreg $0xFFFFFFFF;
	(pc) =	sbr.abs _section_cstart, $3  }
0xc2: {  	[dreg:$0x1] =	wrdreg $0xFFFFFFFF  }
0xc3: {  	_ =	task.clear_ibuf [dreg:s8], $0x2FFFF;
	_ =	strace $0x9FFFFFFF  }
0xc4: {  	(tm) =	ssettm $0x7FFFFFFF  }
0xc5: {  	_ =	shalt  }
tec
execute0_lowered:
.L_overlay_start_1:
0x0: {  	(tag) =	ssettag $0x1  }
0x1: {  	s1 =	rddreg [dreg:$0x0]  }
0x2: {  	s0 =	srdreg.scid;
	s3 =	stileid.u32  }
0x3: {  	s2 =	rddreg [dreg:$0x2];
	s0 =	sand.u32 $0x1, s0;
	s3 =	sshll.u32 s3, $0x1  }
0x4: {  	s4 =	simm.s32 $0x0;
	s31 =	simm.s32 $0x30;
	s3 =	sor.u32 s0, s3  }
0x5: {  	[smem:$0x7FF] =	sst s4;
	s0 =	ssub.s32 $0x2, s0;
	s8 =	smul.u32 $0x7A80, s3  }
0x6: {  	s5 =	sadd.s32 $0x400, s2;
	s21 =	sshrl.u32 s0, $0x1;
	s6 =	smul.u32 $0xF5, s3  }
0x7: {  	_ =	strace $0x80000047;
	s3 =	simm.s32 $0x0;
	s0 =	ssub.s32 s0, s21  }
0x8: {  	s22 =	sadd.s32 s1, s8;
	s23 =	sadd.s32 $0x7A80, s8;
	s15 =	sadd.s32 $0x1, s6  }
0x9: {  	s16 =	sadd.s32 $0x2, s6;
	s0 =	smax.u32 s0, $0x1;
	[dreg:$0x4] =	wrdreg s22  }
0xa: {  	s17 =	sadd.s32 $0x3, s6;
	s24 =	sadd.s32 $0x80, s22;
	[dreg:$0xc] =	wrdreg s0  }
0xb: {  	s18 =	sadd.s32 $0x8, s6;
	s25 =	sadd.s32 $0x100, s22;
	[dreg:$0x5] =	wrdreg s24  }
0xc: {  	s19 =	sadd.s32 $0x9, s6;
	s26 =	sadd.s32 $0x180, s22;
	[dreg:$0x6] =	wrdreg s25  }
0xd: {  	s20 =	sadd.s32 $0xA, s6;
	s28 =	sadd.s32 $0x200, s22;
	[dreg:$0x7] =	wrdreg s26  }
.Ltmp0:
0xe: {  	v0 =	vlaneseq.u32;
	s29 =	sadd.s32 $0x280, s22;
	[dreg:$0x8] =	wrdreg s28;
	(pc) =	sbr.rel .LBB2_1-.Ltmp0, $4  }
0xf: {  	v1 =	vmul.u32 $0x80, v0;
	s21 =	sadd.s32 $0xB, s6;
	s30 =	sadd.s32 $0x300, s22;
	[dreg:$0x9] =	wrdreg s29  }
0x10: {  	s2 =	sadd.s32 $0x380, s22;
	s22 =	sadd.s32 $0xC, s6;
	[dreg:$0xa] =	wrdreg s30  }
0x11: {  	v4 =	vimm.s32 $0x4000;
	v5 =	vor.u32 $0x800, v1;
	v6 =	vor.u32 $0x1000, v1;
	s0 =	simm.s32 $0x1C100;
	[dreg:$0xb] =	wrdreg s2;
	s24 =	sadd.s32 $0xD, s6  }
0x12: {  	v7 =	vor.u32 $0x1800, v1;
	v2 =	vmov s8;
	v3 =	vmov s23;
	s25 =	sadd.s32 $0xE, s6;
	s26 =	sadd.s32 $0xF, s6;
	s2 =	simm.s32 $0x1F100  }
.LBB2_22:
0x13: {  	[hbm4b:s5+s31] =	stream.indirect.scatter [tilespmem:s0], [sflag:$0x9], $0x80, s2, s31, $0xb8;
	[tilespmem:$0x1F200] =	vst v63  }
0x14: {  	p0 =	sgt.s32 s8, $0x0  }
.Ltmp1:
0x15: {  	_ = 	snop;
	(pc) =	sbr.rel @!p0 .LBB2_25-.Ltmp1, $4  }
0x16: {  	s4 =	simm.s32 $0x9  }
0x17: {  	_ =	swait.ge [sflag:s4], $0x1800  }
0x18: {  	[sflag:s4] =	ssyncset.done $0x0  }
0x19: {  	s8 =	simm.s32 $0xA;
	[sflag:s4] =	ssyncadd.s32 $0xFFFFE800  }
.LBB2_24:
0x1a: {  	_ =	swait.ge [sflag:s8], $0x1800  }
0x1b: {  	[sflag:s8] =	ssyncset.done $0x0  }
0x1c: {  	[sflag:s8] =	ssyncadd.s32 $0xFFFFE800  }
.LBB2_25:
0x1d: {  	s3 =	sadd.s32 $0x1, s3;
	s4 =	rddreg [dreg:$0xc]  }
0x1e: {  	p0 =	sne.s32 s3, s4  }
.Ltmp2:
0x1f: {  	_ = 	snop;
	(pc) =	sbr.rel @!p0 .LBB2_26-.Ltmp2, $1  }
0x20: {  	_ =	sdelay $0x3  }
.LBB2_1:
0x21: {  	s4 =	rddreg [dreg:$0x1];
	s7 =	simm.s32 $0x0;
	s30 =	simm.s32 $0xB  }
0x22: {  	[tilespmem:s7], [sflag:$0xB] =	stream.linear.gather [hbm4b:s4+s7], $0x4000, $0x38;
	[tilespmem:$0x1F200] =	vst v63  }
0x23: {  	_ =	swait.ge [sflag:s30], $0x4000  }
0x24: {  	[sflag:s30] =	ssyncset.done $0x0  }
0x25: {  	[sflag:s30] =	ssyncadd.s32 $0xFFFFC000  }
0x26: {  	v8 =	vld [tilespmem:s7+$0x0];
	_ =	sdelay $0x4  }
0x27: {  	vm0 =	vge.s32 v8, v2;
	vm1 =	vlt.s32 v8, v3  }
0x28: {  	vm0 =	vmand vm0, vm1  }
0x29: {  	v9 =	vmpcnt.ones.xlane vm0;
	_ =	sdelay $0x1  }
0x2a: {  	(v2sf) =	vpush v9, $0x0;
	_ =	sdelay $0x4  }
0x2b: {  	[tilespmem:s7+$0x4000] =	vst.msk vm0, v8;
	v8 =	vor.u32 s7, v0  }
0x2c: {  	s8 =	simm.s32 $0x10;
	[tilespmem:s7+$0x8080] =	vst.msk vm0, v8  }
0x2d: {  	s10 =	simm.s32 $0x20;
	s9 =	simm.s32 $0x0;
	s11 =	simm.s32 $0x10;
	v8 =	vld [tilespmem:s8+$0x0]  }
.LBB2_2:
0x2e: {  	p0 =	sne.s32 s10, $0x3FF0;
	_ =	sdelay $0x3  }
0x2f: {  	vm0 =	vge.s32 v8, v2;
	vm1 =	vlt.s32 v8, v3  }
0x30: {  	vm0 =	vmand vm0, vm1  }
0x31: {  	v9 =	vmpcnt.ones.xlane vm0  }
0x32: {  	s12 =	spop (v2sf)  }
0x33: {  	(v2sf) =	vpush v9, $0x0;
	s9 =	sadd.s32 s9, s12  }
0x34: {  	v9 =	vor.u32 s8, v0;
	s8 =	smov.u32 s10;
	[tilespmem:s9+$0x4000] =	vst.msk vm0, v8  }
0x35: {  	[tilespmem:s9+$0x8080] =	vst.msk vm0, v9  }
.Ltmp3:
0x36: {  	(pc) =	sbr.rel @p0 .LBB2_2-.Ltmp3, $3  }
0x37: {  	_ =	sdelay $0x1  }
0x38: {  	s11 =	sadd.s32 $0x10, s11  }
0x39: {  	s10 =	sadd.s32 $0x10, s10;
	v8 =	vld [tilespmem:s11+$0x0]  }
0x3a: {  	_ =	sdelay $0x4  }
0x3b: {  	vm0 =	vge.s32 v8, v2;
	vm1 =	vlt.s32 v8, v3  }
0x3c: {  	vm0 =	vmand vm0, vm1  }
0x3d: {  	v9 =	vmpcnt.ones.xlane vm0;
	s10 =	spop (v2sf)  }
0x3e: {  	s9 =	sadd.s32 s9, s10  }
0x3f: {  	(v2sf) =	vpush v9, $0x0;
	v9 =	vor.u32 s8, v0;
	[tilespmem:s9+$0x4000] =	vst.msk vm0, v8  }
0x40: {  	[tilespmem:s9+$0x8080] =	vst.msk vm0, v9  }
0x41: {  	[tilespmem:$0x1F100] =	vst v4  }
0x42: {  	[tilespmem:$0x1F110] =	vst v4  }
0x43: {  	[tilespmem:$0x1F120] =	vst v4  }
0x44: {  	[tilespmem:$0x1F130] =	vst v4  }
0x45: {  	[tilespmem:$0x1F180] =	vst v4  }
0x46: {  	[tilespmem:$0x1F190] =	vst v4  }
0x47: {  	s4 =	rddreg [dreg:$0x4];
	[tilespmem:$0x1F1A0] =	vst v4  }
0x48: {  	s7 =	simm.s32 $0x400;
	s12 =	simm.s32 $0x7A1400;
	s14 =	simm.s32 $0xC100;
	[tilespmem:$0x1F1B0] =	vst v4  }
0x49: {  	[tilespmem:s14], [sflag:$0x1] =	stream.strided.gather [hbm4b:s4+s7], $0x2000, s12, s7, $0x38;
	[tilespmem:$0x1F200] =	vst v63  }
0x4a: {  	s23 =	rddreg [dreg:$0x5];
	s28 =	simm.s32 $0xE100  }
0x4b: {  	[tilespmem:s28], [sflag:$0x2] =	stream.strided.gather [hbm4b:s23+s7], $0x2000, s12, s7, $0x38;
	[tilespmem:$0x1F200] =	vst v63  }
0x4c: {  	s30 =	rddreg [dreg:$0x6];
	s11 =	simm.s32 $0x10100  }
0x4d: {  	[tilespmem:s11], [sflag:$0x3] =	stream.strided.gather [hbm4b:s30+s7], $0x2000, s12, s7, $0x38;
	[tilespmem:$0x1F200] =	vst v63  }
0x4e: {  	s14 =	rddreg [dreg:$0x7];
	s23 =	simm.s32 $0x12100  }
0x4f: {  	[tilespmem:s23], [sflag:$0x4] =	stream.strided.gather [hbm4b:s14+s7], $0x2000, s12, s7, $0x38;
	[tilespmem:$0x1F200] =	vst v63  }
0x50: {  	s30 =	simm.s32 $0x14100;
	s13 =	spop (v2sf)  }
0x51: {  	s11 =	simm.s32 $0x0;
	s14 =	simm.s32 $0x16100;
	s10 =	sadd.s32 s9, s13  }
0x52: {  	s23 =	rddreg [dreg:$0xa];
	s9 =	simm.s32 $0x1;
	s8 =	sadd.s32 $0xF, s10  }
0x53: {  	v8 =	vmov s10;
	s10 =	simm.s32 $0x0;
	s29 =	sand.u32 $0xF, s8;
	s13 =	sshra.s32 s8, $0x1F  }
0x54: {  	p0 =	slt.s32 s8, $0x1;
	p1 =	sne.s32 s29, $0x0;
	s29 =	rddreg [dreg:$0x8]  }
0x55: {  	s28 =	sshrl.u32 s13, $0x1C;
	s13 =	rddreg [dreg:$0x9];
	p0 =	por !p0, !p1  }
0x56: {  	[tilespmem:s30], [sflag:$0x5] =	stream.strided.gather [hbm4b:s29+s7], $0x2000, s12, s7, $0x38;
	[tilespmem:$0x1F200] =	vst v63  }
0x57: {  	s8 =	sadd.s32 s28, s8;
	s28 =	simm.s32 $0x18100;
	p0 =	por !p0, !p0  }
0x58: {  	[tilespmem:s14], [sflag:$0x6] =	stream.strided.gather [hbm4b:s13+s7], $0x2000, s12, s7, $0x38;
	[tilespmem:$0x1F200] =	vst v63  }
.Ltmp4:
0x59: {  	s8 =	sshra.s32 s8, $0x4;
	s9 =	simm.s32 @!p0 $0x0;
	(pc) =	sbr.rel .LBB2_4-.Ltmp4, $4  }
0x5a: {  	[tilespmem:s28], [sflag:$0x7] =	stream.strided.gather [hbm4b:s23+s7], $0x2000, s12, s7, $0x38;
	[tilespmem:$0x1F200] =	vst v63  }
0x5b: {  	s29 =	rddreg [dreg:$0xb];
	s30 =	simm.s32 $0x1A100;
	s9 =	ssub.s32 s8, s9  }
0x5c: {  	[tilespmem:s30], [sflag:$0x8] =	stream.strided.gather [hbm4b:s29+s7], $0x2000, s12, s7, $0x38;
	[tilespmem:$0x1F200] =	vst v63  }
0x5d: {  	s8 =	simm.s32 $0x0;
	p0 =	slt.s32 s9, $0x1;
	s12 =	simm.s32 $0x0  }
.LBB2_20:
0x5e: {  	s4 =	sadd.s32 s13, s22  }
0x5f: {  	p2 =	sgt.u32 @!p1 s4, $0x1E84  }
0x60: {  	p1 =	por p2, p1  }
0x61: {  	s4 =	sshll.u32 @!p1 s4, $0x7;
	s7 =	simm.s32 @!p1 $0x400  }
0x62: {  	s14 =	simm.s32 @!p1 $0x7A1400;
	s23 =	simm.s32 @!p1 $0x14100;
	s4 =	sadd.s32 @!p1 s1, s4  }
0x63: {  	[tilespmem:s23], [sflag:$0x5] =	stream.strided.gather @!p1 [hbm4b:s4+s7], $0x2000, s14, s7, $0x38;
	[tilespmem:$0x1F200] =	vst v63  }
0x64: {  	p1 =	sgt.u32 s12, $0x1C;
	s4 =	sadd.s32 s13, s24  }
0x65: {  	p2 =	sgt.u32 @!p1 s4, $0x1E84  }
0x66: {  	p2 =	por p2, p1  }
0x67: {  	s4 =	sshll.u32 @!p2 s4, $0x7;
	s7 =	simm.s32 @!p2 $0x400  }
0x68: {  	s14 =	simm.s32 @!p2 $0x7A1400;
	s23 =	simm.s32 @!p2 $0x16100;
	s4 =	sadd.s32 @!p2 s1, s4  }
0x69: {  	[tilespmem:s23], [sflag:$0x6] =	stream.strided.gather @!p2 [hbm4b:s4+s7], $0x2000, s14, s7, $0x38;
	[tilespmem:$0x1F200] =	vst v63  }
0x6a: {  	s4 =	sadd.s32 s13, s25  }
0x6b: {  	p2 =	sgt.u32 @!p1 s4, $0x1E84  }
0x6c: {  	p2 =	por p2, p1  }
0x6d: {  	s4 =	sshll.u32 @!p2 s4, $0x7;
	s7 =	simm.s32 @!p2 $0x400  }
0x6e: {  	s14 =	simm.s32 @!p2 $0x7A1400;
	s23 =	simm.s32 @!p2 $0x18100;
	s4 =	sadd.s32 @!p2 s1, s4  }
0x6f: {  	[tilespmem:s23], [sflag:$0x7] =	stream.strided.gather @!p2 [hbm4b:s4+s7], $0x2000, s14, s7, $0x38;
	[tilespmem:$0x1F200] =	vst v63  }
0x70: {  	s4 =	sadd.s32 s13, s26  }
0x71: {  	p2 =	sgt.u32 @!p1 s4, $0x1E84  }
0x72: {  	p1 =	por p2, p1  }
0x73: {  	s12 =	sadd.s32 $0x1, s12;
	s4 =	sshll.u32 @!p1 s4, $0x7;
	s7 =	simm.s32 @!p1 $0x400  }
0x74: {  	s13 =	simm.s32 @!p1 $0x7A1400;
	s14 =	simm.s32 @!p1 $0x1A100;
	s4 =	sadd.s32 @!p1 s1, s4  }
0x75: {  	[tilespmem:s14], [sflag:$0x8] =	stream.strided.gather @!p1 [hbm4b:s4+s7], $0x2000, s13, s7, $0x38;
	[tilespmem:$0x1F200] =	vst v63  }
0x76: {  	p1 =	sne.s32 s12, $0x1F  }
.Ltmp5:
0x77: {  	_ = 	snop;
	(pc) =	sbr.rel @!p1 .LBB2_21-.Ltmp5, $1  }
0x78: {  	_ =	sdelay $0x3  }
.LBB2_4:
0x79: {  	s13 =	sshll.u32 s12, $0x3  }
0x7a: {  	s14 =	sadd.s32 s6, s13  }
0x7b: {  	p1 =	sgt.u32 s14, $0x1E84  }
0x7c: {  	s23 =	simm.s32 @!p1 $0x1  }
0x7d: {  	s7 =	sadd.s32 s13, s15;
	_ =	swait.ge @!p1 [sflag:s23], $0x2000  }
0x7e: {  	p2 =	sgt.u32 s7, $0x1E84;
	[sflag:s23] =	ssyncset.done @!p1 $0x0  }
0x7f: {  	s7 =	simm.s32 @!p2 $0x2;
	[sflag:s23] =	ssyncadd.s32 @!p1 $0xFFFFE000  }
0x80: {  	s29 =	sadd.s32 s13, s16;
	_ =	swait.ge @!p2 [sflag:s7], $0x2000  }
0x81: {  	p1 =	sgt.u32 s29, $0x1E84;
	[sflag:s7] =	ssyncset.done @!p2 $0x0  }
0x82: {  	[sflag:s7] =	ssyncadd.s32 @!p2 $0xFFFFE000;
	s7 =	simm.s32 @!p1 $0x3  }
0x83: {  	s30 =	sadd.s32 s13, s17;
	_ =	swait.ge @!p1 [sflag:s7], $0x2000  }
.Ltmp6:
0x84: {  	p2 =	sgt.u32 s30, $0x1E84;
	[sflag:s7] =	ssyncset.done @!p1 $0x0;
	(pc) =	sbr.rel @p0 .LBB2_12-.Ltmp6, $4  }
0x85: {  	[sflag:s7] =	ssyncadd.s32 @!p1 $0xFFFFE000;
	s7 =	simm.s32 @!p2 $0x4  }
0x86: {  	_ =	swait.ge @!p2 [sflag:s7], $0x2000  }
0x87: {  	[sflag:s7] =	ssyncset.done @!p2 $0x0  }
0x88: {  	[sflag:s7] =	ssyncadd.s32 @!p2 $0xFFFFE000  }
.Ltmp7:
0x89: {  	(pc) =	sbr.rel .LBB2_6-.Ltmp7, $4  }
0x8a: {  	_ = 	snop  }
0x8b: {  	s7 =	sshll.u32 s14, $0x7  }
0x8c: {  	s14 =	sadd.s32 $0x200, s7  }
0x8d: {  	v9 =	vmov s7;
	v10 =	vmov s14;
	s14 =	simm.s32 $0x0  }
.LBB2_11:
0x8e: {  	s14 =	sadd.s32 $0x1, s14  }
0x8f: {  	p1 =	sne.s32 s14, s9  }
.Ltmp8:
0x90: {  	_ = 	snop;
	(pc) =	sbr.rel @!p1 .LBB2_12-.Ltmp8, $1  }
0x91: {  	_ =	sdelay $0x3  }
.LBB2_6:
0x92: {  	s23 =	sshll.u32 s14, $0x4  }
0x93: {  	v11 =	vld [tilespmem:s23+$0x4000];
	_ =	sdelay $0x3  }
0x94: {  	v12 =	vor.u32 s23, v0  }
0x95: {  	vm0 =	vlt.s32 v12, v8;
	vm1 =	vlt.s32 v11, v10  }
0x96: {  	vm2 =	vge.s32 v11, v9;
	vm0 =	vmand vm1, vm0  }
0x97: {  	vm0 =	vmand vm0, vm2  }
0x98: {  	v11 =	vmpcnt.ones.xlane vm0;
	_ =	sdelay $0x1  }
0x99: {  	(v2sf) =	vpush v11, $0x0;
	_ =	sdelay $0xe  }
0x9a: {  	s7 =	spop (v2sf)  }
0x9b: {  	p1 =	slt.s32 s7, $0x1  }
.Ltmp9:
0x9c: {  	_ = 	snop;
	(pc) =	sbr.rel @!p1 .LBB2_7-.Ltmp9, $4  }
.Ltmp10:
0x9d: {  	_ = 	snop;
	(pc) =	sbr.rel @p1 .LBB2_11-.Ltmp10, $4  }
0x9e: {  	_ = 	snop  }
0x9f: {  	_ = 	snop  }
0xa0: {  	_ = 	snop  }
0xa1: {  	_ = 	snop  }
.LBB2_8:
0xa2: {  	[hbm4b:s5+s31] =	stream.indirect.scatter [tilespmem:s0], [sflag:$0x9], $0x80, s2, s31, $0xb8;
	[tilespmem:$0x1F200] =	vst v63  }
0xa3: {  	p1 =	slt.s32 s8, $0x1  }
0xa4: {  	s4 =	simm.s32 @!p1 $0xA  }
0xa5: {  	_ =	swait.ge @!p1 [sflag:s4], $0x1800  }
0xa6: {  	[sflag:s4] =	ssyncset.done @!p1 $0x0  }
0xa7: {  	[sflag:s4] =	ssyncadd.s32 @!p1 $0xFFFFE800  }
0xa8: {  	[tilespmem:$0x1F180] =	vst v4  }
0xa9: {  	[tilespmem:$0x1F190] =	vst v4  }
0xaa: {  	[tilespmem:$0x1F1A0] =	vst v4  }
0xab: {  	[tilespmem:$0x1F1B0] =	vst v4  }
.LBB2_10:
0xac: {  	v11 =	vbroadcast v11, $0x0;
	_ =	sdelay $0x1  }
0xad: {  	vm1 =	vne.s32 v11, v0  }
0xae: {  	vm0 =	vmand vm0, vm1  }
0xaf: {  	v11 =	vmpcnt.ones.xlane vm0;
	_ =	sdelay $0x1  }
0xb0: {  	(v2sf) =	vpush v11, $0x0;
	_ =	sdelay $0xe  }
0xb1: {  	s7 =	spop (v2sf)  }
0xb2: {  	p2 =	sgt.s32 s7, $0x0  }
.Ltmp11:
0xb3: {  	_ = 	snop;
	(pc) =	sbr.rel @!p2 .LBB2_11-.Ltmp11, $4  }
0xb4: {  	_ = 	snop  }
0xb5: {  	p1 =	sgt.s32 s11, $0x2F;
	s4 =	simm.s32 $0x1  }
0xb6: {  	s28 =	sxor.u32 $0x1, s10;
	s4 =	simm.s32 @!p1 $0x0  }
0xb7: {  	s10 =	smov.u32 @p1 s28;
	s11 =	simm.s32 @p1 $0x0;
	s8 =	sadd.s32 s4, s8  }
.LBB2_7:
0xb8: {  	v11 =	vmctz.xlane vm0;
	_ =	sdelay $0x1  }
0xb9: {  	(v2sf) =	vpush v11, $0x0;
	_ =	sdelay $0xe  }
0xba: {  	s7 =	spop (v2sf)  }
0xbb: {  	s7 =	sadd.s32 s23, s7  }
0xbc: {  	v12 =	vld [tilespmem:s7+$0x4000];
	_ =	sdelay $0x4  }
0xbd: {  	(v2sf) =	vpush v12, $0x0;
	_ =	sdelay $0xe  }
0xbe: {  	s28 =	spop (v2sf)  }
0xbf: {  	s4 =	sand.u32 $0x7F, s28  }
0xc0: {  	v60 =	vor.u32 s4, v1  }
0xc1: {  	s28 =	sshrl.u32 s28, $0x7  }
0xc2: {  	s28 =	ssub.s32 s28, s6  }
0xc3: {  	s28 =	sshll.u32 s28, $0xD  }
0xc4: {  	s28 =	sand.u32 $0xE000, s28  }
0xc5: {  	v12 =	vld.idx.msk [tilespmem:v60+s28+$0xC100], $0xffff  }
0xc6: {  	s29 =	smul.u32 $0x6000, s10;
	v13 =	vor.u32 s4, v5  }
0xc7: {  	s30 =	sshll.u32 s11, $0x9  }
0xc8: {  	s30 =	sshra.s32 s30, $0x2;
	s29 =	sshra.s32 s29, $0x2  }
0xc9: {  	s29 =	sadd.s32 s30, s29  }
0xca: {  	v14 =	vld.msk [tilespmem:s7+$0x8080 ss:$0x0], $0xffff;
	[tilespmem:s29+$0x1C100] =	vst v12  }
0xcb: {  	v12 =	vld.idx.msk [tilespmem:v13+s28+$0xC100], $0xffff  }
0xcc: {  	v61 =	vor.u32 s4, v6;
	_ =	sdelay $0x2  }
0xcd: {  	s7 =	sadd.s32 $0x1C100, s29  }
0xce: {  	[tilespmem:s7+$0x10] =	vst v12  }
0xcf: {  	v12 =	vld.idx.msk [tilespmem:v61+s28+$0xC100], $0xffff  }
0xd0: {  	v62 =	vor.u32 s4, v7;
	_ =	sdelay $0x2  }
0xd1: {  	v63 =	vmov s11;
	s11 =	sadd.s32 $0x1, s11  }
0xd2: {  	p1 =	slt.s32 s11, $0x30;
	[tilespmem:s7+$0x20] =	vst v12  }
0xd3: {  	p2 =	sne.s32 @!p1 s10, $0x0;
	v12 =	vld.idx.msk [tilespmem:v62+s28+$0xC100], $0xffff  }
0xd4: {  	p2 =	por p1, p2  }
.Ltmp12:
0xd5: {  	_ = 	snop;
	(pc) =	sbr.rel @!p2 .LBB2_8-.Ltmp12, $4  }
0xd6: {  	_ = 	snop  }
0xd7: {  	s30 =	sshll.u32 s10, $0x7  }
0xd8: {  	s4 =	sand.u32 $0x3FFFFF80, s30;
	[tilespmem:s7+$0x30] =	vst v12  }
0xd9: {  	[tilespmem:v63+s4+$0x1F100] =	vst.idx.msk $0x1, v14  }
0xda: {  	p3 =	sne.s32 @!p1 s10, $0x1  }
0xdb: {  	p2 =	por p3, p1  }
0xdc: {  	s4 =	simm.s32 @!p2 $0x30  }
0xdd: {  	s7 =	simm.s32 @!p2 $0x1F180;
	s28 =	simm.s32 @!p2 $0x1D900;
	p4 =	slt.s32 @!p2 s8, $0x1  }
0xde: {  	[hbm4b:s5+s4] =	stream.indirect.scatter @!p2 [tilespmem:s28], [sflag:$0xA], $0x80, s7, s4, $0xb8;
	[tilespmem:$0x1F200] =	vst v63  }
0xdf: {  	p3 =	por @!p1 p4, p3  }
0xe0: {  	p1 =	por p3, p1  }
0xe1: {  	s4 =	simm.s32 @!p1 $0x9  }
0xe2: {  	_ =	swait.ge @!p1 [sflag:s4], $0x1800  }
0xe3: {  	[sflag:s4] =	ssyncset.done @!p1 $0x0  }
.Ltmp13:
0xe4: {  	v12 =	vimm.s32 @!p2 $0x4000;
	[sflag:s4] =	ssyncadd.s32 @!p1 $0xFFFFE800;
	(pc) =	sbr.rel .LBB2_10-.Ltmp13, $4  }
0xe5: {  	[tilespmem:$0x1F100] =	vst @!p2 v12  }
0xe6: {  	[tilespmem:$0x1F110] =	vst @!p2 v12  }
0xe7: {  	[tilespmem:$0x1F120] =	vst @!p2 v12  }
0xe8: {  	[tilespmem:$0x1F130] =	vst @!p2 v12  }
.LBB2_12:
0xe9: {  	p1 =	seq.s32 s12, $0x1E;
	s4 =	sadd.s32 s13, s18  }
0xea: {  	p2 =	sgt.u32 @!p1 s4, $0x1E84  }
0xeb: {  	p2 =	por p2, p1  }
0xec: {  	s4 =	sshll.u32 @!p2 s4, $0x7;
	s7 =	simm.s32 @!p2 $0x400  }
0xed: {  	s14 =	simm.s32 @!p2 $0x7A1400;
	s23 =	simm.s32 @!p2 $0xC100;
	s4 =	sadd.s32 @!p2 s1, s4  }
0xee: {  	[tilespmem:s23], [sflag:$0x1] =	stream.strided.gather @!p2 [hbm4b:s4+s7], $0x2000, s14, s7, $0x38;
	[tilespmem:$0x1F200] =	vst v63  }
0xef: {  	s4 =	sadd.s32 s13, s19  }
0xf0: {  	p2 =	sgt.u32 @!p1 s4, $0x1E84  }
0xf1: {  	p2 =	por p2, p1  }
0xf2: {  	s4 =	sshll.u32 @!p2 s4, $0x7;
	s7 =	simm.s32 @!p2 $0x400  }
0xf3: {  	s14 =	simm.s32 @!p2 $0x7A1400;
	s23 =	simm.s32 @!p2 $0xE100;
	s4 =	sadd.s32 @!p2 s1, s4  }
0xf4: {  	[tilespmem:s23], [sflag:$0x2] =	stream.strided.gather @!p2 [hbm4b:s4+s7], $0x2000, s14, s7, $0x38;
	[tilespmem:$0x1F200] =	vst v63  }
0xf5: {  	s4 =	sadd.s32 s13, s20  }
0xf6: {  	p2 =	sgt.u32 @!p1 s4, $0x1E84  }
0xf7: {  	p2 =	por p2, p1  }
0xf8: {  	s4 =	sshll.u32 @!p2 s4, $0x7;
	s7 =	simm.s32 @!p2 $0x400  }
0xf9: {  	s14 =	simm.s32 @!p2 $0x7A1400;
	s23 =	simm.s32 @!p2 $0x10100;
	s4 =	sadd.s32 @!p2 s1, s4  }
0xfa: {  	[tilespmem:s23], [sflag:$0x3] =	stream.strided.gather @!p2 [hbm4b:s4+s7], $0x2000, s14, s7, $0x38;
	[tilespmem:$0x1F200] =	vst v63  }
0xfb: {  	s4 =	sadd.s32 s13, s21  }
0xfc: {  	p2 =	sgt.u32 @!p1 s4, $0x1E84  }
0xfd: {  	p2 =	por p2, p1  }
0xfe: {  	s4 =	sshll.u32 @!p2 s4, $0x7;
	s7 =	simm.s32 @!p2 $0x400  }
0xff: {  	s14 =	simm.s32 @!p2 $0x7A1400;
	s23 =	simm.s32 @!p2 $0x12100;
	s4 =	sadd.s32 @!p2 s1, s4  }
0x100: {  	[tilespmem:s23], [sflag:$0x4] =	stream.strided.gather @!p2 [hbm4b:s4+s7], $0x2000, s14, s7, $0x38;
	[tilespmem:$0x1F200] =	vst v63  }
0x101: {  	s23 =	sadd.s32 s13, s6  }
0x102: {  	s14 =	sadd.s32 $0x4, s23  }
0x103: {  	s28 =	sor.u32 $0x5, s13;
	p2 =	sgt.u32 s14, $0x1E84  }
0x104: {  	p3 =	sgt.u32 s28, $0xF4;
	s4 =	sadd.s32 s6, s28;
	s7 =	simm.s32 @!p2 $0x5  }
0x105: {  	p4 =	sgt.u32 @!p3 s4, $0x1E84;
	_ =	swait.ge @!p2 [sflag:s7], $0x2000  }
0x106: {  	p3 =	por p4, p3;
	[sflag:s7] =	ssyncset.done @!p2 $0x0  }
0x107: {  	s29 =	sor.u32 $0x6, s13;
	s4 =	simm.s32 @!p3 $0x6;
	[sflag:s7] =	ssyncadd.s32 @!p2 $0xFFFFE000  }
0x108: {  	p2 =	sgt.u32 s29, $0xF4;
	s7 =	sadd.s32 s6, s29;
	_ =	swait.ge @!p3 [sflag:s4], $0x2000  }
0x109: {  	p4 =	sgt.u32 @!p2 s7, $0x1E84;
	[sflag:s4] =	ssyncset.done @!p3 $0x0  }
0x10a: {  	s30 =	sor.u32 $0x7, s13;
	p2 =	por p4, p2;
	[sflag:s4] =	ssyncadd.s32 @!p3 $0xFFFFE000  }
0x10b: {  	s7 =	simm.s32 @!p2 $0x7;
	p3 =	sgt.u32 s30, $0xF4;
	s4 =	sadd.s32 s6, s30  }
0x10c: {  	_ =	swait.ge @!p2 [sflag:s7], $0x2000;
	p4 =	sgt.u32 @!p3 s4, $0x1E84  }
.Ltmp14:
0x10d: {  	p3 =	por p4, p3;
	[sflag:s7] =	ssyncset.done @!p2 $0x0;
	(pc) =	sbr.rel @p0 .LBB2_20-.Ltmp14, $4  }
0x10e: {  	[sflag:s7] =	ssyncadd.s32 @!p2 $0xFFFFE000;
	s4 =	simm.s32 @!p3 $0x8  }
0x10f: {  	_ =	swait.ge @!p3 [sflag:s4], $0x2000  }
0x110: {  	[sflag:s4] =	ssyncset.done @!p3 $0x0  }
0x111: {  	[sflag:s4] =	ssyncadd.s32 @!p3 $0xFFFFE000  }
.Ltmp15:
0x112: {  	(pc) =	sbr.rel .LBB2_14-.Ltmp15, $4  }
0x113: {  	_ = 	snop  }
0x114: {  	s4 =	sshll.u32 s14, $0x7  }
0x115: {  	s7 =	sadd.s32 $0x200, s4  }
0x116: {  	s14 =	simm.s32 $0x0;
	v9 =	vmov s4;
	v10 =	vmov s7  }
.LBB2_19:
0x117: {  	s14 =	sadd.s32 $0x1, s14  }
0x118: {  	p2 =	sne.s32 s14, s9  }
.Ltmp16:
0x119: {  	_ = 	snop;
	(pc) =	sbr.rel @!p2 .LBB2_20-.Ltmp16, $1  }
0x11a: {  	_ =	sdelay $0x3  }
.LBB2_14:
0x11b: {  	s23 =	sshll.u32 s14, $0x4  }
0x11c: {  	v11 =	vld [tilespmem:s23+$0x4000];
	_ =	sdelay $0x3  }
0x11d: {  	v12 =	vor.u32 s23, v0  }
0x11e: {  	vm0 =	vlt.s32 v12, v8;
	vm1 =	vlt.s32 v11, v10  }
0x11f: {  	vm2 =	vge.s32 v11, v9;
	vm0 =	vmand vm1, vm0  }
0x120: {  	vm0 =	vmand vm0, vm2  }
0x121: {  	v11 =	vmpcnt.ones.xlane vm0;
	_ =	sdelay $0x1  }
0x122: {  	(v2sf) =	vpush v11, $0x0;
	_ =	sdelay $0xe  }
0x123: {  	s4 =	spop (v2sf)  }
0x124: {  	p2 =	slt.s32 s4, $0x1  }
.Ltmp17:
0x125: {  	_ = 	snop;
	(pc) =	sbr.rel @!p2 .LBB2_15-.Ltmp17, $4  }
.Ltmp18:
0x126: {  	_ = 	snop;
	(pc) =	sbr.rel @p2 .LBB2_19-.Ltmp18, $4  }
0x127: {  	_ = 	snop  }
0x128: {  	_ = 	snop  }
0x129: {  	_ = 	snop  }
0x12a: {  	_ = 	snop  }
.LBB2_16:
0x12b: {  	[hbm4b:s5+s31] =	stream.indirect.scatter [tilespmem:s0], [sflag:$0x9], $0x80, s2, s31, $0xb8;
	[tilespmem:$0x1F200] =	vst v63  }
0x12c: {  	p2 =	slt.s32 s8, $0x1  }
0x12d: {  	s4 =	simm.s32 @!p2 $0xA  }
0x12e: {  	_ =	swait.ge @!p2 [sflag:s4], $0x1800  }
0x12f: {  	[sflag:s4] =	ssyncset.done @!p2 $0x0  }
0x130: {  	[sflag:s4] =	ssyncadd.s32 @!p2 $0xFFFFE800  }
0x131: {  	[tilespmem:$0x1F180] =	vst v4  }
0x132: {  	[tilespmem:$0x1F190] =	vst v4  }
0x133: {  	[tilespmem:$0x1F1A0] =	vst v4  }
0x134: {  	[tilespmem:$0x1F1B0] =	vst v4  }
.LBB2_18:
0x135: {  	v11 =	vbroadcast v11, $0x0;
	_ =	sdelay $0x1  }
0x136: {  	vm1 =	vne.s32 v11, v0  }
0x137: {  	vm0 =	vmand vm0, vm1  }
0x138: {  	v11 =	vmpcnt.ones.xlane vm0;
	_ =	sdelay $0x1  }
0x139: {  	(v2sf) =	vpush v11, $0x0;
	_ =	sdelay $0xe  }
0x13a: {  	s7 =	spop (v2sf)  }
0x13b: {  	p3 =	sgt.s32 s7, $0x0  }
.Ltmp19:
0x13c: {  	_ = 	snop;
	(pc) =	sbr.rel @!p3 .LBB2_19-.Ltmp19, $4  }
0x13d: {  	_ = 	snop  }
0x13e: {  	p2 =	sgt.s32 s11, $0x2F;
	s4 =	simm.s32 $0x1  }
0x13f: {  	s28 =	sxor.u32 $0x1, s10;
	s4 =	simm.s32 @!p2 $0x0  }
0x140: {  	s10 =	smov.u32 @p2 s28;
	s11 =	simm.s32 @p2 $0x0;
	s8 =	sadd.s32 s4, s8  }
.LBB2_15:
0x141: {  	v11 =	vmctz.xlane vm0;
	_ =	sdelay $0x1  }
0x142: {  	(v2sf) =	vpush v11, $0x0;
	_ =	sdelay $0xe  }
0x143: {  	s4 =	spop (v2sf)  }
0x144: {  	s4 =	sadd.s32 s23, s4  }
0x145: {  	v12 =	vld [tilespmem:s4+$0x4000];
	_ =	sdelay $0x4  }
0x146: {  	(v2sf) =	vpush v12, $0x0;
	_ =	sdelay $0xe  }
0x147: {  	s7 =	spop (v2sf)  }
0x148: {  	s28 =	sand.u32 $0x7F, s7  }
0x149: {  	v60 =	vor.u32 s28, v1  }
0x14a: {  	s7 =	sshrl.u32 s7, $0x7  }
0x14b: {  	s7 =	ssub.s32 s7, s6  }
0x14c: {  	s7 =	sshll.u32 s7, $0xD  }
0x14d: {  	s7 =	sand.u32 $0xE000, s7  }
0x14e: {  	v12 =	vld.idx.msk [tilespmem:v60+s7+$0xC100], $0xffff  }
0x14f: {  	s29 =	smul.u32 $0x6000, s10;
	v13 =	vor.u32 s28, v5  }
0x150: {  	s30 =	sshll.u32 s11, $0x9  }
0x151: {  	s30 =	sshra.s32 s30, $0x2;
	s29 =	sshra.s32 s29, $0x2  }
0x152: {  	s30 =	sadd.s32 s30, s29  }
0x153: {  	v14 =	vld.msk [tilespmem:s4+$0x8080 ss:$0x0], $0xffff;
	[tilespmem:s30+$0x1C100] =	vst v12  }
0x154: {  	v12 =	vld.idx.msk [tilespmem:v13+s7+$0xC100], $0xffff  }
0x155: {  	v61 =	vor.u32 s28, v6;
	_ =	sdelay $0x2  }
0x156: {  	s4 =	sadd.s32 $0x1C100, s30  }
0x157: {  	[tilespmem:s4+$0x10] =	vst v12  }
0x158: {  	v12 =	vld.idx.msk [tilespmem:v61+s7+$0xC100], $0xffff  }
0x159: {  	v62 =	vor.u32 s28, v7;
	_ =	sdelay $0x2  }
0x15a: {  	v63 =	vmov s11;
	s11 =	sadd.s32 $0x1, s11  }
0x15b: {  	p2 =	slt.s32 s11, $0x30;
	[tilespmem:s4+$0x20] =	vst v12  }
0x15c: {  	p3 =	sne.s32 @!p2 s10, $0x0;
	v12 =	vld.idx.msk [tilespmem:v62+s7+$0xC100], $0xffff  }
0x15d: {  	p3 =	por p2, p3  }
.Ltmp20:
0x15e: {  	_ = 	snop;
	(pc) =	sbr.rel @!p3 .LBB2_16-.Ltmp20, $4  }
0x15f: {  	_ = 	snop  }
0x160: {  	s29 =	sshll.u32 s10, $0x7  }
0x161: {  	s30 =	sand.u32 $0x3FFFFF80, s29;
	[tilespmem:s4+$0x30] =	vst v12  }
0x162: {  	[tilespmem:v63+s30+$0x1F100] =	vst.idx.msk $0x1, v14  }
0x163: {  	p4 =	sne.s32 @!p2 s10, $0x1  }
0x164: {  	p3 =	por p4, p2  }
0x165: {  	s4 =	simm.s32 @!p3 $0x30  }
0x166: {  	s7 =	simm.s32 @!p3 $0x1F180;
	s28 =	simm.s32 @!p3 $0x1D900;
	p5 =	slt.s32 @!p3 s8, $0x1  }
0x167: {  	[hbm4b:s5+s4] =	stream.indirect.scatter @!p3 [tilespmem:s28], [sflag:$0xA], $0x80, s7, s4, $0xb8;
	[tilespmem:$0x1F200] =	vst v63  }
0x168: {  	p4 =	por @!p2 p5, p4  }
0x169: {  	p2 =	por p4, p2  }
0x16a: {  	s4 =	simm.s32 @!p2 $0x9  }
0x16b: {  	_ =	swait.ge @!p2 [sflag:s4], $0x1800  }
0x16c: {  	[sflag:s4] =	ssyncset.done @!p2 $0x0  }
.Ltmp21:
0x16d: {  	v12 =	vimm.s32 @!p3 $0x4000;
	[sflag:s4] =	ssyncadd.s32 @!p2 $0xFFFFE800;
	(pc) =	sbr.rel .LBB2_18-.Ltmp21, $4  }
0x16e: {  	[tilespmem:$0x1F100] =	vst @!p3 v12  }
0x16f: {  	[tilespmem:$0x1F110] =	vst @!p3 v12  }
0x170: {  	[tilespmem:$0x1F120] =	vst @!p3 v12  }
0x171: {  	[tilespmem:$0x1F130] =	vst @!p3 v12  }
.LBB2_21:
0x172: {  	p0 =	sne.s32 s10, $0x0  }
.Ltmp22:
0x173: {  	_ = 	snop;
	(pc) =	sbr.rel @!p0 .LBB2_22-.Ltmp22, $1  }
0x174: {  	_ =	sdelay $0x3  }
0x175: {  	s4 =	simm.s32 $0x1F180;
	s7 =	simm.s32 $0x1D900;
	p0 =	slt.s32 s8, $0x1  }
0x176: {  	[hbm4b:s5+s31] =	stream.indirect.scatter [tilespmem:s7], [sflag:$0xA], $0x80, s4, s31, $0xb8;
	[tilespmem:$0x1F200] =	vst v63  }
.Ltmp23:
0x177: {  	_ = 	snop;
	(pc) =	sbr.rel @!p0 .LBB2_24-.Ltmp23, $4  }
.Ltmp24:
0x178: {  	s30 =	simm.s32 $0xA;
	(pc) =	sbr.rel @p0 .LBB2_25-.Ltmp24, $4  }
0x179: {  	_ =	swait.ge [sflag:s30], $0x1800  }
0x17a: {  	[sflag:s30] =	ssyncset.done $0x0  }
0x17b: {  	s8 =	simm.s32 $0x9;
	[sflag:s30] =	ssyncadd.s32 $0xFFFFE800  }
0x17c: {  	_ = 	snop  }
.LBB2_26:
0x17d: {  	_ =	sfence.sel $0x180000  }
0x17e: {  	[bflag:$0x0] =	sbarrier.arrive $0xFFFF  }
0x17f: {  	_ =	strace $0x90000047  }
0x180: {  	s0 =	stileid.u32;
	[bflag:$0x2] =	sbarrier.arrive $0xFFFF  }
0x181: {  	p0 =	sne.s32 s0, $0x0;
	s0 =	rddreg [dreg:$0x3]  }
0x182: {  	s0 =	sadd.s32 @!p0 $0x100000, s0  }
0x183: {  	[sflag:s0] =	ssyncadd.tile.s32 @!p0 $0x1;
	_ =	shalt  }
.Lfunc_end2:
_tile_overlayer_lowered:
.L_overlay_start_2:
0x184: {  	(tag) =	ssettag $0x2  }
0x185: {  	s0 =	rddreg [dreg:$0x0];
	s2 =	stileid.u32  }
0x186: {  	s1 =	rddreg [dreg:$0x1];
	p0 =	sne.s32 s2, $0x0  }
0x187: {  	s3 =	rddreg [dreg:$0x2];
	[bflag:$0x3] =	sbarrier.arrive $0xFFFF;
	s2 =	simm.s32 @!p0 $0x1C0B  }
0x188: {  	[timem:s3], [sflag:s2] =	dma.local @!p0 [hbm:s0], s1  }
0x189: {  	s0 =	simm.s32 @!p0 $0xB  }
0x18a: {  	_ =	swait.ge @!p0 [sflag:s0], s1  }
0x18b: {  	s1 =	ssub.s32 @!p0 $0x0, s1;
	[sflag:s0] =	ssyncset.done @!p0 $0x0  }
0x18c: {  	[sflag:s0] =	ssyncadd.s32 @!p0 s1  }
0x18d: {  	[bflag:$0x3] =	sbarrier.arrive $0xFFFF  }
0x18e: {  	_ =	shalt  }

</sc_bundles>
